<compile_context>
chip_gen: v7x
topology: tpu7x:2x2x1
jax: 0.10.2.dev20260603
libtpu: 0.0.44.dev20260713+nightly
codegen_flags: <defaults>
</compile_context>

<pallas_src>
import functools

import jax
import jax.numpy as jnp
from jax import lax
from jax.experimental import pallas as pl
from jax.experimental.pallas import tpu as pltpu
from jax.experimental.pallas import tpu_sc as plsc

_EMB = 128
_NC, _NS, _L = 2, 16, 16
_NW = _NC * _NS
_CH = 400
_UNROLL = 8


def _combo_body(w0_ref, w1_ref, w2_ref, out_ref):
    out_ref[...] = jnp.zeros((64, _EMB), jnp.float32)
    for v in range(60):
        a, b, c = v // 12, (v // 2) % 6, v % 2
        out_ref[v : v + 1, :] = (
            w0_ref[a : a + 1, :] + w1_ref[b : b + 1, :] + w2_ref[c : c + 1, :]
        )


def _sc_body(combo_hbm, x0_hbm, x1_hbm, x2_hbm, out_hbm,
             combo_v, i0a, i1a, i2a, i0b, i1b, i2b, ca, cb, ra, rb,
             isems, osems, *, n_chunks, n_iter):
    idx_b = ((i0a, i1a, i2a), (i0b, i1b, i2b))
    cidx_b = (ca, cb)
    rows_b = (ra, rb)
    wid = lax.axis_index("s") * _NC + lax.axis_index("c")

    def chunk_id(m):
        return wid + _NW * m

    def valid(m):
        return chunk_id(m) < n_chunks

    def idx_copies(m, p):
        base = chunk_id(m) * _CH
        return [
            pltpu.make_async_copy(
                x_hbm.at[pl.ds(base, _CH)], dst, isems[p])
            for dst, x_hbm in zip(idx_b[p], (x0_hbm, x1_hbm, x2_hbm))
        ]

    def out_copy(m, p):
        base = chunk_id(m) * _CH * _EMB
        return pltpu.make_async_copy(
            rows_b[p], out_hbm.at[pl.ds(base, _CH * _EMB)], osems[p])

    pltpu.sync_copy(combo_hbm, combo_v)
    iotas = [lax.iota(jnp.int32, _L) + _L * jj for jj in range(_EMB // _L)]

    def half(m, p):
        @pl.when(valid(m))
        def _():
            for cp in idx_copies(m, p):
                cp.wait()
            i0v, i1v, i2v = idx_b[p]
            for grp in range(_CH // _L):
                sl = pl.ds(_L * grp, _L)
                c = (i0v[sl] * 6 + i1v[sl]) * 2 + i2v[sl]
                cidx_b[p][sl] = c * _EMB

            @pl.when(valid(m + 1))
            def _():
                for cp in idx_copies(m + 1, 1 - p):
                    cp.start()

            @pl.when(m >= 2)
            def _():
                out_copy(m - 2, p).wait()

            @plsc.parallel_loop(0, _CH, 1, unroll=_UNROLL)
            def _(e):
                cbase = plsc.load_gather(
                    cidx_b[p], [jnp.full((_L,), 0, jnp.int32) + e])
                for jj in range(_EMB // _L):
                    val = plsc.load_gather(combo_v, [cbase + iotas[jj]])
                    rows_b[p][pl.ds(e * _EMB + _L * jj, _L)] = val

            out_copy(m, p).start()

    @pl.when(valid(0))
    def _():
        for cp in idx_copies(0, 0):
            cp.start()

    def body(t, carry):
        half(2 * t, 0)
        half(2 * t + 1, 1)
        return carry

    lax.fori_loop(0, n_iter, body, 0)

    for p in range(2):
        @pl.when(valid(p))
        def _(p=p):
            out_copy(p, p).wait()


def kernel(inputs, W0, W1, W2):
    E = inputs.shape[0]
    assert E % _CH == 0
    n_chunks = E // _CH
    max_m = -(-n_chunks // _NW)
    n_iter = -(-max_m // 2)
    combo = pl.pallas_call(
        _combo_body,
        out_shape=jax.ShapeDtypeStruct((64, _EMB), jnp.float32),
    )(W0, W1, W2)
    combo_flat = combo.reshape(-1)
    xt = inputs.T
    x0, x1, x2 = xt[0], xt[1], xt[2]

    sc = pl.kernel(
        functools.partial(_sc_body, n_chunks=n_chunks, n_iter=n_iter),
        out_type=jax.ShapeDtypeStruct((E * _EMB,), jnp.float32),
        mesh=plsc.VectorSubcoreMesh(
            core_axis_name="c", subcore_axis_name="s",
            num_cores=_NC, num_subcores=_NS,
        ),
        compiler_params=pltpu.CompilerParams(needs_layout_passes=False),
        scratch_types=[
            pltpu.VMEM((64 * _EMB,), jnp.float32),
            pltpu.VMEM((_CH,), jnp.int32),
            pltpu.VMEM((_CH,), jnp.int32),
            pltpu.VMEM((_CH,), jnp.int32),
            pltpu.VMEM((_CH,), jnp.int32),
            pltpu.VMEM((_CH,), jnp.int32),
            pltpu.VMEM((_CH,), jnp.int32),
            pltpu.VMEM((_CH,), jnp.int32),
            pltpu.VMEM((_CH,), jnp.int32),
            pltpu.VMEM((_CH * _EMB,), jnp.float32),
            pltpu.VMEM((_CH * _EMB,), jnp.float32),
            [pltpu.SemaphoreType.DMA] * 2,
            [pltpu.SemaphoreType.DMA] * 2,
        ],
    )
    out_flat = sc(combo_flat, x0, x1, x2)
    return out_flat.reshape(E, _EMB)

# --- scband reference (transcript-rebuilt; emitter-appended) ---
"""Pipeline reference for scband-bond-encoder-23450521436286 (READ-ONLY COPY).

The authoritative reference and input builder live on the scoring server;
editing this copy changes nothing except your own understanding.
"""

import jax, jax.numpy as jnp
import numpy as np

BOND_FEATURE_DIMS = [5, 6, 2]  # OGB get_bond_feature_dims()
EMB_DIM = 128
NUM_EDGES = 320000


def setup_inputs(seed: int = 0) -> dict:
    key = jax.random.key(seed)
    k_inp, k0, k1, k2 = jax.random.split(key, 4)
    inputs = jax.random.randint(k_inp, (NUM_EDGES, 3), 0, 2, dtype=jnp.int32)
    W0 = jax.random.normal(k0, (BOND_FEATURE_DIMS[0], EMB_DIM), dtype=jnp.float32) * 0.05
    W1 = jax.random.normal(k1, (BOND_FEATURE_DIMS[1], EMB_DIM), dtype=jnp.float32) * 0.05
    W2 = jax.random.normal(k2, (BOND_FEATURE_DIMS[2], EMB_DIM), dtype=jnp.float32) * 0.05
    return {"inputs": inputs, "W0": W0, "W1": W1, "W2": W2}


def reference(inputs, W0, W1, W2):
    # Faithful to BondEncoder.call: sum of per-column embedding lookups.
    x_embedding = jnp.zeros((inputs.shape[0], EMB_DIM), dtype=jnp.float32)
    x_embedding = x_embedding + jnp.take(W0, inputs[:, 0], axis=0)
    x_embedding = x_embedding + jnp.take(W1, inputs[:, 1], axis=0)
    x_embedding = x_embedding + jnp.take(W2, inputs[:, 2], axis=0)
    return x_embedding

if __name__ == "__main__":
    import jax
    _d = setup_inputs()
    print(jax.jit(kernel)(*tuple(_d.values())))

</pallas_src>

<mosaic_0001>
#map = affine_map<(d0, d1) -> (0)>
module attributes {stable_mosaic.version = 14 : i64} {
  func.func @_sc_body(%arg0: i32, %arg1: i32, %arg2: memref<8192xf32, #tpu.memory_space<hbm>>, %arg3: memref<320000xi32, #tpu.memory_space<hbm>>, %arg4: memref<320000xi32, #tpu.memory_space<hbm>>, %arg5: memref<320000xi32, #tpu.memory_space<hbm>>, %arg6: memref<40960000xf32, #tpu.memory_space<hbm>>, %arg7: memref<8192xf32, #tpu.memory_space<vmem>>, %arg8: memref<400xi32, #tpu.memory_space<vmem>>, %arg9: memref<400xi32, #tpu.memory_space<vmem>>, %arg10: memref<400xi32, #tpu.memory_space<vmem>>, %arg11: memref<400xi32, #tpu.memory_space<vmem>>, %arg12: memref<400xi32, #tpu.memory_space<vmem>>, %arg13: memref<400xi32, #tpu.memory_space<vmem>>, %arg14: memref<400xi32, #tpu.memory_space<vmem>>, %arg15: memref<400xi32, #tpu.memory_space<vmem>>, %arg16: memref<51200xf32, #tpu.memory_space<vmem>>, %arg17: memref<51200xf32, #tpu.memory_space<vmem>>, %arg18: memref<!tpu.dma_semaphore, #tpu.memory_space<semaphore_mem>>, %arg19: memref<!tpu.dma_semaphore, #tpu.memory_space<semaphore_mem>>, %arg20: memref<!tpu.dma_semaphore, #tpu.memory_space<semaphore_mem>>, %arg21: memref<!tpu.dma_semaphore, #tpu.memory_space<semaphore_mem>>) attributes {dimension_semantics = [#tpu.dimension_semantics<core_parallel>, #tpu.dimension_semantics<subcore_parallel>], iteration_bounds = array<i64: 2, 16>, scalar_prefetch = 0 : i64, scratch_operands = 15 : i64, tpu.core_type = #tpu.core_type<sc_vector_subcore>, window_params = [{transform_indices = #map}, {transform_indices = #map}, {transform_indices = #map}, {transform_indices = #map}, {transform_indices = #map}]} {
    %mul3A = arith.constant 2 : i32
    %mul3A_0 = arith.muli %arg1, %mul3A : i32
    %add3A = arith.addi %mul3A_0, %arg0 : i32
    "tpu.region"() ({
      %run_scoped3A = tpu.sem_alloc : memref<!tpu.dma_semaphore, #tpu.memory_space<semaphore_mem>>
      tpu.enqueue_dma source(%arg2 : memref<8192xf32, #tpu.memory_space<hbm>>) target(%arg7 : memref<8192xf32, #tpu.memory_space<vmem>>) target_semaphore(%run_scoped3A : memref<!tpu.dma_semaphore, #tpu.memory_space<semaphore_mem>>)
      tpu.wait_dma2 semaphore(%run_scoped3A : memref<!tpu.dma_semaphore, #tpu.memory_space<semaphore_mem>>) src(%arg2 : memref<8192xf32, #tpu.memory_space<hbm>>) dst(%arg7 : memref<8192xf32, #tpu.memory_space<vmem>>)
      tpu.yield
    }) : () -> ()
    %iota3A = tpu.iota {dimensions = array<i32: 0>} : vector<16xi32>
    %add3A_1 = arith.constant 0 : i32
    %add3A_2 = vector.broadcast %add3A_1 : i32 to vector<16xi32>
    %add3A_3 = arith.addi %iota3A, %add3A_2 : vector<16xi32>
    %iota3A_4 = tpu.iota {dimensions = array<i32: 0>} : vector<16xi32>
    %add3A_5 = arith.constant 16 : i32
    %add3A_6 = vector.broadcast %add3A_5 : i32 to vector<16xi32>
    %add3A_7 = arith.addi %iota3A_4, %add3A_6 : vector<16xi32>
    %iota3A_8 = tpu.iota {dimensions = array<i32: 0>} : vector<16xi32>
    %add3A_9 = arith.constant 32 : i32
    %add3A_10 = vector.broadcast %add3A_9 : i32 to vector<16xi32>
    %add3A_11 = arith.addi %iota3A_8, %add3A_10 : vector<16xi32>
    %iota3A_12 = tpu.iota {dimensions = array<i32: 0>} : vector<16xi32>
    %add3A_13 = arith.constant 48 : i32
    %add3A_14 = vector.broadcast %add3A_13 : i32 to vector<16xi32>
    %add3A_15 = arith.addi %iota3A_12, %add3A_14 : vector<16xi32>
    %iota3A_16 = tpu.iota {dimensions = array<i32: 0>} : vector<16xi32>
    %add3A_17 = arith.constant 64 : i32
    %add3A_18 = vector.broadcast %add3A_17 : i32 to vector<16xi32>
    %add3A_19 = arith.addi %iota3A_16, %add3A_18 : vector<16xi32>
    %iota3A_20 = tpu.iota {dimensions = array<i32: 0>} : vector<16xi32>
    %add3A_21 = arith.constant 80 : i32
    %add3A_22 = vector.broadcast %add3A_21 : i32 to vector<16xi32>
    %add3A_23 = arith.addi %iota3A_20, %add3A_22 : vector<16xi32>
    %iota3A_24 = tpu.iota {dimensions = array<i32: 0>} : vector<16xi32>
    %add3A_25 = arith.constant 96 : i32
    %add3A_26 = vector.broadcast %add3A_25 : i32 to vector<16xi32>
    %add3A_27 = arith.addi %iota3A_24, %add3A_26 : vector<16xi32>
    %iota3A_28 = tpu.iota {dimensions = array<i32: 0>} : vector<16xi32>
    %add3A_29 = arith.constant 112 : i32
    %add3A_30 = vector.broadcast %add3A_29 : i32 to vector<16xi32>
    %add3A_31 = arith.addi %iota3A_28, %add3A_30 : vector<16xi32>
    %add3A_32 = arith.constant 0 : i32
    %add3A_33 = arith.addi %add3A, %add3A_32 : i32
    %lt3A = arith.constant 800 : i32
    %lt3A_34 = arith.cmpi slt, %add3A_33, %lt3A : i32
    %convert_element_type3A = arith.extui %lt3A_34 : i1 to i32
    %cond3A = arith.constant 0 : i32
    %cond3A_35 = arith.cmpi ne, %convert_element_type3A, %cond3A : i32
    scf.if %cond3A_35 {
      %add3A_55 = arith.constant 0 : i32
      %add3A_56 = arith.addi %add3A, %add3A_55 : i32
      %mul3A_57 = arith.constant 400 : i32
      %mul3A_58 = arith.muli %add3A_56, %mul3A_57 : i32
      %dma_start3A = tpu.memref_slice %arg3[%mul3A_58] : memref<320000xi32, #tpu.memory_space<hbm>> -> memref<400xi32, #tpu.memory_space<hbm>>
      %dma_start3A_59 = tpu.memref_slice %arg3[%mul3A_58] : memref<320000xi32, #tpu.memory_space<hbm>> -> memref<400xi32, #tpu.memory_space<hbm>>
      tpu.enqueue_dma source(%dma_start3A_59 : memref<400xi32, #tpu.memory_space<hbm>>) target(%arg8 : memref<400xi32, #tpu.memory_space<vmem>>) target_semaphore(%arg18 : memref<!tpu.dma_semaphore, #tpu.memory_space<semaphore_mem>>)
      %dma_start3A_60 = tpu.memref_slice %arg4[%mul3A_58] : memref<320000xi32, #tpu.memory_space<hbm>> -> memref<400xi32, #tpu.memory_space<hbm>>
      %dma_start3A_61 = tpu.memref_slice %arg4[%mul3A_58] : memref<320000xi32, #tpu.memory_space<hbm>> -> memref<400xi32, #tpu.memory_space<hbm>>
      tpu.enqueue_dma source(%dma_start3A_61 : memref<400xi32, #tpu.memory_space<hbm>>) target(%arg9 : memref<400xi32, #tpu.memory_space<vmem>>) target_semaphore(%arg18 : memref<!tpu.dma_semaphore, #tpu.memory_space<semaphore_mem>>)
      %dma_start3A_62 = tpu.memref_slice %arg5[%mul3A_58] : memref<320000xi32, #tpu.memory_space<hbm>> -> memref<400xi32, #tpu.memory_space<hbm>>
      %dma_start3A_63 = tpu.memref_slice %arg5[%mul3A_58] : memref<320000xi32, #tpu.memory_space<hbm>> -> memref<400xi32, #tpu.memory_space<hbm>>
      tpu.enqueue_dma source(%dma_start3A_63 : memref<400xi32, #tpu.memory_space<hbm>>) target(%arg10 : memref<400xi32, #tpu.memory_space<vmem>>) target_semaphore(%arg18 : memref<!tpu.dma_semaphore, #tpu.memory_space<semaphore_mem>>)
    } else {
    }
    %scan3A = arith.constant 0 : i32
    %scan3A_36 = arith.constant 0 : i32
    %scan3A_37 = arith.constant 13 : i32
    %scan3A_38 = arith.addi %scan3A_36, %scan3A_37 : i32
    %scan3A_39 = arith.constant 1 : i32
    scf.for %scan3A_55 = %scan3A_36 to %scan3A_38 step %scan3A_39  : i32 {
      %mul3A_56 = arith.constant 2 : i32
      %mul3A_57 = arith.muli %mul3A_56, %scan3A_55 : i32
      %mul3A_58 = arith.constant 32 : i32
      %mul3A_59 = arith.muli %mul3A_58, %mul3A_57 : i32
      %add3A_60 = arith.addi %add3A, %mul3A_59 : i32
      %lt3A_61 = arith.constant 800 : i32
      %lt3A_62 = arith.cmpi slt, %add3A_60, %lt3A_61 : i32
      %convert_element_type3A_63 = arith.extui %lt3A_62 : i1 to i32
      %cond3A_64 = arith.constant 0 : i32
      %cond3A_65 = arith.cmpi ne, %convert_element_type3A_63, %cond3A_64 : i32
      scf.if %cond3A_65 {
        %mul3A_78 = arith.constant 32 : i32
        %mul3A_79 = arith.muli %mul3A_78, %mul3A_57 : i32
        %add3A_80 = arith.addi %add3A, %mul3A_79 : i32
        %mul3A_81 = arith.constant 400 : i32
        %mul3A_82 = arith.muli %add3A_80, %mul3A_81 : i32
        %dma_wait3A = tpu.memref_slice %arg3[%mul3A_82] : memref<320000xi32, #tpu.memory_space<hbm>> -> memref<400xi32, #tpu.memory_space<hbm>>
        %dma_wait3A_83 = tpu.memref_slice %arg3[%mul3A_82] : memref<320000xi32, #tpu.memory_space<hbm>> -> memref<400xi32, #tpu.memory_space<hbm>>
        tpu.wait_dma2 semaphore(%arg18 : memref<!tpu.dma_semaphore, #tpu.memory_space<semaphore_mem>>) src(%dma_wait3A_83 : memref<400xi32, #tpu.memory_space<hbm>>) dst(%arg8 : memref<400xi32, #tpu.memory_space<vmem>>)
        %dma_wait3A_84 = tpu.memref_slice %arg4[%mul3A_82] : memref<320000xi32, #tpu.memory_space<hbm>> -> memref<400xi32, #tpu.memory_space<hbm>>
        %dma_wait3A_85 = tpu.memref_slice %arg4[%mul3A_82] : memref<320000xi32, #tpu.memory_space<hbm>> -> memref<400xi32, #tpu.memory_space<hbm>>
        tpu.wait_dma2 semaphore(%arg18 : memref<!tpu.dma_semaphore, #tpu.memory_space<semaphore_mem>>) src(%dma_wait3A_85 : memref<400xi32, #tpu.memory_space<hbm>>) dst(%arg9 : memref<400xi32, #tpu.memory_space<vmem>>)
        %dma_wait3A_86 = tpu.memref_slice %arg5[%mul3A_82] : memref<320000xi32, #tpu.memory_space<hbm>> -> memref<400xi32, #tpu.memory_space<hbm>>
        %dma_wait3A_87 = tpu.memref_slice %arg5[%mul3A_82] : memref<320000xi32, #tpu.memory_space<hbm>> -> memref<400xi32, #tpu.memory_space<hbm>>
        tpu.wait_dma2 semaphore(%arg18 : memref<!tpu.dma_semaphore, #tpu.memory_space<semaphore_mem>>) src(%dma_wait3A_87 : memref<400xi32, #tpu.memory_space<hbm>>) dst(%arg10 : memref<400xi32, #tpu.memory_space<vmem>>)
        %get3A = arith.constant 0 : index
        %get3A_88 = tpu.vector_load %arg8[%get3A] {strides = array<i32>} : memref<400xi32, #tpu.memory_space<vmem>>, vector<16xi32>,
        %mul3A_89 = arith.constant 6 : i32
        %mul3A_90 = vector.broadcast %mul3A_89 : i32 to vector<16xi32>
        %mul3A_91 = arith.muli %get3A_88, %mul3A_90 : vector<16xi32>
        %get3A_92 = arith.constant 0 : index
        %get3A_93 = tpu.vector_load %arg9[%get3A_92] {strides = array<i32>} : memref<400xi32, #tpu.memory_space<vmem>>, vector<16xi32>,
        %add3A_94 = arith.addi %mul3A_91, %get3A_93 : vector<16xi32>
        %mul3A_95 = arith.constant 2 : i32
        %mul3A_96 = vector.broadcast %mul3A_95 : i32 to vector<16xi32>
        %mul3A_97 = arith.muli %add3A_94, %mul3A_96 : vector<16xi32>
        %get3A_98 = arith.constant 0 : index
        %get3A_99 = tpu.vector_load %arg10[%get3A_98] {strides = array<i32>} : memref<400xi32, #tpu.memory_space<vmem>>, vector<16xi32>,
        %add3A_100 = arith.addi %mul3A_97, %get3A_99 : vector<16xi32>
        %mul3A_101 = arith.constant 128 : i32
        %mul3A_102 = vector.broadcast %mul3A_101 : i32 to vector<16xi32>
        %mul3A_103 = arith.muli %add3A_100, %mul3A_102 : vector<16xi32>
        %swap3A = arith.constant 0 : index
        %swap3A_104 = tpu.vector_load %arg14[%swap3A] {strides = array<i32>} : memref<400xi32, #tpu.memory_space<vmem>>, vector<16xi32>,
        tpu.vector_store %arg14[%swap3A], %mul3A_103 {strides = array<i32>} : memref<400xi32, #tpu.memory_space<vmem>>, vector<16xi32>,
        %get3A_105 = arith.constant 16 : index
        %get3A_106 = tpu.vector_load %arg8[%get3A_105] {strides = array<i32>} : memref<400xi32, #tpu.memory_space<vmem>>, vector<16xi32>,
        %mul3A_107 = arith.constant 6 : i32
        %mul3A_108 = vector.broadcast %mul3A_107 : i32 to vector<16xi32>
        %mul3A_109 = arith.muli %get3A_106, %mul3A_108 : vector<16xi32>
        %get3A_110 = arith.constant 16 : index
        %get3A_111 = tpu.vector_load %arg9[%get3A_110] {strides = array<i32>} : memref<400xi32, #tpu.memory_space<vmem>>, vector<16xi32>,
        %add3A_112 = arith.addi %mul3A_109, %get3A_111 : vector<16xi32>
        %mul3A_113 = arith.constant 2 : i32
        %mul3A_114 = vector.broadcast %mul3A_113 : i32 to vector<16xi32>
        %mul3A_115 = arith.muli %add3A_112, %mul3A_114 : vector<16xi32>
        %get3A_116 = arith.constant 16 : index
        %get3A_117 = tpu.vector_load %arg10[%get3A_116] {strides = array<i32>} : memref<400xi32, #tpu.memory_space<vmem>>, vector<16xi32>,
        %add3A_118 = arith.addi %mul3A_115, %get3A_117 : vector<16xi32>
        %mul3A_119 = arith.constant 128 : i32
        %mul3A_120 = vector.broadcast %mul3A_119 : i32 to vector<16xi32>
        %mul3A_121 = arith.muli %add3A_118, %mul3A_120 : vector<16xi32>
        %swap3A_122 = arith.constant 16 : index
        %swap3A_123 = tpu.vector_load %arg14[%swap3A_122] {strides = array<i32>} : memref<400xi32, #tpu.memory_space<vmem>>, vector<16xi32>,
        tpu.vector_store %arg14[%swap3A_122], %mul3A_121 {strides = array<i32>} : memref<400xi32, #tpu.memory_space<vmem>>, vector<16xi32>,
        %get3A_124 = arith.constant 32 : index
        %get3A_125 = tpu.vector_load %arg8[%get3A_124] {strides = array<i32>} : memref<400xi32, #tpu.memory_space<vmem>>, vector<16xi32>,
        %mul3A_126 = arith.constant 6 : i32
        %mul3A_127 = vector.broadcast %mul3A_126 : i32 to vector<16xi32>
        %mul3A_128 = arith.muli %get3A_125, %mul3A_127 : vector<16xi32>
        %get3A_129 = arith.constant 32 : index
        %get3A_130 = tpu.vector_load %arg9[%get3A_129] {strides = array<i32>} : memref<400xi32, #tpu.memory_space<vmem>>, vector<16xi32>,
        %add3A_131 = arith.addi %mul3A_128, %get3A_130 : vector<16xi32>
        %mul3A_132 = arith.constant 2 : i32
        %mul3A_133 = vector.broadcast %mul3A_132 : i32 to vector<16xi32>
        %mul3A_134 = arith.muli %add3A_131, %mul3A_133 : vector<16xi32>
        %get3A_135 = arith.constant 32 : index
        %get3A_136 = tpu.vector_load %arg10[%get3A_135] {strides = array<i32>} : memref<400xi32, #tpu.memory_space<vmem>>, vector<16xi32>,
        %add3A_137 = arith.addi %mul3A_134, %get3A_136 : vector<16xi32>
        %mul3A_138 = arith.constant 128 : i32
        %mul3A_139 = vector.broadcast %mul3A_138 : i32 to vector<16xi32>
        %mul3A_140 = arith.muli %add3A_137, %mul3A_139 : vector<16xi32>
        %swap3A_141 = arith.constant 32 : index
        %swap3A_142 = tpu.vector_load %arg14[%swap3A_141] {strides = array<i32>} : memref<400xi32, #tpu.memory_space<vmem>>, vector<16xi32>,
        tpu.vector_store %arg14[%swap3A_141], %mul3A_140 {strides = array<i32>} : memref<400xi32, #tpu.memory_space<vmem>>, vector<16xi32>,
        %get3A_143 = arith.constant 48 : index
        %get3A_144 = tpu.vector_load %arg8[%get3A_143] {strides = array<i32>} : memref<400xi32, #tpu.memory_space<vmem>>, vector<16xi32>,
        %mul3A_145 = arith.constant 6 : i32
        %mul3A_146 = vector.broadcast %mul3A_145 : i32 to vector<16xi32>
        %mul3A_147 = arith.muli %get3A_144, %mul3A_146 : vector<16xi32>
        %get3A_148 = arith.constant 48 : index
        %get3A_149 = tpu.vector_load %arg9[%get3A_148] {strides = array<i32>} : memref<400xi32, #tpu.memory_space<vmem>>, vector<16xi32>,
        %add3A_150 = arith.addi %mul3A_147, %get3A_149 : vector<16xi32>
        %mul3A_151 = arith.constant 2 : i32
        %mul3A_152 = vector.broadcast %mul3A_151 : i32 to vector<16xi32>
        %mul3A_153 = arith.muli %add3A_150, %mul3A_152 : vector<16xi32>
        %get3A_154 = arith.constant 48 : index
        %get3A_155 = tpu.vector_load %arg10[%get3A_154] {strides = array<i32>} : memref<400xi32, #tpu.memory_space<vmem>>, vector<16xi32>,
        %add3A_156 = arith.addi %mul3A_153, %get3A_155 : vector<16xi32>
        %mul3A_157 = arith.constant 128 : i32
        %mul3A_158 = vector.broadcast %mul3A_157 : i32 to vector<16xi32>
        %mul3A_159 = arith.muli %add3A_156, %mul3A_158 : vector<16xi32>
        %swap3A_160 = arith.constant 48 : index
        %swap3A_161 = tpu.vector_load %arg14[%swap3A_160] {strides = array<i32>} : memref<400xi32, #tpu.memory_space<vmem>>, vector<16xi32>,
        tpu.vector_store %arg14[%swap3A_160], %mul3A_159 {strides = array<i32>} : memref<400xi32, #tpu.memory_space<vmem>>, vector<16xi32>,
        %get3A_162 = arith.constant 64 : index
        %get3A_163 = tpu.vector_load %arg8[%get3A_162] {strides = array<i32>} : memref<400xi32, #tpu.memory_space<vmem>>, vector<16xi32>,
        %mul3A_164 = arith.constant 6 : i32
        %mul3A_165 = vector.broadcast %mul3A_164 : i32 to vector<16xi32>
        %mul3A_166 = arith.muli %get3A_163, %mul3A_165 : vector<16xi32>
        %get3A_167 = arith.constant 64 : index
        %get3A_168 = tpu.vector_load %arg9[%get3A_167] {strides = array<i32>} : memref<400xi32, #tpu.memory_space<vmem>>, vector<16xi32>,
        %add3A_169 = arith.addi %mul3A_166, %get3A_168 : vector<16xi32>
        %mul3A_170 = arith.constant 2 : i32
        %mul3A_171 = vector.broadcast %mul3A_170 : i32 to vector<16xi32>
        %mul3A_172 = arith.muli %add3A_169, %mul3A_171 : vector<16xi32>
        %get3A_173 = arith.constant 64 : index
        %get3A_174 = tpu.vector_load %arg10[%get3A_173] {strides = array<i32>} : memref<400xi32, #tpu.memory_space<vmem>>, vector<16xi32>,
        %add3A_175 = arith.addi %mul3A_172, %get3A_174 : vector<16xi32>
        %mul3A_176 = arith.constant 128 : i32
        %mul3A_177 = vector.broadcast %mul3A_176 : i32 to vector<16xi32>
        %mul3A_178 = arith.muli %add3A_175, %mul3A_177 : vector<16xi32>
        %swap3A_179 = arith.constant 64 : index
        %swap3A_180 = tpu.vector_load %arg14[%swap3A_179] {strides = array<i32>} : memref<400xi32, #tpu.memory_space<vmem>>, vector<16xi32>,
        tpu.vector_store %arg14[%swap3A_179], %mul3A_178 {strides = array<i32>} : memref<400xi32, #tpu.memory_space<vmem>>, vector<16xi32>,
        %get3A_181 = arith.constant 80 : index
        %get3A_182 = tpu.vector_load %arg8[%get3A_181] {strides = array<i32>} : memref<400xi32, #tpu.memory_space<vmem>>, vector<16xi32>,
        %mul3A_183 = arith.constant 6 : i32
        %mul3A_184 = vector.broadcast %mul3A_183 : i32 to vector<16xi32>
        %mul3A_185 = arith.muli %get3A_182, %mul3A_184 : vector<16xi32>
        %get3A_186 = arith.constant 80 : index
        %get3A_187 = tpu.vector_load %arg9[%get3A_186] {strides = array<i32>} : memref<400xi32, #tpu.memory_space<vmem>>, vector<16xi32>,
        %add3A_188 = arith.addi %mul3A_185, %get3A_187 : vector<16xi32>
        %mul3A_189 = arith.constant 2 : i32
        %mul3A_190 = vector.broadcast %mul3A_189 : i32 to vector<16xi32>
        %mul3A_191 = arith.muli %add3A_188, %mul3A_190 : vector<16xi32>
        %get3A_192 = arith.constant 80 : index
        %get3A_193 = tpu.vector_load %arg10[%get3A_192] {strides = array<i32>} : memref<400xi32, #tpu.memory_space<vmem>>, vector<16xi32>,
        %add3A_194 = arith.addi %mul3A_191, %get3A_193 : vector<16xi32>
        %mul3A_195 = arith.constant 128 : i32
        %mul3A_196 = vector.broadcast %mul3A_195 : i32 to vector<16xi32>
        %mul3A_197 = arith.muli %add3A_194, %mul3A_196 : vector<16xi32>
        %swap3A_198 = arith.constant 80 : index
        %swap3A_199 = tpu.vector_load %arg14[%swap3A_198] {strides = array<i32>} : memref<400xi32, #tpu.memory_space<vmem>>, vector<16xi32>,
        tpu.vector_store %arg14[%swap3A_198], %mul3A_197 {strides = array<i32>} : memref<400xi32, #tpu.memory_space<vmem>>, vector<16xi32>,
        %get3A_200 = arith.constant 96 : index
        %get3A_201 = tpu.vector_load %arg8[%get3A_200] {strides = array<i32>} : memref<400xi32, #tpu.memory_space<vmem>>, vector<16xi32>,
        %mul3A_202 = arith.constant 6 : i32
        %mul3A_203 = vector.broadcast %mul3A_202 : i32 to vector<16xi32>
        %mul3A_204 = arith.muli %get3A_201, %mul3A_203 : vector<16xi32>
        %get3A_205 = arith.constant 96 : index
        %get3A_206 = tpu.vector_load %arg9[%get3A_205] {strides = array<i32>} : memref<400xi32, #tpu.memory_space<vmem>>, vector<16xi32>,
        %add3A_207 = arith.addi %mul3A_204, %get3A_206 : vector<16xi32>
        %mul3A_208 = arith.constant 2 : i32
        %mul3A_209 = vector.broadcast %mul3A_208 : i32 to vector<16xi32>
        %mul3A_210 = arith.muli %add3A_207, %mul3A_209 : vector<16xi32>
        %get3A_211 = arith.constant 96 : index
        %get3A_212 = tpu.vector_load %arg10[%get3A_211] {strides = array<i32>} : memref<400xi32, #tpu.memory_space<vmem>>, vector<16xi32>,
        %add3A_213 = arith.addi %mul3A_210, %get3A_212 : vector<16xi32>
        %mul3A_214 = arith.constant 128 : i32
        %mul3A_215 = vector.broadcast %mul3A_214 : i32 to vector<16xi32>
        %mul3A_216 = arith.muli %add3A_213, %mul3A_215 : vector<16xi32>
        %swap3A_217 = arith.constant 96 : index
        %swap3A_218 = tpu.vector_load %arg14[%swap3A_217] {strides = array<i32>} : memref<400xi32, #tpu.memory_space<vmem>>, vector<16xi32>,
        tpu.vector_store %arg14[%swap3A_217], %mul3A_216 {strides = array<i32>} : memref<400xi32, #tpu.memory_space<vmem>>, vector<16xi32>,
        %get3A_219 = arith.constant 112 : index
        %get3A_220 = tpu.vector_load %arg8[%get3A_219] {strides = array<i32>} : memref<400xi32, #tpu.memory_space<vmem>>, vector<16xi32>,
        %mul3A_221 = arith.constant 6 : i32
        %mul3A_222 = vector.broadcast %mul3A_221 : i32 to vector<16xi32>
        %mul3A_223 = arith.muli %get3A_220, %mul3A_222 : vector<16xi32>
        %get3A_224 = arith.constant 112 : index
        %get3A_225 = tpu.vector_load %arg9[%get3A_224] {strides = array<i32>} : memref<400xi32, #tpu.memory_space<vmem>>, vector<16xi32>,
        %add3A_226 = arith.addi %mul3A_223, %get3A_225 : vector<16xi32>
        %mul3A_227 = arith.constant 2 : i32
        %mul3A_228 = vector.broadcast %mul3A_227 : i32 to vector<16xi32>
        %mul3A_229 = arith.muli %add3A_226, %mul3A_228 : vector<16xi32>
        %get3A_230 = arith.constant 112 : index
        %get3A_231 = tpu.vector_load %arg10[%get3A_230] {strides = array<i32>} : memref<400xi32, #tpu.memory_space<vmem>>, vector<16xi32>,
        %add3A_232 = arith.addi %mul3A_229, %get3A_231 : vector<16xi32>
        %mul3A_233 = arith.constant 128 : i32
        %mul3A_234 = vector.broadcast %mul3A_233 : i32 to vector<16xi32>
        %mul3A_235 = arith.muli %add3A_232, %mul3A_234 : vector<16xi32>
        %swap3A_236 = arith.constant 112 : index
        %swap3A_237 = tpu.vector_load %arg14[%swap3A_236] {strides = array<i32>} : memref<400xi32, #tpu.memory_space<vmem>>, vector<16xi32>,
        tpu.vector_store %arg14[%swap3A_236], %mul3A_235 {strides = array<i32>} : memref<400xi32, #tpu.memory_space<vmem>>, vector<16xi32>,
        %get3A_238 = arith.constant 128 : index
        %get3A_239 = tpu.vector_load %arg8[%get3A_238] {strides = array<i32>} : memref<400xi32, #tpu.memory_space<vmem>>, vector<16xi32>,
        %mul3A_240 = arith.constant 6 : i32
        %mul3A_241 = vector.broadcast %mul3A_240 : i32 to vector<16xi32>
        %mul3A_242 = arith.muli %get3A_239, %mul3A_241 : vector<16xi32>
        %get3A_243 = arith.constant 128 : index
        %get3A_244 = tpu.vector_load %arg9[%get3A_243] {strides = array<i32>} : memref<400xi32, #tpu.memory_space<vmem>>, vector<16xi32>,
        %add3A_245 = arith.addi %mul3A_242, %get3A_244 : vector<16xi32>
        %mul3A_246 = arith.constant 2 : i32
        %mul3A_247 = vector.broadcast %mul3A_246 : i32 to vector<16xi32>
        %mul3A_248 = arith.muli %add3A_245, %mul3A_247 : vector<16xi32>
        %get3A_249 = arith.constant 128 : index
        %get3A_250 = tpu.vector_load %arg10[%get3A_249] {strides = array<i32>} : memref<400xi32, #tpu.memory_space<vmem>>, vector<16xi32>,
        %add3A_251 = arith.addi %mul3A_248, %get3A_250 : vector<16xi32>
        %mul3A_252 = arith.constant 128 : i32
        %mul3A_253 = vector.broadcast %mul3A_252 : i32 to vector<16xi32>
        %mul3A_254 = arith.muli %add3A_251, %mul3A_253 : vector<16xi32>
        %swap3A_255 = arith.constant 128 : index
        %swap3A_256 = tpu.vector_load %arg14[%swap3A_255] {strides = array<i32>} : memref<400xi32, #tpu.memory_space<vmem>>, vector<16xi32>,
        tpu.vector_store %arg14[%swap3A_255], %mul3A_254 {strides = array<i32>} : memref<400xi32, #tpu.memory_space<vmem>>, vector<16xi32>,
        %get3A_257 = arith.constant 144 : index
        %get3A_258 = tpu.vector_load %arg8[%get3A_257] {strides = array<i32>} : memref<400xi32, #tpu.memory_space<vmem>>, vector<16xi32>,
        %mul3A_259 = arith.constant 6 : i32
        %mul3A_260 = vector.broadcast %mul3A_259 : i32 to vector<16xi32>
        %mul3A_261 = arith.muli %get3A_258, %mul3A_260 : vector<16xi32>
        %get3A_262 = arith.constant 144 : index
        %get3A_263 = tpu.vector_load %arg9[%get3A_262] {strides = array<i32>} : memref<400xi32, #tpu.memory_space<vmem>>, vector<16xi32>,
        %add3A_264 = arith.addi %mul3A_261, %get3A_263 : vector<16xi32>
        %mul3A_265 = arith.constant 2 : i32
        %mul3A_266 = vector.broadcast %mul3A_265 : i32 to vector<16xi32>
        %mul3A_267 = arith.muli %add3A_264, %mul3A_266 : vector<16xi32>
        %get3A_268 = arith.constant 144 : index
        %get3A_269 = tpu.vector_load %arg10[%get3A_268] {strides = array<i32>} : memref<400xi32, #tpu.memory_space<vmem>>, vector<16xi32>,
        %add3A_270 = arith.addi %mul3A_267, %get3A_269 : vector<16xi32>
        %mul3A_271 = arith.constant 128 : i32
        %mul3A_272 = vector.broadcast %mul3A_271 : i32 to vector<16xi32>
        %mul3A_273 = arith.muli %add3A_270, %mul3A_272 : vector<16xi32>
        %swap3A_274 = arith.constant 144 : index
        %swap3A_275 = tpu.vector_load %arg14[%swap3A_274] {strides = array<i32>} : memref<400xi32, #tpu.memory_space<vmem>>, vector<16xi32>,
        tpu.vector_store %arg14[%swap3A_274], %mul3A_273 {strides = array<i32>} : memref<400xi32, #tpu.memory_space<vmem>>, vector<16xi32>,
        %get3A_276 = arith.constant 160 : index
        %get3A_277 = tpu.vector_load %arg8[%get3A_276] {strides = array<i32>} : memref<400xi32, #tpu.memory_space<vmem>>, vector<16xi32>,
        %mul3A_278 = arith.constant 6 : i32
        %mul3A_279 = vector.broadcast %mul3A_278 : i32 to vector<16xi32>
        %mul3A_280 = arith.muli %get3A_277, %mul3A_279 : vector<16xi32>
        %get3A_281 = arith.constant 160 : index
        %get3A_282 = tpu.vector_load %arg9[%get3A_281] {strides = array<i32>} : memref<400xi32, #tpu.memory_space<vmem>>, vector<16xi32>,
        %add3A_283 = arith.addi %mul3A_280, %get3A_282 : vector<16xi32>
        %mul3A_284 = arith.constant 2 : i32
        %mul3A_285 = vector.broadcast %mul3A_284 : i32 to vector<16xi32>
        %mul3A_286 = arith.muli %add3A_283, %mul3A_285 : vector<16xi32>
        %get3A_287 = arith.constant 160 : index
        %get3A_288 = tpu.vector_load %arg10[%get3A_287] {strides = array<i32>} : memref<400xi32, #tpu.memory_space<vmem>>, vector<16xi32>,
        %add3A_289 = arith.addi %mul3A_286, %get3A_288 : vector<16xi32>
        %mul3A_290 = arith.constant 128 : i32
        %mul3A_291 = vector.broadcast %mul3A_290 : i32 to vector<16xi32>
        %mul3A_292 = arith.muli %add3A_289, %mul3A_291 : vector<16xi32>
        %swap3A_293 = arith.constant 160 : index
        %swap3A_294 = tpu.vector_load %arg14[%swap3A_293] {strides = array<i32>} : memref<400xi32, #tpu.memory_space<vmem>>, vector<16xi32>,
        tpu.vector_store %arg14[%swap3A_293], %mul3A_292 {strides = array<i32>} : memref<400xi32, #tpu.memory_space<vmem>>, vector<16xi32>,
        %get3A_295 = arith.constant 176 : index
        %get3A_296 = tpu.vector_load %arg8[%get3A_295] {strides = array<i32>} : memref<400xi32, #tpu.memory_space<vmem>>, vector<16xi32>,
        %mul3A_297 = arith.constant 6 : i32
        %mul3A_298 = vector.broadcast %mul3A_297 : i32 to vector<16xi32>
        %mul3A_299 = arith.muli %get3A_296, %mul3A_298 : vector<16xi32>
        %get3A_300 = arith.constant 176 : index
        %get3A_301 = tpu.vector_load %arg9[%get3A_300] {strides = array<i32>} : memref<400xi32, #tpu.memory_space<vmem>>, vector<16xi32>,
        %add3A_302 = arith.addi %mul3A_299, %get3A_301 : vector<16xi32>
        %mul3A_303 = arith.constant 2 : i32
        %mul3A_304 = vector.broadcast %mul3A_303 : i32 to vector<16xi32>
        %mul3A_305 = arith.muli %add3A_302, %mul3A_304 : vector<16xi32>
        %get3A_306 = arith.constant 176 : index
        %get3A_307 = tpu.vector_load %arg10[%get3A_306] {strides = array<i32>} : memref<400xi32, #tpu.memory_space<vmem>>, vector<16xi32>,
        %add3A_308 = arith.addi %mul3A_305, %get3A_307 : vector<16xi32>
        %mul3A_309 = arith.constant 128 : i32
        %mul3A_310 = vector.broadcast %mul3A_309 : i32 to vector<16xi32>
        %mul3A_311 = arith.muli %add3A_308, %mul3A_310 : vector<16xi32>
        %swap3A_312 = arith.constant 176 : index
        %swap3A_313 = tpu.vector_load %arg14[%swap3A_312] {strides = array<i32>} : memref<400xi32, #tpu.memory_space<vmem>>, vector<16xi32>,
        tpu.vector_store %arg14[%swap3A_312], %mul3A_311 {strides = array<i32>} : memref<400xi32, #tpu.memory_space<vmem>>, vector<16xi32>,
        %get3A_314 = arith.constant 192 : index
        %get3A_315 = tpu.vector_load %arg8[%get3A_314] {strides = array<i32>} : memref<400xi32, #tpu.memory_space<vmem>>, vector<16xi32>,
        %mul3A_316 = arith.constant 6 : i32
        %mul3A_317 = vector.broadcast %mul3A_316 : i32 to vector<16xi32>
        %mul3A_318 = arith.muli %get3A_315, %mul3A_317 : vector<16xi32>
        %get3A_319 = arith.constant 192 : index
        %get3A_320 = tpu.vector_load %arg9[%get3A_319] {strides = array<i32>} : memref<400xi32, #tpu.memory_space<vmem>>, vector<16xi32>,
        %add3A_321 = arith.addi %mul3A_318, %get3A_320 : vector<16xi32>
        %mul3A_322 = arith.constant 2 : i32
        %mul3A_323 = vector.broadcast %mul3A_322 : i32 to vector<16xi32>
        %mul3A_324 = arith.muli %add3A_321, %mul3A_323 : vector<16xi32>
        %get3A_325 = arith.constant 192 : index
        %get3A_326 = tpu.vector_load %arg10[%get3A_325] {strides = array<i32>} : memref<400xi32, #tpu.memory_space<vmem>>, vector<16xi32>,
        %add3A_327 = arith.addi %mul3A_324, %get3A_326 : vector<16xi32>
        %mul3A_328 = arith.constant 128 : i32
        %mul3A_329 = vector.broadcast %mul3A_328 : i32 to vector<16xi32>
        %mul3A_330 = arith.muli %add3A_327, %mul3A_329 : vector<16xi32>
        %swap3A_331 = arith.constant 192 : index
        %swap3A_332 = tpu.vector_load %arg14[%swap3A_331] {strides = array<i32>} : memref<400xi32, #tpu.memory_space<vmem>>, vector<16xi32>,
        tpu.vector_store %arg14[%swap3A_331], %mul3A_330 {strides = array<i32>} : memref<400xi32, #tpu.memory_space<vmem>>, vector<16xi32>,
        %get3A_333 = arith.constant 208 : index
        %get3A_334 = tpu.vector_load %arg8[%get3A_333] {strides = array<i32>} : memref<400xi32, #tpu.memory_space<vmem>>, vector<16xi32>,
        %mul3A_335 = arith.constant 6 : i32
        %mul3A_336 = vector.broadcast %mul3A_335 : i32 to vector<16xi32>
        %mul3A_337 = arith.muli %get3A_334, %mul3A_336 : vector<16xi32>
        %get3A_338 = arith.constant 208 : index
        %get3A_339 = tpu.vector_load %arg9[%get3A_338] {strides = array<i32>} : memref<400xi32, #tpu.memory_space<vmem>>, vector<16xi32>,
        %add3A_340 = arith.addi %mul3A_337, %get3A_339 : vector<16xi32>
        %mul3A_341 = arith.constant 2 : i32
        %mul3A_342 = vector.broadcast %mul3A_341 : i32 to vector<16xi32>
        %mul3A_343 = arith.muli %add3A_340, %mul3A_342 : vector<16xi32>
        %get3A_344 = arith.constant 208 : index
        %get3A_345 = tpu.vector_load %arg10[%get3A_344] {strides = array<i32>} : memref<400xi32, #tpu.memory_space<vmem>>, vector<16xi32>,
        %add3A_346 = arith.addi %mul3A_343, %get3A_345 : vector<16xi32>
        %mul3A_347 = arith.constant 128 : i32
        %mul3A_348 = vector.broadcast %mul3A_347 : i32 to vector<16xi32>
        %mul3A_349 = arith.muli %add3A_346, %mul3A_348 : vector<16xi32>
        %swap3A_350 = arith.constant 208 : index
        %swap3A_351 = tpu.vector_load %arg14[%swap3A_350] {strides = array<i32>} : memref<400xi32, #tpu.memory_space<vmem>>, vector<16xi32>,
        tpu.vector_store %arg14[%swap3A_350], %mul3A_349 {strides = array<i32>} : memref<400xi32, #tpu.memory_space<vmem>>, vector<16xi32>,
        %get3A_352 = arith.constant 224 : index
        %get3A_353 = tpu.vector_load %arg8[%get3A_352] {strides = array<i32>} : memref<400xi32, #tpu.memory_space<vmem>>, vector<16xi32>,
        %mul3A_354 = arith.constant 6 : i32
        %mul3A_355 = vector.broadcast %mul3A_354 : i32 to vector<16xi32>
        %mul3A_356 = arith.muli %get3A_353, %mul3A_355 : vector<16xi32>
        %get3A_357 = arith.constant 224 : index
        %get3A_358 = tpu.vector_load %arg9[%get3A_357] {strides = array<i32>} : memref<400xi32, #tpu.memory_space<vmem>>, vector<16xi32>,
        %add3A_359 = arith.addi %mul3A_356, %get3A_358 : vector<16xi32>
        %mul3A_360 = arith.constant 2 : i32
        %mul3A_361 = vector.broadcast %mul3A_360 : i32 to vector<16xi32>
        %mul3A_362 = arith.muli %add3A_359, %mul3A_361 : vector<16xi32>
        %get3A_363 = arith.constant 224 : index
        %get3A_364 = tpu.vector_load %arg10[%get3A_363] {strides = array<i32>} : memref<400xi32, #tpu.memory_space<vmem>>, vector<16xi32>,
        %add3A_365 = arith.addi %mul3A_362, %get3A_364 : vector<16xi32>
        %mul3A_366 = arith.constant 128 : i32
        %mul3A_367 = vector.broadcast %mul3A_366 : i32 to vector<16xi32>
        %mul3A_368 = arith.muli %add3A_365, %mul3A_367 : vector<16xi32>
        %swap3A_369 = arith.constant 224 : index
        %swap3A_370 = tpu.vector_load %arg14[%swap3A_369] {strides = array<i32>} : memref<400xi32, #tpu.memory_space<vmem>>, vector<16xi32>,
        tpu.vector_store %arg14[%swap3A_369], %mul3A_368 {strides = array<i32>} : memref<400xi32, #tpu.memory_space<vmem>>, vector<16xi32>,
        %get3A_371 = arith.constant 240 : index
        %get3A_372 = tpu.vector_load %arg8[%get3A_371] {strides = array<i32>} : memref<400xi32, #tpu.memory_space<vmem>>, vector<16xi32>,
        %mul3A_373 = arith.constant 6 : i32
        %mul3A_374 = vector.broadcast %mul3A_373 : i32 to vector<16xi32>
        %mul3A_375 = arith.muli %get3A_372, %mul3A_374 : vector<16xi32>
        %get3A_376 = arith.constant 240 : index
        %get3A_377 = tpu.vector_load %arg9[%get3A_376] {strides = array<i32>} : memref<400xi32, #tpu.memory_space<vmem>>, vector<16xi32>,
        %add3A_378 = arith.addi %mul3A_375, %get3A_377 : vector<16xi32>
        %mul3A_379 = arith.constant 2 : i32
        %mul3A_380 = vector.broadcast %mul3A_379 : i32 to vector<16xi32>
        %mul3A_381 = arith.muli %add3A_378, %mul3A_380 : vector<16xi32>
        %get3A_382 = arith.constant 240 : index
        %get3A_383 = tpu.vector_load %arg10[%get3A_382] {strides = array<i32>} : memref<400xi32, #tpu.memory_space<vmem>>, vector<16xi32>,
        %add3A_384 = arith.addi %mul3A_381, %get3A_383 : vector<16xi32>
        %mul3A_385 = arith.constant 128 : i32
        %mul3A_386 = vector.broadcast %mul3A_385 : i32 to vector<16xi32>
        %mul3A_387 = arith.muli %add3A_384, %mul3A_386 : vector<16xi32>
        %swap3A_388 = arith.constant 240 : index
        %swap3A_389 = tpu.vector_load %arg14[%swap3A_388] {strides = array<i32>} : memref<400xi32, #tpu.memory_space<vmem>>, vector<16xi32>,
        tpu.vector_store %arg14[%swap3A_388], %mul3A_387 {strides = array<i32>} : memref<400xi32, #tpu.memory_space<vmem>>, vector<16xi32>,
        %get3A_390 = arith.constant 256 : index
        %get3A_391 = tpu.vector_load %arg8[%get3A_390] {strides = array<i32>} : memref<400xi32, #tpu.memory_space<vmem>>, vector<16xi32>,
        %mul3A_392 = arith.constant 6 : i32
        %mul3A_393 = vector.broadcast %mul3A_392 : i32 to vector<16xi32>
        %mul3A_394 = arith.muli %get3A_391, %mul3A_393 : vector<16xi32>
        %get3A_395 = arith.constant 256 : index
        %get3A_396 = tpu.vector_load %arg9[%get3A_395] {strides = array<i32>} : memref<400xi32, #tpu.memory_space<vmem>>, vector<16xi32>,
        %add3A_397 = arith.addi %mul3A_394, %get3A_396 : vector<16xi32>
        %mul3A_398 = arith.constant 2 : i32
        %mul3A_399 = vector.broadcast %mul3A_398 : i32 to vector<16xi32>
        %mul3A_400 = arith.muli %add3A_397, %mul3A_399 : vector<16xi32>
        %get3A_401 = arith.constant 256 : index
        %get3A_402 = tpu.vector_load %arg10[%get3A_401] {strides = array<i32>} : memref<400xi32, #tpu.memory_space<vmem>>, vector<16xi32>,
        %add3A_403 = arith.addi %mul3A_400, %get3A_402 : vector<16xi32>
        %mul3A_404 = arith.constant 128 : i32
        %mul3A_405 = vector.broadcast %mul3A_404 : i32 to vector<16xi32>
        %mul3A_406 = arith.muli %add3A_403, %mul3A_405 : vector<16xi32>
        %swap3A_407 = arith.constant 256 : index
        %swap3A_408 = tpu.vector_load %arg14[%swap3A_407] {strides = array<i32>} : memref<400xi32, #tpu.memory_space<vmem>>, vector<16xi32>,
        tpu.vector_store %arg14[%swap3A_407], %mul3A_406 {strides = array<i32>} : memref<400xi32, #tpu.memory_space<vmem>>, vector<16xi32>,
        %get3A_409 = arith.constant 272 : index
        %get3A_410 = tpu.vector_load %arg8[%get3A_409] {strides = array<i32>} : memref<400xi32, #tpu.memory_space<vmem>>, vector<16xi32>,
        %mul3A_411 = arith.constant 6 : i32
        %mul3A_412 = vector.broadcast %mul3A_411 : i32 to vector<16xi32>
        %mul3A_413 = arith.muli %get3A_410, %mul3A_412 : vector<16xi32>
        %get3A_414 = arith.constant 272 : index
        %get3A_415 = tpu.vector_load %arg9[%get3A_414] {strides = array<i32>} : memref<400xi32, #tpu.memory_space<vmem>>, vector<16xi32>,
        %add3A_416 = arith.addi %mul3A_413, %get3A_415 : vector<16xi32>
        %mul3A_417 = arith.constant 2 : i32
        %mul3A_418 = vector.broadcast %mul3A_417 : i32 to vector<16xi32>
        %mul3A_419 = arith.muli %add3A_416, %mul3A_418 : vector<16xi32>
        %get3A_420 = arith.constant 272 : index
        %get3A_421 = tpu.vector_load %arg10[%get3A_420] {strides = array<i32>} : memref<400xi32, #tpu.memory_space<vmem>>, vector<16xi32>,
        %add3A_422 = arith.addi %mul3A_419, %get3A_421 : vector<16xi32>
        %mul3A_423 = arith.constant 128 : i32
        %mul3A_424 = vector.broadcast %mul3A_423 : i32 to vector<16xi32>
        %mul3A_425 = arith.muli %add3A_422, %mul3A_424 : vector<16xi32>
        %swap3A_426 = arith.constant 272 : index
        %swap3A_427 = tpu.vector_load %arg14[%swap3A_426] {strides = array<i32>} : memref<400xi32, #tpu.memory_space<vmem>>, vector<16xi32>,
        tpu.vector_store %arg14[%swap3A_426], %mul3A_425 {strides = array<i32>} : memref<400xi32, #tpu.memory_space<vmem>>, vector<16xi32>,
        %get3A_428 = arith.constant 288 : index
        %get3A_429 = tpu.vector_load %arg8[%get3A_428] {strides = array<i32>} : memref<400xi32, #tpu.memory_space<vmem>>, vector<16xi32>,
        %mul3A_430 = arith.constant 6 : i32
        %mul3A_431 = vector.broadcast %mul3A_430 : i32 to vector<16xi32>
        %mul3A_432 = arith.muli %get3A_429, %mul3A_431 : vector<16xi32>
        %get3A_433 = arith.constant 288 : index
        %get3A_434 = tpu.vector_load %arg9[%get3A_433] {strides = array<i32>} : memref<400xi32, #tpu.memory_space<vmem>>, vector<16xi32>,
        %add3A_435 = arith.addi %mul3A_432, %get3A_434 : vector<16xi32>
        %mul3A_436 = arith.constant 2 : i32
        %mul3A_437 = vector.broadcast %mul3A_436 : i32 to vector<16xi32>
        %mul3A_438 = arith.muli %add3A_435, %mul3A_437 : vector<16xi32>
        %get3A_439 = arith.constant 288 : index
        %get3A_440 = tpu.vector_load %arg10[%get3A_439] {strides = array<i32>} : memref<400xi32, #tpu.memory_space<vmem>>, vector<16xi32>,
        %add3A_441 = arith.addi %mul3A_438, %get3A_440 : vector<16xi32>
        %mul3A_442 = arith.constant 128 : i32
        %mul3A_443 = vector.broadcast %mul3A_442 : i32 to vector<16xi32>
        %mul3A_444 = arith.muli %add3A_441, %mul3A_443 : vector<16xi32>
        %swap3A_445 = arith.constant 288 : index
        %swap3A_446 = tpu.vector_load %arg14[%swap3A_445] {strides = array<i32>} : memref<400xi32, #tpu.memory_space<vmem>>, vector<16xi32>,
        tpu.vector_store %arg14[%swap3A_445], %mul3A_444 {strides = array<i32>} : memref<400xi32, #tpu.memory_space<vmem>>, vector<16xi32>,
        %get3A_447 = arith.constant 304 : index
        %get3A_448 = tpu.vector_load %arg8[%get3A_447] {strides = array<i32>} : memref<400xi32, #tpu.memory_space<vmem>>, vector<16xi32>,
        %mul3A_449 = arith.constant 6 : i32
        %mul3A_450 = vector.broadcast %mul3A_449 : i32 to vector<16xi32>
        %mul3A_451 = arith.muli %get3A_448, %mul3A_450 : vector<16xi32>
        %get3A_452 = arith.constant 304 : index
        %get3A_453 = tpu.vector_load %arg9[%get3A_452] {strides = array<i32>} : memref<400xi32, #tpu.memory_space<vmem>>, vector<16xi32>,
        %add3A_454 = arith.addi %mul3A_451, %get3A_453 : vector<16xi32>
        %mul3A_455 = arith.constant 2 : i32
        %mul3A_456 = vector.broadcast %mul3A_455 : i32 to vector<16xi32>
        %mul3A_457 = arith.muli %add3A_454, %mul3A_456 : vector<16xi32>
        %get3A_458 = arith.constant 304 : index
        %get3A_459 = tpu.vector_load %arg10[%get3A_458] {strides = array<i32>} : memref<400xi32, #tpu.memory_space<vmem>>, vector<16xi32>,
        %add3A_460 = arith.addi %mul3A_457, %get3A_459 : vector<16xi32>
        %mul3A_461 = arith.constant 128 : i32
        %mul3A_462 = vector.broadcast %mul3A_461 : i32 to vector<16xi32>
        %mul3A_463 = arith.muli %add3A_460, %mul3A_462 : vector<16xi32>
        %swap3A_464 = arith.constant 304 : index
        %swap3A_465 = tpu.vector_load %arg14[%swap3A_464] {strides = array<i32>} : memref<400xi32, #tpu.memory_space<vmem>>, vector<16xi32>,
        tpu.vector_store %arg14[%swap3A_464], %mul3A_463 {strides = array<i32>} : memref<400xi32, #tpu.memory_space<vmem>>, vector<16xi32>,
        %get3A_466 = arith.constant 320 : index
        %get3A_467 = tpu.vector_load %arg8[%get3A_466] {strides = array<i32>} : memref<400xi32, #tpu.memory_space<vmem>>, vector<16xi32>,
        %mul3A_468 = arith.constant 6 : i32
        %mul3A_469 = vector.broadcast %mul3A_468 : i32 to vector<16xi32>
        %mul3A_470 = arith.muli %get3A_467, %mul3A_469 : vector<16xi32>
        %get3A_471 = arith.constant 320 : index
        %get3A_472 = tpu.vector_load %arg9[%get3A_471] {strides = array<i32>} : memref<400xi32, #tpu.memory_space<vmem>>, vector<16xi32>,
        %add3A_473 = arith.addi %mul3A_470, %get3A_472 : vector<16xi32>
        %mul3A_474 = arith.constant 2 : i32
        %mul3A_475 = vector.broadcast %mul3A_474 : i32 to vector<16xi32>
        %mul3A_476 = arith.muli %add3A_473, %mul3A_475 : vector<16xi32>
        %get3A_477 = arith.constant 320 : index
        %get3A_478 = tpu.vector_load %arg10[%get3A_477] {strides = array<i32>} : memref<400xi32, #tpu.memory_space<vmem>>, vector<16xi32>,
        %add3A_479 = arith.addi %mul3A_476, %get3A_478 : vector<16xi32>
        %mul3A_480 = arith.constant 128 : i32
        %mul3A_481 = vector.broadcast %mul3A_480 : i32 to vector<16xi32>
        %mul3A_482 = arith.muli %add3A_479, %mul3A_481 : vector<16xi32>
        %swap3A_483 = arith.constant 320 : index
        %swap3A_484 = tpu.vector_load %arg14[%swap3A_483] {strides = array<i32>} : memref<400xi32, #tpu.memory_space<vmem>>, vector<16xi32>,
        tpu.vector_store %arg14[%swap3A_483], %mul3A_482 {strides = array<i32>} : memref<400xi32, #tpu.memory_space<vmem>>, vector<16xi32>,
        %get3A_485 = arith.constant 336 : index
        %get3A_486 = tpu.vector_load %arg8[%get3A_485] {strides = array<i32>} : memref<400xi32, #tpu.memory_space<vmem>>, vector<16xi32>,
        %mul3A_487 = arith.constant 6 : i32
        %mul3A_488 = vector.broadcast %mul3A_487 : i32 to vector<16xi32>
        %mul3A_489 = arith.muli %get3A_486, %mul3A_488 : vector<16xi32>
        %get3A_490 = arith.constant 336 : index
        %get3A_491 = tpu.vector_load %arg9[%get3A_490] {strides = array<i32>} : memref<400xi32, #tpu.memory_space<vmem>>, vector<16xi32>,
        %add3A_492 = arith.addi %mul3A_489, %get3A_491 : vector<16xi32>
        %mul3A_493 = arith.constant 2 : i32
        %mul3A_494 = vector.broadcast %mul3A_493 : i32 to vector<16xi32>
        %mul3A_495 = arith.muli %add3A_492, %mul3A_494 : vector<16xi32>
        %get3A_496 = arith.constant 336 : index
        %get3A_497 = tpu.vector_load %arg10[%get3A_496] {strides = array<i32>} : memref<400xi32, #tpu.memory_space<vmem>>, vector<16xi32>,
        %add3A_498 = arith.addi %mul3A_495, %get3A_497 : vector<16xi32>
        %mul3A_499 = arith.constant 128 : i32
        %mul3A_500 = vector.broadcast %mul3A_499 : i32 to vector<16xi32>
        %mul3A_501 = arith.muli %add3A_498, %mul3A_500 : vector<16xi32>
        %swap3A_502 = arith.constant 336 : index
        %swap3A_503 = tpu.vector_load %arg14[%swap3A_502] {strides = array<i32>} : memref<400xi32, #tpu.memory_space<vmem>>, vector<16xi32>,
        tpu.vector_store %arg14[%swap3A_502], %mul3A_501 {strides = array<i32>} : memref<400xi32, #tpu.memory_space<vmem>>, vector<16xi32>,
        %get3A_504 = arith.constant 352 : index
        %get3A_505 = tpu.vector_load %arg8[%get3A_504] {strides = array<i32>} : memref<400xi32, #tpu.memory_space<vmem>>, vector<16xi32>,
        %mul3A_506 = arith.constant 6 : i32
        %mul3A_507 = vector.broadcast %mul3A_506 : i32 to vector<16xi32>
        %mul3A_508 = arith.muli %get3A_505, %mul3A_507 : vector<16xi32>
        %get3A_509 = arith.constant 352 : index
        %get3A_510 = tpu.vector_load %arg9[%get3A_509] {strides = array<i32>} : memref<400xi32, #tpu.memory_space<vmem>>, vector<16xi32>,
        %add3A_511 = arith.addi %mul3A_508, %get3A_510 : vector<16xi32>
        %mul3A_512 = arith.constant 2 : i32
        %mul3A_513 = vector.broadcast %mul3A_512 : i32 to vector<16xi32>
        %mul3A_514 = arith.muli %add3A_511, %mul3A_513 : vector<16xi32>
        %get3A_515 = arith.constant 352 : index
        %get3A_516 = tpu.vector_load %arg10[%get3A_515] {strides = array<i32>} : memref<400xi32, #tpu.memory_space<vmem>>, vector<16xi32>,
        %add3A_517 = arith.addi %mul3A_514, %get3A_516 : vector<16xi32>
        %mul3A_518 = arith.constant 128 : i32
        %mul3A_519 = vector.broadcast %mul3A_518 : i32 to vector<16xi32>
        %mul3A_520 = arith.muli %add3A_517, %mul3A_519 : vector<16xi32>
        %swap3A_521 = arith.constant 352 : index
        %swap3A_522 = tpu.vector_load %arg14[%swap3A_521] {strides = array<i32>} : memref<400xi32, #tpu.memory_space<vmem>>, vector<16xi32>,
        tpu.vector_store %arg14[%swap3A_521], %mul3A_520 {strides = array<i32>} : memref<400xi32, #tpu.memory_space<vmem>>, vector<16xi32>,
        %get3A_523 = arith.constant 368 : index
        %get3A_524 = tpu.vector_load %arg8[%get3A_523] {strides = array<i32>} : memref<400xi32, #tpu.memory_space<vmem>>, vector<16xi32>,
        %mul3A_525 = arith.constant 6 : i32
        %mul3A_526 = vector.broadcast %mul3A_525 : i32 to vector<16xi32>
        %mul3A_527 = arith.muli %get3A_524, %mul3A_526 : vector<16xi32>
        %get3A_528 = arith.constant 368 : index
        %get3A_529 = tpu.vector_load %arg9[%get3A_528] {strides = array<i32>} : memref<400xi32, #tpu.memory_space<vmem>>, vector<16xi32>,
        %add3A_530 = arith.addi %mul3A_527, %get3A_529 : vector<16xi32>
        %mul3A_531 = arith.constant 2 : i32
        %mul3A_532 = vector.broadcast %mul3A_531 : i32 to vector<16xi32>
        %mul3A_533 = arith.muli %add3A_530, %mul3A_532 : vector<16xi32>
        %get3A_534 = arith.constant 368 : index
        %get3A_535 = tpu.vector_load %arg10[%get3A_534] {strides = array<i32>} : memref<400xi32, #tpu.memory_space<vmem>>, vector<16xi32>,
        %add3A_536 = arith.addi %mul3A_533, %get3A_535 : vector<16xi32>
        %mul3A_537 = arith.constant 128 : i32
        %mul3A_538 = vector.broadcast %mul3A_537 : i32 to vector<16xi32>
        %mul3A_539 = arith.muli %add3A_536, %mul3A_538 : vector<16xi32>
        %swap3A_540 = arith.constant 368 : index
        %swap3A_541 = tpu.vector_load %arg14[%swap3A_540] {strides = array<i32>} : memref<400xi32, #tpu.memory_space<vmem>>, vector<16xi32>,
        tpu.vector_store %arg14[%swap3A_540], %mul3A_539 {strides = array<i32>} : memref<400xi32, #tpu.memory_space<vmem>>, vector<16xi32>,
        %get3A_542 = arith.constant 384 : index
        %get3A_543 = tpu.vector_load %arg8[%get3A_542] {strides = array<i32>} : memref<400xi32, #tpu.memory_space<vmem>>, vector<16xi32>,
        %mul3A_544 = arith.constant 6 : i32
        %mul3A_545 = vector.broadcast %mul3A_544 : i32 to vector<16xi32>
        %mul3A_546 = arith.muli %get3A_543, %mul3A_545 : vector<16xi32>
        %get3A_547 = arith.constant 384 : index
        %get3A_548 = tpu.vector_load %arg9[%get3A_547] {strides = array<i32>} : memref<400xi32, #tpu.memory_space<vmem>>, vector<16xi32>,
        %add3A_549 = arith.addi %mul3A_546, %get3A_548 : vector<16xi32>
        %mul3A_550 = arith.constant 2 : i32
        %mul3A_551 = vector.broadcast %mul3A_550 : i32 to vector<16xi32>
        %mul3A_552 = arith.muli %add3A_549, %mul3A_551 : vector<16xi32>
        %get3A_553 = arith.constant 384 : index
        %get3A_554 = tpu.vector_load %arg10[%get3A_553] {strides = array<i32>} : memref<400xi32, #tpu.memory_space<vmem>>, vector<16xi32>,
        %add3A_555 = arith.addi %mul3A_552, %get3A_554 : vector<16xi32>
        %mul3A_556 = arith.constant 128 : i32
        %mul3A_557 = vector.broadcast %mul3A_556 : i32 to vector<16xi32>
        %mul3A_558 = arith.muli %add3A_555, %mul3A_557 : vector<16xi32>
        %swap3A_559 = arith.constant 384 : index
        %swap3A_560 = tpu.vector_load %arg14[%swap3A_559] {strides = array<i32>} : memref<400xi32, #tpu.memory_space<vmem>>, vector<16xi32>,
        tpu.vector_store %arg14[%swap3A_559], %mul3A_558 {strides = array<i32>} : memref<400xi32, #tpu.memory_space<vmem>>, vector<16xi32>,
        %add3A_561 = arith.constant 1 : i32
        %add3A_562 = arith.addi %mul3A_57, %add3A_561 : i32
        %mul3A_563 = arith.constant 32 : i32
        %mul3A_564 = arith.muli %mul3A_563, %add3A_562 : i32
        %add3A_565 = arith.addi %add3A, %mul3A_564 : i32
        %lt3A_566 = arith.constant 800 : i32
        %lt3A_567 = arith.cmpi slt, %add3A_565, %lt3A_566 : i32
        %convert_element_type3A_568 = arith.extui %lt3A_567 : i1 to i32
        %cond3A_569 = arith.constant 0 : i32
        %cond3A_570 = arith.cmpi ne, %convert_element_type3A_568, %cond3A_569 : i32
        scf.if %cond3A_570 {
          %add3A_585 = arith.constant 1 : i32
          %add3A_586 = arith.addi %mul3A_57, %add3A_585 : i32
          %mul3A_587 = arith.constant 32 : i32
          %mul3A_588 = arith.muli %mul3A_587, %add3A_586 : i32
          %add3A_589 = arith.addi %add3A, %mul3A_588 : i32
          %mul3A_590 = arith.constant 400 : i32
          %mul3A_591 = arith.muli %add3A_589, %mul3A_590 : i32
          %dma_start3A_592 = tpu.memref_slice %arg3[%mul3A_591] : memref<320000xi32, #tpu.memory_space<hbm>> -> memref<400xi32, #tpu.memory_space<hbm>>
          %dma_start3A_593 = tpu.memref_slice %arg3[%mul3A_591] : memref<320000xi32, #tpu.memory_space<hbm>> -> memref<400xi32, #tpu.memory_space<hbm>>
          tpu.enqueue_dma source(%dma_start3A_593 : memref<400xi32, #tpu.memory_space<hbm>>) target(%arg11 : memref<400xi32, #tpu.memory_space<vmem>>) target_semaphore(%arg19 : memref<!tpu.dma_semaphore, #tpu.memory_space<semaphore_mem>>)
          %dma_start3A_594 = tpu.memref_slice %arg4[%mul3A_591] : memref<320000xi32, #tpu.memory_space<hbm>> -> memref<400xi32, #tpu.memory_space<hbm>>
          %dma_start3A_595 = tpu.memref_slice %arg4[%mul3A_591] : memref<320000xi32, #tpu.memory_space<hbm>> -> memref<400xi32, #tpu.memory_space<hbm>>
          tpu.enqueue_dma source(%dma_start3A_595 : memref<400xi32, #tpu.memory_space<hbm>>) target(%arg12 : memref<400xi32, #tpu.memory_space<vmem>>) target_semaphore(%arg19 : memref<!tpu.dma_semaphore, #tpu.memory_space<semaphore_mem>>)
          %dma_start3A_596 = tpu.memref_slice %arg5[%mul3A_591] : memref<320000xi32, #tpu.memory_space<hbm>> -> memref<400xi32, #tpu.memory_space<hbm>>
          %dma_start3A_597 = tpu.memref_slice %arg5[%mul3A_591] : memref<320000xi32, #tpu.memory_space<hbm>> -> memref<400xi32, #tpu.memory_space<hbm>>
          tpu.enqueue_dma source(%dma_start3A_597 : memref<400xi32, #tpu.memory_space<hbm>>) target(%arg13 : memref<400xi32, #tpu.memory_space<vmem>>) target_semaphore(%arg19 : memref<!tpu.dma_semaphore, #tpu.memory_space<semaphore_mem>>)
        } else {
        }
        %ge3A = arith.constant 2 : i32
        %ge3A_571 = arith.cmpi sge, %mul3A_57, %ge3A : i32
        %convert_element_type3A_572 = arith.extui %ge3A_571 : i1 to i32
        %cond3A_573 = arith.constant 0 : i32
        %cond3A_574 = arith.cmpi ne, %convert_element_type3A_572, %cond3A_573 : i32
        scf.if %cond3A_574 {
          %sub3A = arith.constant 2 : i32
          %sub3A_585 = arith.subi %mul3A_57, %sub3A : i32
          %mul3A_586 = arith.constant 32 : i32
          %mul3A_587 = arith.muli %mul3A_586, %sub3A_585 : i32
          %add3A_588 = arith.addi %add3A, %mul3A_587 : i32
          %mul3A_589 = arith.constant 400 : i32
          %mul3A_590 = arith.muli %add3A_588, %mul3A_589 : i32
          %mul3A_591 = arith.constant 128 : i32
          %mul3A_592 = arith.muli %mul3A_590, %mul3A_591 : i32
          %dma_wait3A_593 = tpu.memref_slice %arg6[%mul3A_592] : memref<40960000xf32, #tpu.memory_space<hbm>> -> memref<51200xf32, #tpu.memory_space<hbm>>
          %dma_wait3A_594 = tpu.memref_slice %arg6[%mul3A_592] : memref<40960000xf32, #tpu.memory_space<hbm>> -> memref<51200xf32, #tpu.memory_space<hbm>>
          tpu.wait_dma2 semaphore(%arg20 : memref<!tpu.dma_semaphore, #tpu.memory_space<semaphore_mem>>) src(%arg16 : memref<51200xf32, #tpu.memory_space<vmem>>) dst(%dma_wait3A_594 : memref<51200xf32, #tpu.memory_space<hbm>>)
        } else {
        }
        %parallel_loop3A = arith.constant 0 : i32
        %parallel_loop3A_575 = arith.constant 400 : i32
        %parallel_loop3A_576 = arith.constant 1 : i32
        scf.for %parallel_loop3A_585 = %parallel_loop3A to %parallel_loop3A_575 step %parallel_loop3A_576  : i32 {
          %parallel_loop3A_586 = arith.constant 0 : i32
          %parallel_loop3A_587 = vector.broadcast %parallel_loop3A_586 : i32 to vector<16xi32>
          %parallel_loop3A_588 = vector.broadcast %parallel_loop3A_585 : i32 to vector<16xi32>
          %parallel_loop3A_589 = arith.addi %parallel_loop3A_587, %parallel_loop3A_588 : vector<16xi32>
          %parallel_loop3A_590 = tpu.vector_load_idx %arg14[%parallel_loop3A_589] : memref<400xi32, #tpu.memory_space<vmem>>[vector<16xi32>], vector<16xi32>,
          %parallel_loop3A_591 = arith.addi %parallel_loop3A_590, %add3A_3 : vector<16xi32>
          %parallel_loop3A_592 = tpu.vector_load_idx %arg7[%parallel_loop3A_591] : memref<8192xf32, #tpu.memory_space<vmem>>[vector<16xi32>], vector<16xf32>,
          %parallel_loop3A_593 = arith.constant 128 : i32
          %parallel_loop3A_594 = arith.muli %parallel_loop3A_585, %parallel_loop3A_593 : i32
          %parallel_loop3A_595 = arith.constant 0 : i32
          %parallel_loop3A_596 = arith.addi %parallel_loop3A_594, %parallel_loop3A_595 : i32
          %parallel_loop3A_597 = arith.index_cast %parallel_loop3A_596 : i32 to index
          %parallel_loop3A_598 = tpu.vector_load %arg16[%parallel_loop3A_597] {strides = array<i32>} : memref<51200xf32, #tpu.memory_space<vmem>>, vector<16xf32>,
          tpu.vector_store %arg16[%parallel_loop3A_597], %parallel_loop3A_592 {strides = array<i32>} : memref<51200xf32, #tpu.memory_space<vmem>>, vector<16xf32>,
          %parallel_loop3A_599 = arith.addi %parallel_loop3A_590, %add3A_7 : vector<16xi32>
          %parallel_loop3A_600 = tpu.vector_load_idx %arg7[%parallel_loop3A_599] : memref<8192xf32, #tpu.memory_space<vmem>>[vector<16xi32>], vector<16xf32>,
          %parallel_loop3A_601 = arith.constant 128 : i32
          %parallel_loop3A_602 = arith.muli %parallel_loop3A_585, %parallel_loop3A_601 : i32
          %parallel_loop3A_603 = arith.constant 16 : i32
          %parallel_loop3A_604 = arith.addi %parallel_loop3A_602, %parallel_loop3A_603 : i32
          %parallel_loop3A_605 = arith.index_cast %parallel_loop3A_604 : i32 to index
          %parallel_loop3A_606 = tpu.vector_load %arg16[%parallel_loop3A_605] {strides = array<i32>} : memref<51200xf32, #tpu.memory_space<vmem>>, vector<16xf32>,
          tpu.vector_store %arg16[%parallel_loop3A_605], %parallel_loop3A_600 {strides = array<i32>} : memref<51200xf32, #tpu.memory_space<vmem>>, vector<16xf32>,
          %parallel_loop3A_607 = arith.addi %parallel_loop3A_590, %add3A_11 : vector<16xi32>
          %parallel_loop3A_608 = tpu.vector_load_idx %arg7[%parallel_loop3A_607] : memref<8192xf32, #tpu.memory_space<vmem>>[vector<16xi32>], vector<16xf32>,
          %parallel_loop3A_609 = arith.constant 128 : i32
          %parallel_loop3A_610 = arith.muli %parallel_loop3A_585, %parallel_loop3A_609 : i32
          %parallel_loop3A_611 = arith.constant 32 : i32
          %parallel_loop3A_612 = arith.addi %parallel_loop3A_610, %parallel_loop3A_611 : i32
          %parallel_loop3A_613 = arith.index_cast %parallel_loop3A_612 : i32 to index
          %parallel_loop3A_614 = tpu.vector_load %arg16[%parallel_loop3A_613] {strides = array<i32>} : memref<51200xf32, #tpu.memory_space<vmem>>, vector<16xf32>,
          tpu.vector_store %arg16[%parallel_loop3A_613], %parallel_loop3A_608 {strides = array<i32>} : memref<51200xf32, #tpu.memory_space<vmem>>, vector<16xf32>,
          %parallel_loop3A_615 = arith.addi %parallel_loop3A_590, %add3A_15 : vector<16xi32>
          %parallel_loop3A_616 = tpu.vector_load_idx %arg7[%parallel_loop3A_615] : memref<8192xf32, #tpu.memory_space<vmem>>[vector<16xi32>], vector<16xf32>,
          %parallel_loop3A_617 = arith.constant 128 : i32
          %parallel_loop3A_618 = arith.muli %parallel_loop3A_585, %parallel_loop3A_617 : i32
          %parallel_loop3A_619 = arith.constant 48 : i32
          %parallel_loop3A_620 = arith.addi %parallel_loop3A_618, %parallel_loop3A_619 : i32
          %parallel_loop3A_621 = arith.index_cast %parallel_loop3A_620 : i32 to index
          %parallel_loop3A_622 = tpu.vector_load %arg16[%parallel_loop3A_621] {strides = array<i32>} : memref<51200xf32, #tpu.memory_space<vmem>>, vector<16xf32>,
          tpu.vector_store %arg16[%parallel_loop3A_621], %parallel_loop3A_616 {strides = array<i32>} : memref<51200xf32, #tpu.memory_space<vmem>>, vector<16xf32>,
          %parallel_loop3A_623 = arith.addi %parallel_loop3A_590, %add3A_19 : vector<16xi32>
          %parallel_loop3A_624 = tpu.vector_load_idx %arg7[%parallel_loop3A_623] : memref<8192xf32, #tpu.memory_space<vmem>>[vector<16xi32>], vector<16xf32>,
          %parallel_loop3A_625 = arith.constant 128 : i32
          %parallel_loop3A_626 = arith.muli %parallel_loop3A_585, %parallel_loop3A_625 : i32
          %parallel_loop3A_627 = arith.constant 64 : i32
          %parallel_loop3A_628 = arith.addi %parallel_loop3A_626, %parallel_loop3A_627 : i32
          %parallel_loop3A_629 = arith.index_cast %parallel_loop3A_628 : i32 to index
          %parallel_loop3A_630 = tpu.vector_load %arg16[%parallel_loop3A_629] {strides = array<i32>} : memref<51200xf32, #tpu.memory_space<vmem>>, vector<16xf32>,
          tpu.vector_store %arg16[%parallel_loop3A_629], %parallel_loop3A_624 {strides = array<i32>} : memref<51200xf32, #tpu.memory_space<vmem>>, vector<16xf32>,
          %parallel_loop3A_631 = arith.addi %parallel_loop3A_590, %add3A_23 : vector<16xi32>
          %parallel_loop3A_632 = tpu.vector_load_idx %arg7[%parallel_loop3A_631] : memref<8192xf32, #tpu.memory_space<vmem>>[vector<16xi32>], vector<16xf32>,
          %parallel_loop3A_633 = arith.constant 128 : i32
          %parallel_loop3A_634 = arith.muli %parallel_loop3A_585, %parallel_loop3A_633 : i32
          %parallel_loop3A_635 = arith.constant 80 : i32
          %parallel_loop3A_636 = arith.addi %parallel_loop3A_634, %parallel_loop3A_635 : i32
          %parallel_loop3A_637 = arith.index_cast %parallel_loop3A_636 : i32 to index
          %parallel_loop3A_638 = tpu.vector_load %arg16[%parallel_loop3A_637] {strides = array<i32>} : memref<51200xf32, #tpu.memory_space<vmem>>, vector<16xf32>,
          tpu.vector_store %arg16[%parallel_loop3A_637], %parallel_loop3A_632 {strides = array<i32>} : memref<51200xf32, #tpu.memory_space<vmem>>, vector<16xf32>,
          %parallel_loop3A_639 = arith.addi %parallel_loop3A_590, %add3A_27 : vector<16xi32>
          %parallel_loop3A_640 = tpu.vector_load_idx %arg7[%parallel_loop3A_639] : memref<8192xf32, #tpu.memory_space<vmem>>[vector<16xi32>], vector<16xf32>,
          %parallel_loop3A_641 = arith.constant 128 : i32
          %parallel_loop3A_642 = arith.muli %parallel_loop3A_585, %parallel_loop3A_641 : i32
          %parallel_loop3A_643 = arith.constant 96 : i32
          %parallel_loop3A_644 = arith.addi %parallel_loop3A_642, %parallel_loop3A_643 : i32
          %parallel_loop3A_645 = arith.index_cast %parallel_loop3A_644 : i32 to index
          %parallel_loop3A_646 = tpu.vector_load %arg16[%parallel_loop3A_645] {strides = array<i32>} : memref<51200xf32, #tpu.memory_space<vmem>>, vector<16xf32>,
          tpu.vector_store %arg16[%parallel_loop3A_645], %parallel_loop3A_640 {strides = array<i32>} : memref<51200xf32, #tpu.memory_space<vmem>>, vector<16xf32>,
          %parallel_loop3A_647 = arith.addi %parallel_loop3A_590, %add3A_31 : vector<16xi32>
          %parallel_loop3A_648 = tpu.vector_load_idx %arg7[%parallel_loop3A_647] : memref<8192xf32, #tpu.memory_space<vmem>>[vector<16xi32>], vector<16xf32>,
          %parallel_loop3A_649 = arith.constant 128 : i32
          %parallel_loop3A_650 = arith.muli %parallel_loop3A_585, %parallel_loop3A_649 : i32
          %parallel_loop3A_651 = arith.constant 112 : i32
          %parallel_loop3A_652 = arith.addi %parallel_loop3A_650, %parallel_loop3A_651 : i32
          %parallel_loop3A_653 = arith.index_cast %parallel_loop3A_652 : i32 to index
          %parallel_loop3A_654 = tpu.vector_load %arg16[%parallel_loop3A_653] {strides = array<i32>} : memref<51200xf32, #tpu.memory_space<vmem>>, vector<16xf32>,
          tpu.vector_store %arg16[%parallel_loop3A_653], %parallel_loop3A_648 {strides = array<i32>} : memref<51200xf32, #tpu.memory_space<vmem>>, vector<16xf32>,
        } {sc.loop_unroll_factor = 8 : i64, sc.parallel_access}
        %mul3A_577 = arith.constant 32 : i32
        %mul3A_578 = arith.muli %mul3A_577, %mul3A_57 : i32
        %add3A_579 = arith.addi %add3A, %mul3A_578 : i32
        %mul3A_580 = arith.constant 400 : i32
        %mul3A_581 = arith.muli %add3A_579, %mul3A_580 : i32
        %mul3A_582 = arith.constant 128 : i32
        %mul3A_583 = arith.muli %mul3A_581, %mul3A_582 : i32
        %dma_start3A = tpu.memref_slice %arg6[%mul3A_583] : memref<40960000xf32, #tpu.memory_space<hbm>> -> memref<51200xf32, #tpu.memory_space<hbm>>
        %dma_start3A_584 = tpu.memref_slice %arg6[%mul3A_583] : memref<40960000xf32, #tpu.memory_space<hbm>> -> memref<51200xf32, #tpu.memory_space<hbm>>
        tpu.enqueue_dma source(%arg16 : memref<51200xf32, #tpu.memory_space<vmem>>) target(%dma_start3A_584 : memref<51200xf32, #tpu.memory_space<hbm>>) target_semaphore(%arg20 : memref<!tpu.dma_semaphore, #tpu.memory_space<semaphore_mem>>)
      } else {
      }
      %mul3A_66 = arith.constant 2 : i32
      %mul3A_67 = arith.muli %mul3A_66, %scan3A_55 : i32
      %add3A_68 = arith.constant 1 : i32
      %add3A_69 = arith.addi %mul3A_67, %add3A_68 : i32
      %mul3A_70 = arith.constant 32 : i32
      %mul3A_71 = arith.muli %mul3A_70, %add3A_69 : i32
      %add3A_72 = arith.addi %add3A, %mul3A_71 : i32
      %lt3A_73 = arith.constant 800 : i32
      %lt3A_74 = arith.cmpi slt, %add3A_72, %lt3A_73 : i32
      %convert_element_type3A_75 = arith.extui %lt3A_74 : i1 to i32
      %cond3A_76 = arith.constant 0 : i32
      %cond3A_77 = arith.cmpi ne, %convert_element_type3A_75, %cond3A_76 : i32
      scf.if %cond3A_77 {
        %mul3A_78 = arith.constant 32 : i32
        %mul3A_79 = arith.muli %mul3A_78, %add3A_69 : i32
        %add3A_80 = arith.addi %add3A, %mul3A_79 : i32
        %mul3A_81 = arith.constant 400 : i32
        %mul3A_82 = arith.muli %add3A_80, %mul3A_81 : i32
        %dma_wait3A = tpu.memref_slice %arg3[%mul3A_82] : memref<320000xi32, #tpu.memory_space<hbm>> -> memref<400xi32, #tpu.memory_space<hbm>>
        %dma_wait3A_83 = tpu.memref_slice %arg3[%mul3A_82] : memref<320000xi32, #tpu.memory_space<hbm>> -> memref<400xi32, #tpu.memory_space<hbm>>
        tpu.wait_dma2 semaphore(%arg19 : memref<!tpu.dma_semaphore, #tpu.memory_space<semaphore_mem>>) src(%dma_wait3A_83 : memref<400xi32, #tpu.memory_space<hbm>>) dst(%arg11 : memref<400xi32, #tpu.memory_space<vmem>>)
        %dma_wait3A_84 = tpu.memref_slice %arg4[%mul3A_82] : memref<320000xi32, #tpu.memory_space<hbm>> -> memref<400xi32, #tpu.memory_space<hbm>>
        %dma_wait3A_85 = tpu.memref_slice %arg4[%mul3A_82] : memref<320000xi32, #tpu.memory_space<hbm>> -> memref<400xi32, #tpu.memory_space<hbm>>
        tpu.wait_dma2 semaphore(%arg19 : memref<!tpu.dma_semaphore, #tpu.memory_space<semaphore_mem>>) src(%dma_wait3A_85 : memref<400xi32, #tpu.memory_space<hbm>>) dst(%arg12 : memref<400xi32, #tpu.memory_space<vmem>>)
        %dma_wait3A_86 = tpu.memref_slice %arg5[%mul3A_82] : memref<320000xi32, #tpu.memory_space<hbm>> -> memref<400xi32, #tpu.memory_space<hbm>>
        %dma_wait3A_87 = tpu.memref_slice %arg5[%mul3A_82] : memref<320000xi32, #tpu.memory_space<hbm>> -> memref<400xi32, #tpu.memory_space<hbm>>
        tpu.wait_dma2 semaphore(%arg19 : memref<!tpu.dma_semaphore, #tpu.memory_space<semaphore_mem>>) src(%dma_wait3A_87 : memref<400xi32, #tpu.memory_space<hbm>>) dst(%arg13 : memref<400xi32, #tpu.memory_space<vmem>>)
        %get3A = arith.constant 0 : index
        %get3A_88 = tpu.vector_load %arg11[%get3A] {strides = array<i32>} : memref<400xi32, #tpu.memory_space<vmem>>, vector<16xi32>,
        %mul3A_89 = arith.constant 6 : i32
        %mul3A_90 = vector.broadcast %mul3A_89 : i32 to vector<16xi32>
        %mul3A_91 = arith.muli %get3A_88, %mul3A_90 : vector<16xi32>
        %get3A_92 = arith.constant 0 : index
        %get3A_93 = tpu.vector_load %arg12[%get3A_92] {strides = array<i32>} : memref<400xi32, #tpu.memory_space<vmem>>, vector<16xi32>,
        %add3A_94 = arith.addi %mul3A_91, %get3A_93 : vector<16xi32>
        %mul3A_95 = arith.constant 2 : i32
        %mul3A_96 = vector.broadcast %mul3A_95 : i32 to vector<16xi32>
        %mul3A_97 = arith.muli %add3A_94, %mul3A_96 : vector<16xi32>
        %get3A_98 = arith.constant 0 : index
        %get3A_99 = tpu.vector_load %arg13[%get3A_98] {strides = array<i32>} : memref<400xi32, #tpu.memory_space<vmem>>, vector<16xi32>,
        %add3A_100 = arith.addi %mul3A_97, %get3A_99 : vector<16xi32>
        %mul3A_101 = arith.constant 128 : i32
        %mul3A_102 = vector.broadcast %mul3A_101 : i32 to vector<16xi32>
        %mul3A_103 = arith.muli %add3A_100, %mul3A_102 : vector<16xi32>
        %swap3A = arith.constant 0 : index
        %swap3A_104 = tpu.vector_load %arg15[%swap3A] {strides = array<i32>} : memref<400xi32, #tpu.memory_space<vmem>>, vector<16xi32>,
        tpu.vector_store %arg15[%swap3A], %mul3A_103 {strides = array<i32>} : memref<400xi32, #tpu.memory_space<vmem>>, vector<16xi32>,
        %get3A_105 = arith.constant 16 : index
        %get3A_106 = tpu.vector_load %arg11[%get3A_105] {strides = array<i32>} : memref<400xi32, #tpu.memory_space<vmem>>, vector<16xi32>,
        %mul3A_107 = arith.constant 6 : i32
        %mul3A_108 = vector.broadcast %mul3A_107 : i32 to vector<16xi32>
        %mul3A_109 = arith.muli %get3A_106, %mul3A_108 : vector<16xi32>
        %get3A_110 = arith.constant 16 : index
        %get3A_111 = tpu.vector_load %arg12[%get3A_110] {strides = array<i32>} : memref<400xi32, #tpu.memory_space<vmem>>, vector<16xi32>,
        %add3A_112 = arith.addi %mul3A_109, %get3A_111 : vector<16xi32>
        %mul3A_113 = arith.constant 2 : i32
        %mul3A_114 = vector.broadcast %mul3A_113 : i32 to vector<16xi32>
        %mul3A_115 = arith.muli %add3A_112, %mul3A_114 : vector<16xi32>
        %get3A_116 = arith.constant 16 : index
        %get3A_117 = tpu.vector_load %arg13[%get3A_116] {strides = array<i32>} : memref<400xi32, #tpu.memory_space<vmem>>, vector<16xi32>,
        %add3A_118 = arith.addi %mul3A_115, %get3A_117 : vector<16xi32>
        %mul3A_119 = arith.constant 128 : i32
        %mul3A_120 = vector.broadcast %mul3A_119 : i32 to vector<16xi32>
        %mul3A_121 = arith.muli %add3A_118, %mul3A_120 : vector<16xi32>
        %swap3A_122 = arith.constant 16 : index
        %swap3A_123 = tpu.vector_load %arg15[%swap3A_122] {strides = array<i32>} : memref<400xi32, #tpu.memory_space<vmem>>, vector<16xi32>,
        tpu.vector_store %arg15[%swap3A_122], %mul3A_121 {strides = array<i32>} : memref<400xi32, #tpu.memory_space<vmem>>, vector<16xi32>,
        %get3A_124 = arith.constant 32 : index
        %get3A_125 = tpu.vector_load %arg11[%get3A_124] {strides = array<i32>} : memref<400xi32, #tpu.memory_space<vmem>>, vector<16xi32>,
        %mul3A_126 = arith.constant 6 : i32
        %mul3A_127 = vector.broadcast %mul3A_126 : i32 to vector<16xi32>
        %mul3A_128 = arith.muli %get3A_125, %mul3A_127 : vector<16xi32>
        %get3A_129 = arith.constant 32 : index
        %get3A_130 = tpu.vector_load %arg12[%get3A_129] {strides = array<i32>} : memref<400xi32, #tpu.memory_space<vmem>>, vector<16xi32>,
        %add3A_131 = arith.addi %mul3A_128, %get3A_130 : vector<16xi32>
        %mul3A_132 = arith.constant 2 : i32
        %mul3A_133 = vector.broadcast %mul3A_132 : i32 to vector<16xi32>
        %mul3A_134 = arith.muli %add3A_131, %mul3A_133 : vector<16xi32>
        %get3A_135 = arith.constant 32 : index
        %get3A_136 = tpu.vector_load %arg13[%get3A_135] {strides = array<i32>} : memref<400xi32, #tpu.memory_space<vmem>>, vector<16xi32>,
        %add3A_137 = arith.addi %mul3A_134, %get3A_136 : vector<16xi32>
        %mul3A_138 = arith.constant 128 : i32
        %mul3A_139 = vector.broadcast %mul3A_138 : i32 to vector<16xi32>
        %mul3A_140 = arith.muli %add3A_137, %mul3A_139 : vector<16xi32>
        %swap3A_141 = arith.constant 32 : index
        %swap3A_142 = tpu.vector_load %arg15[%swap3A_141] {strides = array<i32>} : memref<400xi32, #tpu.memory_space<vmem>>, vector<16xi32>,
        tpu.vector_store %arg15[%swap3A_141], %mul3A_140 {strides = array<i32>} : memref<400xi32, #tpu.memory_space<vmem>>, vector<16xi32>,
        %get3A_143 = arith.constant 48 : index
        %get3A_144 = tpu.vector_load %arg11[%get3A_143] {strides = array<i32>} : memref<400xi32, #tpu.memory_space<vmem>>, vector<16xi32>,
        %mul3A_145 = arith.constant 6 : i32
        %mul3A_146 = vector.broadcast %mul3A_145 : i32 to vector<16xi32>
        %mul3A_147 = arith.muli %get3A_144, %mul3A_146 : vector<16xi32>
        %get3A_148 = arith.constant 48 : index
        %get3A_149 = tpu.vector_load %arg12[%get3A_148] {strides = array<i32>} : memref<400xi32, #tpu.memory_space<vmem>>, vector<16xi32>,
        %add3A_150 = arith.addi %mul3A_147, %get3A_149 : vector<16xi32>
        %mul3A_151 = arith.constant 2 : i32
        %mul3A_152 = vector.broadcast %mul3A_151 : i32 to vector<16xi32>
        %mul3A_153 = arith.muli %add3A_150, %mul3A_152 : vector<16xi32>
        %get3A_154 = arith.constant 48 : index
        %get3A_155 = tpu.vector_load %arg13[%get3A_154] {strides = array<i32>} : memref<400xi32, #tpu.memory_space<vmem>>, vector<16xi32>,
        %add3A_156 = arith.addi %mul3A_153, %get3A_155 : vector<16xi32>
        %mul3A_157 = arith.constant 128 : i32
        %mul3A_158 = vector.broadcast %mul3A_157 : i32 to vector<16xi32>
        %mul3A_159 = arith.muli %add3A_156, %mul3A_158 : vector<16xi32>
        %swap3A_160 = arith.constant 48 : index
        %swap3A_161 = tpu.vector_load %arg15[%swap3A_160] {strides = array<i32>} : memref<400xi32, #tpu.memory_space<vmem>>, vector<16xi32>,
        tpu.vector_store %arg15[%swap3A_160], %mul3A_159 {strides = array<i32>} : memref<400xi32, #tpu.memory_space<vmem>>, vector<16xi32>,
        %get3A_162 = arith.constant 64 : index
        %get3A_163 = tpu.vector_load %arg11[%get3A_162] {strides = array<i32>} : memref<400xi32, #tpu.memory_space<vmem>>, vector<16xi32>,
        %mul3A_164 = arith.constant 6 : i32
        %mul3A_165 = vector.broadcast %mul3A_164 : i32 to vector<16xi32>
        %mul3A_166 = arith.muli %get3A_163, %mul3A_165 : vector<16xi32>
        %get3A_167 = arith.constant 64 : index
        %get3A_168 = tpu.vector_load %arg12[%get3A_167] {strides = array<i32>} : memref<400xi32, #tpu.memory_space<vmem>>, vector<16xi32>,
        %add3A_169 = arith.addi %mul3A_166, %get3A_168 : vector<16xi32>
        %mul3A_170 = arith.constant 2 : i32
        %mul3A_171 = vector.broadcast %mul3A_170 : i32 to vector<16xi32>
        %mul3A_172 = arith.muli %add3A_169, %mul3A_171 : vector<16xi32>
        %get3A_173 = arith.constant 64 : index
        %get3A_174 = tpu.vector_load %arg13[%get3A_173] {strides = array<i32>} : memref<400xi32, #tpu.memory_space<vmem>>, vector<16xi32>,
        %add3A_175 = arith.addi %mul3A_172, %get3A_174 : vector<16xi32>
        %mul3A_176 = arith.constant 128 : i32
        %mul3A_177 = vector.broadcast %mul3A_176 : i32 to vector<16xi32>
        %mul3A_178 = arith.muli %add3A_175, %mul3A_177 : vector<16xi32>
        %swap3A_179 = arith.constant 64 : index
        %swap3A_180 = tpu.vector_load %arg15[%swap3A_179] {strides = array<i32>} : memref<400xi32, #tpu.memory_space<vmem>>, vector<16xi32>,
        tpu.vector_store %arg15[%swap3A_179], %mul3A_178 {strides = array<i32>} : memref<400xi32, #tpu.memory_space<vmem>>, vector<16xi32>,
        %get3A_181 = arith.constant 80 : index
        %get3A_182 = tpu.vector_load %arg11[%get3A_181] {strides = array<i32>} : memref<400xi32, #tpu.memory_space<vmem>>, vector<16xi32>,
        %mul3A_183 = arith.constant 6 : i32
        %mul3A_184 = vector.broadcast %mul3A_183 : i32 to vector<16xi32>
        %mul3A_185 = arith.muli %get3A_182, %mul3A_184 : vector<16xi32>
        %get3A_186 = arith.constant 80 : index
        %get3A_187 = tpu.vector_load %arg12[%get3A_186] {strides = array<i32>} : memref<400xi32, #tpu.memory_space<vmem>>, vector<16xi32>,
        %add3A_188 = arith.addi %mul3A_185, %get3A_187 : vector<16xi32>
        %mul3A_189 = arith.constant 2 : i32
        %mul3A_190 = vector.broadcast %mul3A_189 : i32 to vector<16xi32>
        %mul3A_191 = arith.muli %add3A_188, %mul3A_190 : vector<16xi32>
        %get3A_192 = arith.constant 80 : index
        %get3A_193 = tpu.vector_load %arg13[%get3A_192] {strides = array<i32>} : memref<400xi32, #tpu.memory_space<vmem>>, vector<16xi32>,
        %add3A_194 = arith.addi %mul3A_191, %get3A_193 : vector<16xi32>
        %mul3A_195 = arith.constant 128 : i32
        %mul3A_196 = vector.broadcast %mul3A_195 : i32 to vector<16xi32>
        %mul3A_197 = arith.muli %add3A_194, %mul3A_196 : vector<16xi32>
        %swap3A_198 = arith.constant 80 : index
        %swap3A_199 = tpu.vector_load %arg15[%swap3A_198] {strides = array<i32>} : memref<400xi32, #tpu.memory_space<vmem>>, vector<16xi32>,
        tpu.vector_store %arg15[%swap3A_198], %mul3A_197 {strides = array<i32>} : memref<400xi32, #tpu.memory_space<vmem>>, vector<16xi32>,
        %get3A_200 = arith.constant 96 : index
        %get3A_201 = tpu.vector_load %arg11[%get3A_200] {strides = array<i32>} : memref<400xi32, #tpu.memory_space<vmem>>, vector<16xi32>,
        %mul3A_202 = arith.constant 6 : i32
        %mul3A_203 = vector.broadcast %mul3A_202 : i32 to vector<16xi32>
        %mul3A_204 = arith.muli %get3A_201, %mul3A_203 : vector<16xi32>
        %get3A_205 = arith.constant 96 : index
        %get3A_206 = tpu.vector_load %arg12[%get3A_205] {strides = array<i32>} : memref<400xi32, #tpu.memory_space<vmem>>, vector<16xi32>,
        %add3A_207 = arith.addi %mul3A_204, %get3A_206 : vector<16xi32>
        %mul3A_208 = arith.constant 2 : i32
        %mul3A_209 = vector.broadcast %mul3A_208 : i32 to vector<16xi32>
        %mul3A_210 = arith.muli %add3A_207, %mul3A_209 : vector<16xi32>
        %get3A_211 = arith.constant 96 : index
        %get3A_212 = tpu.vector_load %arg13[%get3A_211] {strides = array<i32>} : memref<400xi32, #tpu.memory_space<vmem>>, vector<16xi32>,
        %add3A_213 = arith.addi %mul3A_210, %get3A_212 : vector<16xi32>
        %mul3A_214 = arith.constant 128 : i32
        %mul3A_215 = vector.broadcast %mul3A_214 : i32 to vector<16xi32>
        %mul3A_216 = arith.muli %add3A_213, %mul3A_215 : vector<16xi32>
        %swap3A_217 = arith.constant 96 : index
        %swap3A_218 = tpu.vector_load %arg15[%swap3A_217] {strides = array<i32>} : memref<400xi32, #tpu.memory_space<vmem>>, vector<16xi32>,
        tpu.vector_store %arg15[%swap3A_217], %mul3A_216 {strides = array<i32>} : memref<400xi32, #tpu.memory_space<vmem>>, vector<16xi32>,
        %get3A_219 = arith.constant 112 : index
        %get3A_220 = tpu.vector_load %arg11[%get3A_219] {strides = array<i32>} : memref<400xi32, #tpu.memory_space<vmem>>, vector<16xi32>,
        %mul3A_221 = arith.constant 6 : i32
        %mul3A_222 = vector.broadcast %mul3A_221 : i32 to vector<16xi32>
        %mul3A_223 = arith.muli %get3A_220, %mul3A_222 : vector<16xi32>
        %get3A_224 = arith.constant 112 : index
        %get3A_225 = tpu.vector_load %arg12[%get3A_224] {strides = array<i32>} : memref<400xi32, #tpu.memory_space<vmem>>, vector<16xi32>,
        %add3A_226 = arith.addi %mul3A_223, %get3A_225 : vector<16xi32>
        %mul3A_227 = arith.constant 2 : i32
        %mul3A_228 = vector.broadcast %mul3A_227 : i32 to vector<16xi32>
        %mul3A_229 = arith.muli %add3A_226, %mul3A_228 : vector<16xi32>
        %get3A_230 = arith.constant 112 : index
        %get3A_231 = tpu.vector_load %arg13[%get3A_230] {strides = array<i32>} : memref<400xi32, #tpu.memory_space<vmem>>, vector<16xi32>,
        %add3A_232 = arith.addi %mul3A_229, %get3A_231 : vector<16xi32>
        %mul3A_233 = arith.constant 128 : i32
        %mul3A_234 = vector.broadcast %mul3A_233 : i32 to vector<16xi32>
        %mul3A_235 = arith.muli %add3A_232, %mul3A_234 : vector<16xi32>
        %swap3A_236 = arith.constant 112 : index
        %swap3A_237 = tpu.vector_load %arg15[%swap3A_236] {strides = array<i32>} : memref<400xi32, #tpu.memory_space<vmem>>, vector<16xi32>,
        tpu.vector_store %arg15[%swap3A_236], %mul3A_235 {strides = array<i32>} : memref<400xi32, #tpu.memory_space<vmem>>, vector<16xi32>,
        %get3A_238 = arith.constant 128 : index
        %get3A_239 = tpu.vector_load %arg11[%get3A_238] {strides = array<i32>} : memref<400xi32, #tpu.memory_space<vmem>>, vector<16xi32>,
        %mul3A_240 = arith.constant 6 : i32
        %mul3A_241 = vector.broadcast %mul3A_240 : i32 to vector<16xi32>
        %mul3A_242 = arith.muli %get3A_239, %mul3A_241 : vector<16xi32>
        %get3A_243 = arith.constant 128 : index
        %get3A_244 = tpu.vector_load %arg12[%get3A_243] {strides = array<i32>} : memref<400xi32, #tpu.memory_space<vmem>>, vector<16xi32>,
        %add3A_245 = arith.addi %mul3A_242, %get3A_244 : vector<16xi32>
        %mul3A_246 = arith.constant 2 : i32
        %mul3A_247 = vector.broadcast %mul3A_246 : i32 to vector<16xi32>
        %mul3A_248 = arith.muli %add3A_245, %mul3A_247 : vector<16xi32>
        %get3A_249 = arith.constant 128 : index
        %get3A_250 = tpu.vector_load %arg13[%get3A_249] {strides = array<i32>} : memref<400xi32, #tpu.memory_space<vmem>>, vector<16xi32>,
        %add3A_251 = arith.addi %mul3A_248, %get3A_250 : vector<16xi32>
        %mul3A_252 = arith.constant 128 : i32
        %mul3A_253 = vector.broadcast %mul3A_252 : i32 to vector<16xi32>
        %mul3A_254 = arith.muli %add3A_251, %mul3A_253 : vector<16xi32>
        %swap3A_255 = arith.constant 128 : index
        %swap3A_256 = tpu.vector_load %arg15[%swap3A_255] {strides = array<i32>} : memref<400xi32, #tpu.memory_space<vmem>>, vector<16xi32>,
        tpu.vector_store %arg15[%swap3A_255], %mul3A_254 {strides = array<i32>} : memref<400xi32, #tpu.memory_space<vmem>>, vector<16xi32>,
        %get3A_257 = arith.constant 144 : index
        %get3A_258 = tpu.vector_load %arg11[%get3A_257] {strides = array<i32>} : memref<400xi32, #tpu.memory_space<vmem>>, vector<16xi32>,
        %mul3A_259 = arith.constant 6 : i32
        %mul3A_260 = vector.broadcast %mul3A_259 : i32 to vector<16xi32>
        %mul3A_261 = arith.muli %get3A_258, %mul3A_260 : vector<16xi32>
        %get3A_262 = arith.constant 144 : index
        %get3A_263 = tpu.vector_load %arg12[%get3A_262] {strides = array<i32>} : memref<400xi32, #tpu.memory_space<vmem>>, vector<16xi32>,
        %add3A_264 = arith.addi %mul3A_261, %get3A_263 : vector<16xi32>
        %mul3A_265 = arith.constant 2 : i32
        %mul3A_266 = vector.broadcast %mul3A_265 : i32 to vector<16xi32>
        %mul3A_267 = arith.muli %add3A_264, %mul3A_266 : vector<16xi32>
        %get3A_268 = arith.constant 144 : index
        %get3A_269 = tpu.vector_load %arg13[%get3A_268] {strides = array<i32>} : memref<400xi32, #tpu.memory_space<vmem>>, vector<16xi32>,
        %add3A_270 = arith.addi %mul3A_267, %get3A_269 : vector<16xi32>
        %mul3A_271 = arith.constant 128 : i32
        %mul3A_272 = vector.broadcast %mul3A_271 : i32 to vector<16xi32>
        %mul3A_273 = arith.muli %add3A_270, %mul3A_272 : vector<16xi32>
        %swap3A_274 = arith.constant 144 : index
        %swap3A_275 = tpu.vector_load %arg15[%swap3A_274] {strides = array<i32>} : memref<400xi32, #tpu.memory_space<vmem>>, vector<16xi32>,
        tpu.vector_store %arg15[%swap3A_274], %mul3A_273 {strides = array<i32>} : memref<400xi32, #tpu.memory_space<vmem>>, vector<16xi32>,
        %get3A_276 = arith.constant 160 : index
        %get3A_277 = tpu.vector_load %arg11[%get3A_276] {strides = array<i32>} : memref<400xi32, #tpu.memory_space<vmem>>, vector<16xi32>,
        %mul3A_278 = arith.constant 6 : i32
        %mul3A_279 = vector.broadcast %mul3A_278 : i32 to vector<16xi32>
        %mul3A_280 = arith.muli %get3A_277, %mul3A_279 : vector<16xi32>
        %get3A_281 = arith.constant 160 : index
        %get3A_282 = tpu.vector_load %arg12[%get3A_281] {strides = array<i32>} : memref<400xi32, #tpu.memory_space<vmem>>, vector<16xi32>,
        %add3A_283 = arith.addi %mul3A_280, %get3A_282 : vector<16xi32>
        %mul3A_284 = arith.constant 2 : i32
        %mul3A_285 = vector.broadcast %mul3A_284 : i32 to vector<16xi32>
        %mul3A_286 = arith.muli %add3A_283, %mul3A_285 : vector<16xi32>
        %get3A_287 = arith.constant 160 : index
        %get3A_288 = tpu.vector_load %arg13[%get3A_287] {strides = array<i32>} : memref<400xi32, #tpu.memory_space<vmem>>, vector<16xi32>,
        %add3A_289 = arith.addi %mul3A_286, %get3A_288 : vector<16xi32>
        %mul3A_290 = arith.constant 128 : i32
        %mul3A_291 = vector.broadcast %mul3A_290 : i32 to vector<16xi32>
        %mul3A_292 = arith.muli %add3A_289, %mul3A_291 : vector<16xi32>
        %swap3A_293 = arith.constant 160 : index
        %swap3A_294 = tpu.vector_load %arg15[%swap3A_293] {strides = array<i32>} : memref<400xi32, #tpu.memory_space<vmem>>, vector<16xi32>,
        tpu.vector_store %arg15[%swap3A_293], %mul3A_292 {strides = array<i32>} : memref<400xi32, #tpu.memory_space<vmem>>, vector<16xi32>,
        %get3A_295 = arith.constant 176 : index
        %get3A_296 = tpu.vector_load %arg11[%get3A_295] {strides = array<i32>} : memref<400xi32, #tpu.memory_space<vmem>>, vector<16xi32>,
        %mul3A_297 = arith.constant 6 : i32
        %mul3A_298 = vector.broadcast %mul3A_297 : i32 to vector<16xi32>
        %mul3A_299 = arith.muli %get3A_296, %mul3A_298 : vector<16xi32>
        %get3A_300 = arith.constant 176 : index
        %get3A_301 = tpu.vector_load %arg12[%get3A_300] {strides = array<i32>} : memref<400xi32, #tpu.memory_space<vmem>>, vector<16xi32>,
        %add3A_302 = arith.addi %mul3A_299, %get3A_301 : vector<16xi32>
        %mul3A_303 = arith.constant 2 : i32
        %mul3A_304 = vector.broadcast %mul3A_303 : i32 to vector<16xi32>
        %mul3A_305 = arith.muli %add3A_302, %mul3A_304 : vector<16xi32>
        %get3A_306 = arith.constant 176 : index
        %get3A_307 = tpu.vector_load %arg13[%get3A_306] {strides = array<i32>} : memref<400xi32, #tpu.memory_space<vmem>>, vector<16xi32>,
        %add3A_308 = arith.addi %mul3A_305, %get3A_307 : vector<16xi32>
        %mul3A_309 = arith.constant 128 : i32
        %mul3A_310 = vector.broadcast %mul3A_309 : i32 to vector<16xi32>
        %mul3A_311 = arith.muli %add3A_308, %mul3A_310 : vector<16xi32>
        %swap3A_312 = arith.constant 176 : index
        %swap3A_313 = tpu.vector_load %arg15[%swap3A_312] {strides = array<i32>} : memref<400xi32, #tpu.memory_space<vmem>>, vector<16xi32>,
        tpu.vector_store %arg15[%swap3A_312], %mul3A_311 {strides = array<i32>} : memref<400xi32, #tpu.memory_space<vmem>>, vector<16xi32>,
        %get3A_314 = arith.constant 192 : index
        %get3A_315 = tpu.vector_load %arg11[%get3A_314] {strides = array<i32>} : memref<400xi32, #tpu.memory_space<vmem>>, vector<16xi32>,
        %mul3A_316 = arith.constant 6 : i32
        %mul3A_317 = vector.broadcast %mul3A_316 : i32 to vector<16xi32>
        %mul3A_318 = arith.muli %get3A_315, %mul3A_317 : vector<16xi32>
        %get3A_319 = arith.constant 192 : index
        %get3A_320 = tpu.vector_load %arg12[%get3A_319] {strides = array<i32>} : memref<400xi32, #tpu.memory_space<vmem>>, vector<16xi32>,
        %add3A_321 = arith.addi %mul3A_318, %get3A_320 : vector<16xi32>
        %mul3A_322 = arith.constant 2 : i32
        %mul3A_323 = vector.broadcast %mul3A_322 : i32 to vector<16xi32>
        %mul3A_324 = arith.muli %add3A_321, %mul3A_323 : vector<16xi32>
        %get3A_325 = arith.constant 192 : index
        %get3A_326 = tpu.vector_load %arg13[%get3A_325] {strides = array<i32>} : memref<400xi32, #tpu.memory_space<vmem>>, vector<16xi32>,
        %add3A_327 = arith.addi %mul3A_324, %get3A_326 : vector<16xi32>
        %mul3A_328 = arith.constant 128 : i32
        %mul3A_329 = vector.broadcast %mul3A_328 : i32 to vector<16xi32>
        %mul3A_330 = arith.muli %add3A_327, %mul3A_329 : vector<16xi32>
        %swap3A_331 = arith.constant 192 : index
        %swap3A_332 = tpu.vector_load %arg15[%swap3A_331] {strides = array<i32>} : memref<400xi32, #tpu.memory_space<vmem>>, vector<16xi32>,
        tpu.vector_store %arg15[%swap3A_331], %mul3A_330 {strides = array<i32>} : memref<400xi32, #tpu.memory_space<vmem>>, vector<16xi32>,
        %get3A_333 = arith.constant 208 : index
        %get3A_334 = tpu.vector_load %arg11[%get3A_333] {strides = array<i32>} : memref<400xi32, #tpu.memory_space<vmem>>, vector<16xi32>,
        %mul3A_335 = arith.constant 6 : i32
        %mul3A_336 = vector.broadcast %mul3A_335 : i32 to vector<16xi32>
        %mul3A_337 = arith.muli %get3A_334, %mul3A_336 : vector<16xi32>
        %get3A_338 = arith.constant 208 : index
        %get3A_339 = tpu.vector_load %arg12[%get3A_338] {strides = array<i32>} : memref<400xi32, #tpu.memory_space<vmem>>, vector<16xi32>,
        %add3A_340 = arith.addi %mul3A_337, %get3A_339 : vector<16xi32>
        %mul3A_341 = arith.constant 2 : i32
        %mul3A_342 = vector.broadcast %mul3A_341 : i32 to vector<16xi32>
        %mul3A_343 = arith.muli %add3A_340, %mul3A_342 : vector<16xi32>
        %get3A_344 = arith.constant 208 : index
        %get3A_345 = tpu.vector_load %arg13[%get3A_344] {strides = array<i32>} : memref<400xi32, #tpu.memory_space<vmem>>, vector<16xi32>,
        %add3A_346 = arith.addi %mul3A_343, %get3A_345 : vector<16xi32>
        %mul3A_347 = arith.constant 128 : i32
        %mul3A_348 = vector.broadcast %mul3A_347 : i32 to vector<16xi32>
        %mul3A_349 = arith.muli %add3A_346, %mul3A_348 : vector<16xi32>
        %swap3A_350 = arith.constant 208 : index
        %swap3A_351 = tpu.vector_load %arg15[%swap3A_350] {strides = array<i32>} : memref<400xi32, #tpu.memory_space<vmem>>, vector<16xi32>,
        tpu.vector_store %arg15[%swap3A_350], %mul3A_349 {strides = array<i32>} : memref<400xi32, #tpu.memory_space<vmem>>, vector<16xi32>,
        %get3A_352 = arith.constant 224 : index
        %get3A_353 = tpu.vector_load %arg11[%get3A_352] {strides = array<i32>} : memref<400xi32, #tpu.memory_space<vmem>>, vector<16xi32>,
        %mul3A_354 = arith.constant 6 : i32
        %mul3A_355 = vector.broadcast %mul3A_354 : i32 to vector<16xi32>
        %mul3A_356 = arith.muli %get3A_353, %mul3A_355 : vector<16xi32>
        %get3A_357 = arith.constant 224 : index
        %get3A_358 = tpu.vector_load %arg12[%get3A_357] {strides = array<i32>} : memref<400xi32, #tpu.memory_space<vmem>>, vector<16xi32>,
        %add3A_359 = arith.addi %mul3A_356, %get3A_358 : vector<16xi32>
        %mul3A_360 = arith.constant 2 : i32
        %mul3A_361 = vector.broadcast %mul3A_360 : i32 to vector<16xi32>
        %mul3A_362 = arith.muli %add3A_359, %mul3A_361 : vector<16xi32>
        %get3A_363 = arith.constant 224 : index
        %get3A_364 = tpu.vector_load %arg13[%get3A_363] {strides = array<i32>} : memref<400xi32, #tpu.memory_space<vmem>>, vector<16xi32>,
        %add3A_365 = arith.addi %mul3A_362, %get3A_364 : vector<16xi32>
        %mul3A_366 = arith.constant 128 : i32
        %mul3A_367 = vector.broadcast %mul3A_366 : i32 to vector<16xi32>
        %mul3A_368 = arith.muli %add3A_365, %mul3A_367 : vector<16xi32>
        %swap3A_369 = arith.constant 224 : index
        %swap3A_370 = tpu.vector_load %arg15[%swap3A_369] {strides = array<i32>} : memref<400xi32, #tpu.memory_space<vmem>>, vector<16xi32>,
        tpu.vector_store %arg15[%swap3A_369], %mul3A_368 {strides = array<i32>} : memref<400xi32, #tpu.memory_space<vmem>>, vector<16xi32>,
        %get3A_371 = arith.constant 240 : index
        %get3A_372 = tpu.vector_load %arg11[%get3A_371] {strides = array<i32>} : memref<400xi32, #tpu.memory_space<vmem>>, vector<16xi32>,
        %mul3A_373 = arith.constant 6 : i32
        %mul3A_374 = vector.broadcast %mul3A_373 : i32 to vector<16xi32>
        %mul3A_375 = arith.muli %get3A_372, %mul3A_374 : vector<16xi32>
        %get3A_376 = arith.constant 240 : index
        %get3A_377 = tpu.vector_load %arg12[%get3A_376] {strides = array<i32>} : memref<400xi32, #tpu.memory_space<vmem>>, vector<16xi32>,
        %add3A_378 = arith.addi %mul3A_375, %get3A_377 : vector<16xi32>
        %mul3A_379 = arith.constant 2 : i32
        %mul3A_380 = vector.broadcast %mul3A_379 : i32 to vector<16xi32>
        %mul3A_381 = arith.muli %add3A_378, %mul3A_380 : vector<16xi32>
        %get3A_382 = arith.constant 240 : index
        %get3A_383 = tpu.vector_load %arg13[%get3A_382] {strides = array<i32>} : memref<400xi32, #tpu.memory_space<vmem>>, vector<16xi32>,
        %add3A_384 = arith.addi %mul3A_381, %get3A_383 : vector<16xi32>
        %mul3A_385 = arith.constant 128 : i32
        %mul3A_386 = vector.broadcast %mul3A_385 : i32 to vector<16xi32>
        %mul3A_387 = arith.muli %add3A_384, %mul3A_386 : vector<16xi32>
        %swap3A_388 = arith.constant 240 : index
        %swap3A_389 = tpu.vector_load %arg15[%swap3A_388] {strides = array<i32>} : memref<400xi32, #tpu.memory_space<vmem>>, vector<16xi32>,
        tpu.vector_store %arg15[%swap3A_388], %mul3A_387 {strides = array<i32>} : memref<400xi32, #tpu.memory_space<vmem>>, vector<16xi32>,
        %get3A_390 = arith.constant 256 : index
        %get3A_391 = tpu.vector_load %arg11[%get3A_390] {strides = array<i32>} : memref<400xi32, #tpu.memory_space<vmem>>, vector<16xi32>,
        %mul3A_392 = arith.constant 6 : i32
        %mul3A_393 = vector.broadcast %mul3A_392 : i32 to vector<16xi32>
        %mul3A_394 = arith.muli %get3A_391, %mul3A_393 : vector<16xi32>
        %get3A_395 = arith.constant 256 : index
        %get3A_396 = tpu.vector_load %arg12[%get3A_395] {strides = array<i32>} : memref<400xi32, #tpu.memory_space<vmem>>, vector<16xi32>,
        %add3A_397 = arith.addi %mul3A_394, %get3A_396 : vector<16xi32>
        %mul3A_398 = arith.constant 2 : i32
        %mul3A_399 = vector.broadcast %mul3A_398 : i32 to vector<16xi32>
        %mul3A_400 = arith.muli %add3A_397, %mul3A_399 : vector<16xi32>
        %get3A_401 = arith.constant 256 : index
        %get3A_402 = tpu.vector_load %arg13[%get3A_401] {strides = array<i32>} : memref<400xi32, #tpu.memory_space<vmem>>, vector<16xi32>,
        %add3A_403 = arith.addi %mul3A_400, %get3A_402 : vector<16xi32>
        %mul3A_404 = arith.constant 128 : i32
        %mul3A_405 = vector.broadcast %mul3A_404 : i32 to vector<16xi32>
        %mul3A_406 = arith.muli %add3A_403, %mul3A_405 : vector<16xi32>
        %swap3A_407 = arith.constant 256 : index
        %swap3A_408 = tpu.vector_load %arg15[%swap3A_407] {strides = array<i32>} : memref<400xi32, #tpu.memory_space<vmem>>, vector<16xi32>,
        tpu.vector_store %arg15[%swap3A_407], %mul3A_406 {strides = array<i32>} : memref<400xi32, #tpu.memory_space<vmem>>, vector<16xi32>,
        %get3A_409 = arith.constant 272 : index
        %get3A_410 = tpu.vector_load %arg11[%get3A_409] {strides = array<i32>} : memref<400xi32, #tpu.memory_space<vmem>>, vector<16xi32>,
        %mul3A_411 = arith.constant 6 : i32
        %mul3A_412 = vector.broadcast %mul3A_411 : i32 to vector<16xi32>
        %mul3A_413 = arith.muli %get3A_410, %mul3A_412 : vector<16xi32>
        %get3A_414 = arith.constant 272 : index
        %get3A_415 = tpu.vector_load %arg12[%get3A_414] {strides = array<i32>} : memref<400xi32, #tpu.memory_space<vmem>>, vector<16xi32>,
        %add3A_416 = arith.addi %mul3A_413, %get3A_415 : vector<16xi32>
        %mul3A_417 = arith.constant 2 : i32
        %mul3A_418 = vector.broadcast %mul3A_417 : i32 to vector<16xi32>
        %mul3A_419 = arith.muli %add3A_416, %mul3A_418 : vector<16xi32>
        %get3A_420 = arith.constant 272 : index
        %get3A_421 = tpu.vector_load %arg13[%get3A_420] {strides = array<i32>} : memref<400xi32, #tpu.memory_space<vmem>>, vector<16xi32>,
        %add3A_422 = arith.addi %mul3A_419, %get3A_421 : vector<16xi32>
        %mul3A_423 = arith.constant 128 : i32
        %mul3A_424 = vector.broadcast %mul3A_423 : i32 to vector<16xi32>
        %mul3A_425 = arith.muli %add3A_422, %mul3A_424 : vector<16xi32>
        %swap3A_426 = arith.constant 272 : index
        %swap3A_427 = tpu.vector_load %arg15[%swap3A_426] {strides = array<i32>} : memref<400xi32, #tpu.memory_space<vmem>>, vector<16xi32>,
        tpu.vector_store %arg15[%swap3A_426], %mul3A_425 {strides = array<i32>} : memref<400xi32, #tpu.memory_space<vmem>>, vector<16xi32>,
        %get3A_428 = arith.constant 288 : index
        %get3A_429 = tpu.vector_load %arg11[%get3A_428] {strides = array<i32>} : memref<400xi32, #tpu.memory_space<vmem>>, vector<16xi32>,
        %mul3A_430 = arith.constant 6 : i32
        %mul3A_431 = vector.broadcast %mul3A_430 : i32 to vector<16xi32>
        %mul3A_432 = arith.muli %get3A_429, %mul3A_431 : vector<16xi32>
        %get3A_433 = arith.constant 288 : index
        %get3A_434 = tpu.vector_load %arg12[%get3A_433] {strides = array<i32>} : memref<400xi32, #tpu.memory_space<vmem>>, vector<16xi32>,
        %add3A_435 = arith.addi %mul3A_432, %get3A_434 : vector<16xi32>
        %mul3A_436 = arith.constant 2 : i32
        %mul3A_437 = vector.broadcast %mul3A_436 : i32 to vector<16xi32>
        %mul3A_438 = arith.muli %add3A_435, %mul3A_437 : vector<16xi32>
        %get3A_439 = arith.constant 288 : index
        %get3A_440 = tpu.vector_load %arg13[%get3A_439] {strides = array<i32>} : memref<400xi32, #tpu.memory_space<vmem>>, vector<16xi32>,
        %add3A_441 = arith.addi %mul3A_438, %get3A_440 : vector<16xi32>
        %mul3A_442 = arith.constant 128 : i32
        %mul3A_443 = vector.broadcast %mul3A_442 : i32 to vector<16xi32>
        %mul3A_444 = arith.muli %add3A_441, %mul3A_443 : vector<16xi32>
        %swap3A_445 = arith.constant 288 : index
        %swap3A_446 = tpu.vector_load %arg15[%swap3A_445] {strides = array<i32>} : memref<400xi32, #tpu.memory_space<vmem>>, vector<16xi32>,
        tpu.vector_store %arg15[%swap3A_445], %mul3A_444 {strides = array<i32>} : memref<400xi32, #tpu.memory_space<vmem>>, vector<16xi32>,
        %get3A_447 = arith.constant 304 : index
        %get3A_448 = tpu.vector_load %arg11[%get3A_447] {strides = array<i32>} : memref<400xi32, #tpu.memory_space<vmem>>, vector<16xi32>,
        %mul3A_449 = arith.constant 6 : i32
        %mul3A_450 = vector.broadcast %mul3A_449 : i32 to vector<16xi32>
        %mul3A_451 = arith.muli %get3A_448, %mul3A_450 : vector<16xi32>
        %get3A_452 = arith.constant 304 : index
        %get3A_453 = tpu.vector_load %arg12[%get3A_452] {strides = array<i32>} : memref<400xi32, #tpu.memory_space<vmem>>, vector<16xi32>,
        %add3A_454 = arith.addi %mul3A_451, %get3A_453 : vector<16xi32>
        %mul3A_455 = arith.constant 2 : i32
        %mul3A_456 = vector.broadcast %mul3A_455 : i32 to vector<16xi32>
        %mul3A_457 = arith.muli %add3A_454, %mul3A_456 : vector<16xi32>
        %get3A_458 = arith.constant 304 : index
        %get3A_459 = tpu.vector_load %arg13[%get3A_458] {strides = array<i32>} : memref<400xi32, #tpu.memory_space<vmem>>, vector<16xi32>,
        %add3A_460 = arith.addi %mul3A_457, %get3A_459 : vector<16xi32>
        %mul3A_461 = arith.constant 128 : i32
        %mul3A_462 = vector.broadcast %mul3A_461 : i32 to vector<16xi32>
        %mul3A_463 = arith.muli %add3A_460, %mul3A_462 : vector<16xi32>
        %swap3A_464 = arith.constant 304 : index
        %swap3A_465 = tpu.vector_load %arg15[%swap3A_464] {strides = array<i32>} : memref<400xi32, #tpu.memory_space<vmem>>, vector<16xi32>,
        tpu.vector_store %arg15[%swap3A_464], %mul3A_463 {strides = array<i32>} : memref<400xi32, #tpu.memory_space<vmem>>, vector<16xi32>,
        %get3A_466 = arith.constant 320 : index
        %get3A_467 = tpu.vector_load %arg11[%get3A_466] {strides = array<i32>} : memref<400xi32, #tpu.memory_space<vmem>>, vector<16xi32>,
        %mul3A_468 = arith.constant 6 : i32
        %mul3A_469 = vector.broadcast %mul3A_468 : i32 to vector<16xi32>
        %mul3A_470 = arith.muli %get3A_467, %mul3A_469 : vector<16xi32>
        %get3A_471 = arith.constant 320 : index
        %get3A_472 = tpu.vector_load %arg12[%get3A_471] {strides = array<i32>} : memref<400xi32, #tpu.memory_space<vmem>>, vector<16xi32>,
        %add3A_473 = arith.addi %mul3A_470, %get3A_472 : vector<16xi32>
        %mul3A_474 = arith.constant 2 : i32
        %mul3A_475 = vector.broadcast %mul3A_474 : i32 to vector<16xi32>
        %mul3A_476 = arith.muli %add3A_473, %mul3A_475 : vector<16xi32>
        %get3A_477 = arith.constant 320 : index
        %get3A_478 = tpu.vector_load %arg13[%get3A_477] {strides = array<i32>} : memref<400xi32, #tpu.memory_space<vmem>>, vector<16xi32>,
        %add3A_479 = arith.addi %mul3A_476, %get3A_478 : vector<16xi32>
        %mul3A_480 = arith.constant 128 : i32
        %mul3A_481 = vector.broadcast %mul3A_480 : i32 to vector<16xi32>
        %mul3A_482 = arith.muli %add3A_479, %mul3A_481 : vector<16xi32>
        %swap3A_483 = arith.constant 320 : index
        %swap3A_484 = tpu.vector_load %arg15[%swap3A_483] {strides = array<i32>} : memref<400xi32, #tpu.memory_space<vmem>>, vector<16xi32>,
        tpu.vector_store %arg15[%swap3A_483], %mul3A_482 {strides = array<i32>} : memref<400xi32, #tpu.memory_space<vmem>>, vector<16xi32>,
        %get3A_485 = arith.constant 336 : index
        %get3A_486 = tpu.vector_load %arg11[%get3A_485] {strides = array<i32>} : memref<400xi32, #tpu.memory_space<vmem>>, vector<16xi32>,
        %mul3A_487 = arith.constant 6 : i32
        %mul3A_488 = vector.broadcast %mul3A_487 : i32 to vector<16xi32>
        %mul3A_489 = arith.muli %get3A_486, %mul3A_488 : vector<16xi32>
        %get3A_490 = arith.constant 336 : index
        %get3A_491 = tpu.vector_load %arg12[%get3A_490] {strides = array<i32>} : memref<400xi32, #tpu.memory_space<vmem>>, vector<16xi32>,
        %add3A_492 = arith.addi %mul3A_489, %get3A_491 : vector<16xi32>
        %mul3A_493 = arith.constant 2 : i32
        %mul3A_494 = vector.broadcast %mul3A_493 : i32 to vector<16xi32>
        %mul3A_495 = arith.muli %add3A_492, %mul3A_494 : vector<16xi32>
        %get3A_496 = arith.constant 336 : index
        %get3A_497 = tpu.vector_load %arg13[%get3A_496] {strides = array<i32>} : memref<400xi32, #tpu.memory_space<vmem>>, vector<16xi32>,
        %add3A_498 = arith.addi %mul3A_495, %get3A_497 : vector<16xi32>
        %mul3A_499 = arith.constant 128 : i32
        %mul3A_500 = vector.broadcast %mul3A_499 : i32 to vector<16xi32>
        %mul3A_501 = arith.muli %add3A_498, %mul3A_500 : vector<16xi32>
        %swap3A_502 = arith.constant 336 : index
        %swap3A_503 = tpu.vector_load %arg15[%swap3A_502] {strides = array<i32>} : memref<400xi32, #tpu.memory_space<vmem>>, vector<16xi32>,
        tpu.vector_store %arg15[%swap3A_502], %mul3A_501 {strides = array<i32>} : memref<400xi32, #tpu.memory_space<vmem>>, vector<16xi32>,
        %get3A_504 = arith.constant 352 : index
        %get3A_505 = tpu.vector_load %arg11[%get3A_504] {strides = array<i32>} : memref<400xi32, #tpu.memory_space<vmem>>, vector<16xi32>,
        %mul3A_506 = arith.constant 6 : i32
        %mul3A_507 = vector.broadcast %mul3A_506 : i32 to vector<16xi32>
        %mul3A_508 = arith.muli %get3A_505, %mul3A_507 : vector<16xi32>
        %get3A_509 = arith.constant 352 : index
        %get3A_510 = tpu.vector_load %arg12[%get3A_509] {strides = array<i32>} : memref<400xi32, #tpu.memory_space<vmem>>, vector<16xi32>,
        %add3A_511 = arith.addi %mul3A_508, %get3A_510 : vector<16xi32>
        %mul3A_512 = arith.constant 2 : i32
        %mul3A_513 = vector.broadcast %mul3A_512 : i32 to vector<16xi32>
        %mul3A_514 = arith.muli %add3A_511, %mul3A_513 : vector<16xi32>
        %get3A_515 = arith.constant 352 : index
        %get3A_516 = tpu.vector_load %arg13[%get3A_515] {strides = array<i32>} : memref<400xi32, #tpu.memory_space<vmem>>, vector<16xi32>,
        %add3A_517 = arith.addi %mul3A_514, %get3A_516 : vector<16xi32>
        %mul3A_518 = arith.constant 128 : i32
        %mul3A_519 = vector.broadcast %mul3A_518 : i32 to vector<16xi32>
        %mul3A_520 = arith.muli %add3A_517, %mul3A_519 : vector<16xi32>
        %swap3A_521 = arith.constant 352 : index
        %swap3A_522 = tpu.vector_load %arg15[%swap3A_521] {strides = array<i32>} : memref<400xi32, #tpu.memory_space<vmem>>, vector<16xi32>,
        tpu.vector_store %arg15[%swap3A_521], %mul3A_520 {strides = array<i32>} : memref<400xi32, #tpu.memory_space<vmem>>, vector<16xi32>,
        %get3A_523 = arith.constant 368 : index
        %get3A_524 = tpu.vector_load %arg11[%get3A_523] {strides = array<i32>} : memref<400xi32, #tpu.memory_space<vmem>>, vector<16xi32>,
        %mul3A_525 = arith.constant 6 : i32
        %mul3A_526 = vector.broadcast %mul3A_525 : i32 to vector<16xi32>
        %mul3A_527 = arith.muli %get3A_524, %mul3A_526 : vector<16xi32>
        %get3A_528 = arith.constant 368 : index
        %get3A_529 = tpu.vector_load %arg12[%get3A_528] {strides = array<i32>} : memref<400xi32, #tpu.memory_space<vmem>>, vector<16xi32>,
        %add3A_530 = arith.addi %mul3A_527, %get3A_529 : vector<16xi32>
        %mul3A_531 = arith.constant 2 : i32
        %mul3A_532 = vector.broadcast %mul3A_531 : i32 to vector<16xi32>
        %mul3A_533 = arith.muli %add3A_530, %mul3A_532 : vector<16xi32>
        %get3A_534 = arith.constant 368 : index
        %get3A_535 = tpu.vector_load %arg13[%get3A_534] {strides = array<i32>} : memref<400xi32, #tpu.memory_space<vmem>>, vector<16xi32>,
        %add3A_536 = arith.addi %mul3A_533, %get3A_535 : vector<16xi32>
        %mul3A_537 = arith.constant 128 : i32
        %mul3A_538 = vector.broadcast %mul3A_537 : i32 to vector<16xi32>
        %mul3A_539 = arith.muli %add3A_536, %mul3A_538 : vector<16xi32>
        %swap3A_540 = arith.constant 368 : index
        %swap3A_541 = tpu.vector_load %arg15[%swap3A_540] {strides = array<i32>} : memref<400xi32, #tpu.memory_space<vmem>>, vector<16xi32>,
        tpu.vector_store %arg15[%swap3A_540], %mul3A_539 {strides = array<i32>} : memref<400xi32, #tpu.memory_space<vmem>>, vector<16xi32>,
        %get3A_542 = arith.constant 384 : index
        %get3A_543 = tpu.vector_load %arg11[%get3A_542] {strides = array<i32>} : memref<400xi32, #tpu.memory_space<vmem>>, vector<16xi32>,
        %mul3A_544 = arith.constant 6 : i32
        %mul3A_545 = vector.broadcast %mul3A_544 : i32 to vector<16xi32>
        %mul3A_546 = arith.muli %get3A_543, %mul3A_545 : vector<16xi32>
        %get3A_547 = arith.constant 384 : index
        %get3A_548 = tpu.vector_load %arg12[%get3A_547] {strides = array<i32>} : memref<400xi32, #tpu.memory_space<vmem>>, vector<16xi32>,
        %add3A_549 = arith.addi %mul3A_546, %get3A_548 : vector<16xi32>
        %mul3A_550 = arith.constant 2 : i32
        %mul3A_551 = vector.broadcast %mul3A_550 : i32 to vector<16xi32>
        %mul3A_552 = arith.muli %add3A_549, %mul3A_551 : vector<16xi32>
        %get3A_553 = arith.constant 384 : index
        %get3A_554 = tpu.vector_load %arg13[%get3A_553] {strides = array<i32>} : memref<400xi32, #tpu.memory_space<vmem>>, vector<16xi32>,
        %add3A_555 = arith.addi %mul3A_552, %get3A_554 : vector<16xi32>
        %mul3A_556 = arith.constant 128 : i32
        %mul3A_557 = vector.broadcast %mul3A_556 : i32 to vector<16xi32>
        %mul3A_558 = arith.muli %add3A_555, %mul3A_557 : vector<16xi32>
        %swap3A_559 = arith.constant 384 : index
        %swap3A_560 = tpu.vector_load %arg15[%swap3A_559] {strides = array<i32>} : memref<400xi32, #tpu.memory_space<vmem>>, vector<16xi32>,
        tpu.vector_store %arg15[%swap3A_559], %mul3A_558 {strides = array<i32>} : memref<400xi32, #tpu.memory_space<vmem>>, vector<16xi32>,
        %add3A_561 = arith.constant 1 : i32
        %add3A_562 = arith.addi %add3A_69, %add3A_561 : i32
        %mul3A_563 = arith.constant 32 : i32
        %mul3A_564 = arith.muli %mul3A_563, %add3A_562 : i32
        %add3A_565 = arith.addi %add3A, %mul3A_564 : i32
        %lt3A_566 = arith.constant 800 : i32
        %lt3A_567 = arith.cmpi slt, %add3A_565, %lt3A_566 : i32
        %convert_element_type3A_568 = arith.extui %lt3A_567 : i1 to i32
        %cond3A_569 = arith.constant 0 : i32
        %cond3A_570 = arith.cmpi ne, %convert_element_type3A_568, %cond3A_569 : i32
        scf.if %cond3A_570 {
          %add3A_585 = arith.constant 1 : i32
          %add3A_586 = arith.addi %add3A_69, %add3A_585 : i32
          %mul3A_587 = arith.constant 32 : i32
          %mul3A_588 = arith.muli %mul3A_587, %add3A_586 : i32
          %add3A_589 = arith.addi %add3A, %mul3A_588 : i32
          %mul3A_590 = arith.constant 400 : i32
          %mul3A_591 = arith.muli %add3A_589, %mul3A_590 : i32
          %dma_start3A_592 = tpu.memref_slice %arg3[%mul3A_591] : memref<320000xi32, #tpu.memory_space<hbm>> -> memref<400xi32, #tpu.memory_space<hbm>>
          %dma_start3A_593 = tpu.memref_slice %arg3[%mul3A_591] : memref<320000xi32, #tpu.memory_space<hbm>> -> memref<400xi32, #tpu.memory_space<hbm>>
          tpu.enqueue_dma source(%dma_start3A_593 : memref<400xi32, #tpu.memory_space<hbm>>) target(%arg8 : memref<400xi32, #tpu.memory_space<vmem>>) target_semaphore(%arg18 : memref<!tpu.dma_semaphore, #tpu.memory_space<semaphore_mem>>)
          %dma_start3A_594 = tpu.memref_slice %arg4[%mul3A_591] : memref<320000xi32, #tpu.memory_space<hbm>> -> memref<400xi32, #tpu.memory_space<hbm>>
          %dma_start3A_595 = tpu.memref_slice %arg4[%mul3A_591] : memref<320000xi32, #tpu.memory_space<hbm>> -> memref<400xi32, #tpu.memory_space<hbm>>
          tpu.enqueue_dma source(%dma_start3A_595 : memref<400xi32, #tpu.memory_space<hbm>>) target(%arg9 : memref<400xi32, #tpu.memory_space<vmem>>) target_semaphore(%arg18 : memref<!tpu.dma_semaphore, #tpu.memory_space<semaphore_mem>>)
          %dma_start3A_596 = tpu.memref_slice %arg5[%mul3A_591] : memref<320000xi32, #tpu.memory_space<hbm>> -> memref<400xi32, #tpu.memory_space<hbm>>
          %dma_start3A_597 = tpu.memref_slice %arg5[%mul3A_591] : memref<320000xi32, #tpu.memory_space<hbm>> -> memref<400xi32, #tpu.memory_space<hbm>>
          tpu.enqueue_dma source(%dma_start3A_597 : memref<400xi32, #tpu.memory_space<hbm>>) target(%arg10 : memref<400xi32, #tpu.memory_space<vmem>>) target_semaphore(%arg18 : memref<!tpu.dma_semaphore, #tpu.memory_space<semaphore_mem>>)
        } else {
        }
        %ge3A = arith.constant 2 : i32
        %ge3A_571 = arith.cmpi sge, %add3A_69, %ge3A : i32
        %convert_element_type3A_572 = arith.extui %ge3A_571 : i1 to i32
        %cond3A_573 = arith.constant 0 : i32
        %cond3A_574 = arith.cmpi ne, %convert_element_type3A_572, %cond3A_573 : i32
        scf.if %cond3A_574 {
          %sub3A = arith.constant 2 : i32
          %sub3A_585 = arith.subi %add3A_69, %sub3A : i32
          %mul3A_586 = arith.constant 32 : i32
          %mul3A_587 = arith.muli %mul3A_586, %sub3A_585 : i32
          %add3A_588 = arith.addi %add3A, %mul3A_587 : i32
          %mul3A_589 = arith.constant 400 : i32
          %mul3A_590 = arith.muli %add3A_588, %mul3A_589 : i32
          %mul3A_591 = arith.constant 128 : i32
          %mul3A_592 = arith.muli %mul3A_590, %mul3A_591 : i32
          %dma_wait3A_593 = tpu.memref_slice %arg6[%mul3A_592] : memref<40960000xf32, #tpu.memory_space<hbm>> -> memref<51200xf32, #tpu.memory_space<hbm>>
          %dma_wait3A_594 = tpu.memref_slice %arg6[%mul3A_592] : memref<40960000xf32, #tpu.memory_space<hbm>> -> memref<51200xf32, #tpu.memory_space<hbm>>
          tpu.wait_dma2 semaphore(%arg21 : memref<!tpu.dma_semaphore, #tpu.memory_space<semaphore_mem>>) src(%arg17 : memref<51200xf32, #tpu.memory_space<vmem>>) dst(%dma_wait3A_594 : memref<51200xf32, #tpu.memory_space<hbm>>)
        } else {
        }
        %parallel_loop3A = arith.constant 0 : i32
        %parallel_loop3A_575 = arith.constant 400 : i32
        %parallel_loop3A_576 = arith.constant 1 : i32
        scf.for %parallel_loop3A_585 = %parallel_loop3A to %parallel_loop3A_575 step %parallel_loop3A_576  : i32 {
          %parallel_loop3A_586 = arith.constant 0 : i32
          %parallel_loop3A_587 = vector.broadcast %parallel_loop3A_586 : i32 to vector<16xi32>
          %parallel_loop3A_588 = vector.broadcast %parallel_loop3A_585 : i32 to vector<16xi32>
          %parallel_loop3A_589 = arith.addi %parallel_loop3A_587, %parallel_loop3A_588 : vector<16xi32>
          %parallel_loop3A_590 = tpu.vector_load_idx %arg15[%parallel_loop3A_589] : memref<400xi32, #tpu.memory_space<vmem>>[vector<16xi32>], vector<16xi32>,
          %parallel_loop3A_591 = arith.addi %parallel_loop3A_590, %add3A_3 : vector<16xi32>
          %parallel_loop3A_592 = tpu.vector_load_idx %arg7[%parallel_loop3A_591] : memref<8192xf32, #tpu.memory_space<vmem>>[vector<16xi32>], vector<16xf32>,
          %parallel_loop3A_593 = arith.constant 128 : i32
          %parallel_loop3A_594 = arith.muli %parallel_loop3A_585, %parallel_loop3A_593 : i32
          %parallel_loop3A_595 = arith.constant 0 : i32
          %parallel_loop3A_596 = arith.addi %parallel_loop3A_594, %parallel_loop3A_595 : i32
          %parallel_loop3A_597 = arith.index_cast %parallel_loop3A_596 : i32 to index
          %parallel_loop3A_598 = tpu.vector_load %arg17[%parallel_loop3A_597] {strides = array<i32>} : memref<51200xf32, #tpu.memory_space<vmem>>, vector<16xf32>,
          tpu.vector_store %arg17[%parallel_loop3A_597], %parallel_loop3A_592 {strides = array<i32>} : memref<51200xf32, #tpu.memory_space<vmem>>, vector<16xf32>,
          %parallel_loop3A_599 = arith.addi %parallel_loop3A_590, %add3A_7 : vector<16xi32>
          %parallel_loop3A_600 = tpu.vector_load_idx %arg7[%parallel_loop3A_599] : memref<8192xf32, #tpu.memory_space<vmem>>[vector<16xi32>], vector<16xf32>,
          %parallel_loop3A_601 = arith.constant 128 : i32
          %parallel_loop3A_602 = arith.muli %parallel_loop3A_585, %parallel_loop3A_601 : i32
          %parallel_loop3A_603 = arith.constant 16 : i32
          %parallel_loop3A_604 = arith.addi %parallel_loop3A_602, %parallel_loop3A_603 : i32
          %parallel_loop3A_605 = arith.index_cast %parallel_loop3A_604 : i32 to index
          %parallel_loop3A_606 = tpu.vector_load %arg17[%parallel_loop3A_605] {strides = array<i32>} : memref<51200xf32, #tpu.memory_space<vmem>>, vector<16xf32>,
          tpu.vector_store %arg17[%parallel_loop3A_605], %parallel_loop3A_600 {strides = array<i32>} : memref<51200xf32, #tpu.memory_space<vmem>>, vector<16xf32>,
          %parallel_loop3A_607 = arith.addi %parallel_loop3A_590, %add3A_11 : vector<16xi32>
          %parallel_loop3A_608 = tpu.vector_load_idx %arg7[%parallel_loop3A_607] : memref<8192xf32, #tpu.memory_space<vmem>>[vector<16xi32>], vector<16xf32>,
          %parallel_loop3A_609 = arith.constant 128 : i32
          %parallel_loop3A_610 = arith.muli %parallel_loop3A_585, %parallel_loop3A_609 : i32
          %parallel_loop3A_611 = arith.constant 32 : i32
          %parallel_loop3A_612 = arith.addi %parallel_loop3A_610, %parallel_loop3A_611 : i32
          %parallel_loop3A_613 = arith.index_cast %parallel_loop3A_612 : i32 to index
          %parallel_loop3A_614 = tpu.vector_load %arg17[%parallel_loop3A_613] {strides = array<i32>} : memref<51200xf32, #tpu.memory_space<vmem>>, vector<16xf32>,
          tpu.vector_store %arg17[%parallel_loop3A_613], %parallel_loop3A_608 {strides = array<i32>} : memref<51200xf32, #tpu.memory_space<vmem>>, vector<16xf32>,
          %parallel_loop3A_615 = arith.addi %parallel_loop3A_590, %add3A_15 : vector<16xi32>
          %parallel_loop3A_616 = tpu.vector_load_idx %arg7[%parallel_loop3A_615] : memref<8192xf32, #tpu.memory_space<vmem>>[vector<16xi32>], vector<16xf32>,
          %parallel_loop3A_617 = arith.constant 128 : i32
          %parallel_loop3A_618 = arith.muli %parallel_loop3A_585, %parallel_loop3A_617 : i32
          %parallel_loop3A_619 = arith.constant 48 : i32
          %parallel_loop3A_620 = arith.addi %parallel_loop3A_618, %parallel_loop3A_619 : i32
          %parallel_loop3A_621 = arith.index_cast %parallel_loop3A_620 : i32 to index
          %parallel_loop3A_622 = tpu.vector_load %arg17[%parallel_loop3A_621] {strides = array<i32>} : memref<51200xf32, #tpu.memory_space<vmem>>, vector<16xf32>,
          tpu.vector_store %arg17[%parallel_loop3A_621], %parallel_loop3A_616 {strides = array<i32>} : memref<51200xf32, #tpu.memory_space<vmem>>, vector<16xf32>,
          %parallel_loop3A_623 = arith.addi %parallel_loop3A_590, %add3A_19 : vector<16xi32>
          %parallel_loop3A_624 = tpu.vector_load_idx %arg7[%parallel_loop3A_623] : memref<8192xf32, #tpu.memory_space<vmem>>[vector<16xi32>], vector<16xf32>,
          %parallel_loop3A_625 = arith.constant 128 : i32
          %parallel_loop3A_626 = arith.muli %parallel_loop3A_585, %parallel_loop3A_625 : i32
          %parallel_loop3A_627 = arith.constant 64 : i32
          %parallel_loop3A_628 = arith.addi %parallel_loop3A_626, %parallel_loop3A_627 : i32
          %parallel_loop3A_629 = arith.index_cast %parallel_loop3A_628 : i32 to index
          %parallel_loop3A_630 = tpu.vector_load %arg17[%parallel_loop3A_629] {strides = array<i32>} : memref<51200xf32, #tpu.memory_space<vmem>>, vector<16xf32>,
          tpu.vector_store %arg17[%parallel_loop3A_629], %parallel_loop3A_624 {strides = array<i32>} : memref<51200xf32, #tpu.memory_space<vmem>>, vector<16xf32>,
          %parallel_loop3A_631 = arith.addi %parallel_loop3A_590, %add3A_23 : vector<16xi32>
          %parallel_loop3A_632 = tpu.vector_load_idx %arg7[%parallel_loop3A_631] : memref<8192xf32, #tpu.memory_space<vmem>>[vector<16xi32>], vector<16xf32>,
          %parallel_loop3A_633 = arith.constant 128 : i32
          %parallel_loop3A_634 = arith.muli %parallel_loop3A_585, %parallel_loop3A_633 : i32
          %parallel_loop3A_635 = arith.constant 80 : i32
          %parallel_loop3A_636 = arith.addi %parallel_loop3A_634, %parallel_loop3A_635 : i32
          %parallel_loop3A_637 = arith.index_cast %parallel_loop3A_636 : i32 to index
          %parallel_loop3A_638 = tpu.vector_load %arg17[%parallel_loop3A_637] {strides = array<i32>} : memref<51200xf32, #tpu.memory_space<vmem>>, vector<16xf32>,
          tpu.vector_store %arg17[%parallel_loop3A_637], %parallel_loop3A_632 {strides = array<i32>} : memref<51200xf32, #tpu.memory_space<vmem>>, vector<16xf32>,
          %parallel_loop3A_639 = arith.addi %parallel_loop3A_590, %add3A_27 : vector<16xi32>
          %parallel_loop3A_640 = tpu.vector_load_idx %arg7[%parallel_loop3A_639] : memref<8192xf32, #tpu.memory_space<vmem>>[vector<16xi32>], vector<16xf32>,
          %parallel_loop3A_641 = arith.constant 128 : i32
          %parallel_loop3A_642 = arith.muli %parallel_loop3A_585, %parallel_loop3A_641 : i32
          %parallel_loop3A_643 = arith.constant 96 : i32
          %parallel_loop3A_644 = arith.addi %parallel_loop3A_642, %parallel_loop3A_643 : i32
          %parallel_loop3A_645 = arith.index_cast %parallel_loop3A_644 : i32 to index
          %parallel_loop3A_646 = tpu.vector_load %arg17[%parallel_loop3A_645] {strides = array<i32>} : memref<51200xf32, #tpu.memory_space<vmem>>, vector<16xf32>,
          tpu.vector_store %arg17[%parallel_loop3A_645], %parallel_loop3A_640 {strides = array<i32>} : memref<51200xf32, #tpu.memory_space<vmem>>, vector<16xf32>,
          %parallel_loop3A_647 = arith.addi %parallel_loop3A_590, %add3A_31 : vector<16xi32>
          %parallel_loop3A_648 = tpu.vector_load_idx %arg7[%parallel_loop3A_647] : memref<8192xf32, #tpu.memory_space<vmem>>[vector<16xi32>], vector<16xf32>,
          %parallel_loop3A_649 = arith.constant 128 : i32
          %parallel_loop3A_650 = arith.muli %parallel_loop3A_585, %parallel_loop3A_649 : i32
          %parallel_loop3A_651 = arith.constant 112 : i32
          %parallel_loop3A_652 = arith.addi %parallel_loop3A_650, %parallel_loop3A_651 : i32
          %parallel_loop3A_653 = arith.index_cast %parallel_loop3A_652 : i32 to index
          %parallel_loop3A_654 = tpu.vector_load %arg17[%parallel_loop3A_653] {strides = array<i32>} : memref<51200xf32, #tpu.memory_space<vmem>>, vector<16xf32>,
          tpu.vector_store %arg17[%parallel_loop3A_653], %parallel_loop3A_648 {strides = array<i32>} : memref<51200xf32, #tpu.memory_space<vmem>>, vector<16xf32>,
        } {sc.loop_unroll_factor = 8 : i64, sc.parallel_access}
        %mul3A_577 = arith.constant 32 : i32
        %mul3A_578 = arith.muli %mul3A_577, %add3A_69 : i32
        %add3A_579 = arith.addi %add3A, %mul3A_578 : i32
        %mul3A_580 = arith.constant 400 : i32
        %mul3A_581 = arith.muli %add3A_579, %mul3A_580 : i32
        %mul3A_582 = arith.constant 128 : i32
        %mul3A_583 = arith.muli %mul3A_581, %mul3A_582 : i32
        %dma_start3A = tpu.memref_slice %arg6[%mul3A_583] : memref<40960000xf32, #tpu.memory_space<hbm>> -> memref<51200xf32, #tpu.memory_space<hbm>>
        %dma_start3A_584 = tpu.memref_slice %arg6[%mul3A_583] : memref<40960000xf32, #tpu.memory_space<hbm>> -> memref<51200xf32, #tpu.memory_space<hbm>>
        tpu.enqueue_dma source(%arg17 : memref<51200xf32, #tpu.memory_space<vmem>>) target(%dma_start3A_584 : memref<51200xf32, #tpu.memory_space<hbm>>) target_semaphore(%arg21 : memref<!tpu.dma_semaphore, #tpu.memory_space<semaphore_mem>>)
      } else {
      }
    }
    %scan3A_40 = arith.constant 13 : i32
    %add3A_41 = arith.constant 0 : i32
    %add3A_42 = arith.addi %add3A, %add3A_41 : i32
    %lt3A_43 = arith.constant 800 : i32
    %lt3A_44 = arith.cmpi slt, %add3A_42, %lt3A_43 : i32
    %convert_element_type3A_45 = arith.extui %lt3A_44 : i1 to i32
    %cond3A_46 = arith.constant 0 : i32
    %cond3A_47 = arith.cmpi ne, %convert_element_type3A_45, %cond3A_46 : i32
    scf.if %cond3A_47 {
      %add3A_55 = arith.constant 0 : i32
      %add3A_56 = arith.addi %add3A, %add3A_55 : i32
      %mul3A_57 = arith.constant 400 : i32
      %mul3A_58 = arith.muli %add3A_56, %mul3A_57 : i32
      %mul3A_59 = arith.constant 128 : i32
      %mul3A_60 = arith.muli %mul3A_58, %mul3A_59 : i32
      %dma_wait3A = tpu.memref_slice %arg6[%mul3A_60] : memref<40960000xf32, #tpu.memory_space<hbm>> -> memref<51200xf32, #tpu.memory_space<hbm>>
      %dma_wait3A_61 = tpu.memref_slice %arg6[%mul3A_60] : memref<40960000xf32, #tpu.memory_space<hbm>> -> memref<51200xf32, #tpu.memory_space<hbm>>
      tpu.wait_dma2 semaphore(%arg20 : memref<!tpu.dma_semaphore, #tpu.memory_space<semaphore_mem>>) src(%arg16 : memref<51200xf32, #tpu.memory_space<vmem>>) dst(%dma_wait3A_61 : memref<51200xf32, #tpu.memory_space<hbm>>)
    } else {
    }
    %add3A_48 = arith.constant 32 : i32
    %add3A_49 = arith.addi %add3A, %add3A_48 : i32
    %lt3A_50 = arith.constant 800 : i32
    %lt3A_51 = arith.cmpi slt, %add3A_49, %lt3A_50 : i32
    %convert_element_type3A_52 = arith.extui %lt3A_51 : i1 to i32
    %cond3A_53 = arith.constant 0 : i32
    %cond3A_54 = arith.cmpi ne, %convert_element_type3A_52, %cond3A_53 : i32
    scf.if %cond3A_54 {
      %add3A_55 = arith.constant 32 : i32
      %add3A_56 = arith.addi %add3A, %add3A_55 : i32
      %mul3A_57 = arith.constant 400 : i32
      %mul3A_58 = arith.muli %add3A_56, %mul3A_57 : i32
      %mul3A_59 = arith.constant 128 : i32
      %mul3A_60 = arith.muli %mul3A_58, %mul3A_59 : i32
      %dma_wait3A = tpu.memref_slice %arg6[%mul3A_60] : memref<40960000xf32, #tpu.memory_space<hbm>> -> memref<51200xf32, #tpu.memory_space<hbm>>
      %dma_wait3A_61 = tpu.memref_slice %arg6[%mul3A_60] : memref<40960000xf32, #tpu.memory_space<hbm>> -> memref<51200xf32, #tpu.memory_space<hbm>>
      tpu.wait_dma2 semaphore(%arg21 : memref<!tpu.dma_semaphore, #tpu.memory_space<semaphore_mem>>) src(%arg17 : memref<51200xf32, #tpu.memory_space<vmem>>) dst(%dma_wait3A_61 : memref<51200xf32, #tpu.memory_space<hbm>>)
    } else {
    }
    return
  }
}

module attributes {stable_mosaic.version = 14 : i64} {
  func.func @_combo_body(%arg0: memref<5x128xf32, #tpu.memory_space<vmem>>, %arg1: memref<6x128xf32, #tpu.memory_space<vmem>>, %arg2: memref<2x128xf32, #tpu.memory_space<vmem>>, %arg3: memref<64x128xf32, #tpu.memory_space<vmem>>) attributes {dimension_semantics = [], scalar_prefetch = 0 : i64, scratch_operands = 0 : i64, tpu.core_type = #tpu.core_type<tc>} {
    %broadcast_in_dim3A = arith.constant 0.000000e+00 : f32
    %broadcast_in_dim3A_0 = vector.broadcast %broadcast_in_dim3A : f32 to vector<64x128xf32>
    %swap3A = arith.constant 0 : index
    %swap3A_1 = arith.constant 0 : index
    %swap3A_2 = vector.load %arg3[%swap3A, %swap3A_1] : memref<64x128xf32, #tpu.memory_space<vmem>>, vector<64x128xf32>
    tpu.vector_store %arg3[%swap3A, %swap3A_1], %broadcast_in_dim3A_0 {strides = array<i32>} : memref<64x128xf32, #tpu.memory_space<vmem>>, vector<64x128xf32>,
    %get3A = arith.constant 0 : index
    %get3A_3 = arith.constant 0 : index
    %get3A_4 = vector.load %arg0[%get3A, %get3A_3] : memref<5x128xf32, #tpu.memory_space<vmem>>, vector<1x128xf32>
    %get3A_5 = arith.constant 0 : index
    %get3A_6 = arith.constant 0 : index
    %get3A_7 = vector.load %arg1[%get3A_5, %get3A_6] : memref<6x128xf32, #tpu.memory_space<vmem>>, vector<1x128xf32>
    %add3A = arith.addf %get3A_4, %get3A_7 : vector<1x128xf32>
    %get3A_8 = arith.constant 0 : index
    %get3A_9 = arith.constant 0 : index
    %get3A_10 = vector.load %arg2[%get3A_8, %get3A_9] : memref<2x128xf32, #tpu.memory_space<vmem>>, vector<1x128xf32>
    %add3A_11 = arith.addf %add3A, %get3A_10 : vector<1x128xf32>
    %swap3A_12 = arith.constant 0 : index
    %swap3A_13 = arith.constant 0 : index
    %swap3A_14 = vector.load %arg3[%swap3A_12, %swap3A_13] : memref<64x128xf32, #tpu.memory_space<vmem>>, vector<1x128xf32>
    tpu.vector_store %arg3[%swap3A_12, %swap3A_13], %add3A_11 {strides = array<i32>} : memref<64x128xf32, #tpu.memory_space<vmem>>, vector<1x128xf32>,
    %get3A_15 = arith.constant 0 : index
    %get3A_16 = arith.constant 0 : index
    %get3A_17 = vector.load %arg0[%get3A_15, %get3A_16] : memref<5x128xf32, #tpu.memory_space<vmem>>, vector<1x128xf32>
    %get3A_18 = arith.constant 0 : index
    %get3A_19 = arith.constant 0 : index
    %get3A_20 = vector.load %arg1[%get3A_18, %get3A_19] : memref<6x128xf32, #tpu.memory_space<vmem>>, vector<1x128xf32>
    %add3A_21 = arith.addf %get3A_17, %get3A_20 : vector<1x128xf32>
    %get3A_22 = arith.constant 1 : index
    %get3A_23 = arith.constant 0 : index
    %get3A_24 = vector.load %arg2[%get3A_22, %get3A_23] : memref<2x128xf32, #tpu.memory_space<vmem>>, vector<1x128xf32>
    %add3A_25 = arith.addf %add3A_21, %get3A_24 : vector<1x128xf32>
    %swap3A_26 = arith.constant 1 : index
    %swap3A_27 = arith.constant 0 : index
    %swap3A_28 = vector.load %arg3[%swap3A_26, %swap3A_27] : memref<64x128xf32, #tpu.memory_space<vmem>>, vector<1x128xf32>
    tpu.vector_store %arg3[%swap3A_26, %swap3A_27], %add3A_25 {strides = array<i32>} : memref<64x128xf32, #tpu.memory_space<vmem>>, vector<1x128xf32>,
    %get3A_29 = arith.constant 0 : index
    %get3A_30 = arith.constant 0 : index
    %get3A_31 = vector.load %arg0[%get3A_29, %get3A_30] : memref<5x128xf32, #tpu.memory_space<vmem>>, vector<1x128xf32>
    %get3A_32 = arith.constant 1 : index
    %get3A_33 = arith.constant 0 : index
    %get3A_34 = vector.load %arg1[%get3A_32, %get3A_33] : memref<6x128xf32, #tpu.memory_space<vmem>>, vector<1x128xf32>
    %add3A_35 = arith.addf %get3A_31, %get3A_34 : vector<1x128xf32>
    %get3A_36 = arith.constant 0 : index
    %get3A_37 = arith.constant 0 : index
    %get3A_38 = vector.load %arg2[%get3A_36, %get3A_37] : memref<2x128xf32, #tpu.memory_space<vmem>>, vector<1x128xf32>
    %add3A_39 = arith.addf %add3A_35, %get3A_38 : vector<1x128xf32>
    %swap3A_40 = arith.constant 2 : index
    %swap3A_41 = arith.constant 0 : index
    %swap3A_42 = vector.load %arg3[%swap3A_40, %swap3A_41] : memref<64x128xf32, #tpu.memory_space<vmem>>, vector<1x128xf32>
    tpu.vector_store %arg3[%swap3A_40, %swap3A_41], %add3A_39 {strides = array<i32>} : memref<64x128xf32, #tpu.memory_space<vmem>>, vector<1x128xf32>,
    %get3A_43 = arith.constant 0 : index
    %get3A_44 = arith.constant 0 : index
    %get3A_45 = vector.load %arg0[%get3A_43, %get3A_44] : memref<5x128xf32, #tpu.memory_space<vmem>>, vector<1x128xf32>
    %get3A_46 = arith.constant 1 : index
    %get3A_47 = arith.constant 0 : index
    %get3A_48 = vector.load %arg1[%get3A_46, %get3A_47] : memref<6x128xf32, #tpu.memory_space<vmem>>, vector<1x128xf32>
    %add3A_49 = arith.addf %get3A_45, %get3A_48 : vector<1x128xf32>
    %get3A_50 = arith.constant 1 : index
    %get3A_51 = arith.constant 0 : index
    %get3A_52 = vector.load %arg2[%get3A_50, %get3A_51] : memref<2x128xf32, #tpu.memory_space<vmem>>, vector<1x128xf32>
    %add3A_53 = arith.addf %add3A_49, %get3A_52 : vector<1x128xf32>
    %swap3A_54 = arith.constant 3 : index
    %swap3A_55 = arith.constant 0 : index
    %swap3A_56 = vector.load %arg3[%swap3A_54, %swap3A_55] : memref<64x128xf32, #tpu.memory_space<vmem>>, vector<1x128xf32>
    tpu.vector_store %arg3[%swap3A_54, %swap3A_55], %add3A_53 {strides = array<i32>} : memref<64x128xf32, #tpu.memory_space<vmem>>, vector<1x128xf32>,
    %get3A_57 = arith.constant 0 : index
    %get3A_58 = arith.constant 0 : index
    %get3A_59 = vector.load %arg0[%get3A_57, %get3A_58] : memref<5x128xf32, #tpu.memory_space<vmem>>, vector<1x128xf32>
    %get3A_60 = arith.constant 2 : index
    %get3A_61 = arith.constant 0 : index
    %get3A_62 = vector.load %arg1[%get3A_60, %get3A_61] : memref<6x128xf32, #tpu.memory_space<vmem>>, vector<1x128xf32>
    %add3A_63 = arith.addf %get3A_59, %get3A_62 : vector<1x128xf32>
    %get3A_64 = arith.constant 0 : index
    %get3A_65 = arith.constant 0 : index
    %get3A_66 = vector.load %arg2[%get3A_64, %get3A_65] : memref<2x128xf32, #tpu.memory_space<vmem>>, vector<1x128xf32>
    %add3A_67 = arith.addf %add3A_63, %get3A_66 : vector<1x128xf32>
    %swap3A_68 = arith.constant 4 : index
    %swap3A_69 = arith.constant 0 : index
    %swap3A_70 = vector.load %arg3[%swap3A_68, %swap3A_69] : memref<64x128xf32, #tpu.memory_space<vmem>>, vector<1x128xf32>
    tpu.vector_store %arg3[%swap3A_68, %swap3A_69], %add3A_67 {strides = array<i32>} : memref<64x128xf32, #tpu.memory_space<vmem>>, vector<1x128xf32>,
    %get3A_71 = arith.constant 0 : index
    %get3A_72 = arith.constant 0 : index
    %get3A_73 = vector.load %arg0[%get3A_71, %get3A_72] : memref<5x128xf32, #tpu.memory_space<vmem>>, vector<1x128xf32>
    %get3A_74 = arith.constant 2 : index
    %get3A_75 = arith.constant 0 : index
    %get3A_76 = vector.load %arg1[%get3A_74, %get3A_75] : memref<6x128xf32, #tpu.memory_space<vmem>>, vector<1x128xf32>
    %add3A_77 = arith.addf %get3A_73, %get3A_76 : vector<1x128xf32>
    %get3A_78 = arith.constant 1 : index
    %get3A_79 = arith.constant 0 : index
    %get3A_80 = vector.load %arg2[%get3A_78, %get3A_79] : memref<2x128xf32, #tpu.memory_space<vmem>>, vector<1x128xf32>
    %add3A_81 = arith.addf %add3A_77, %get3A_80 : vector<1x128xf32>
    %swap3A_82 = arith.constant 5 : index
    %swap3A_83 = arith.constant 0 : index
    %swap3A_84 = vector.load %arg3[%swap3A_82, %swap3A_83] : memref<64x128xf32, #tpu.memory_space<vmem>>, vector<1x128xf32>
    tpu.vector_store %arg3[%swap3A_82, %swap3A_83], %add3A_81 {strides = array<i32>} : memref<64x128xf32, #tpu.memory_space<vmem>>, vector<1x128xf32>,
    %get3A_85 = arith.constant 0 : index
    %get3A_86 = arith.constant 0 : index
    %get3A_87 = vector.load %arg0[%get3A_85, %get3A_86] : memref<5x128xf32, #tpu.memory_space<vmem>>, vector<1x128xf32>
    %get3A_88 = arith.constant 3 : index
    %get3A_89 = arith.constant 0 : index
    %get3A_90 = vector.load %arg1[%get3A_88, %get3A_89] : memref<6x128xf32, #tpu.memory_space<vmem>>, vector<1x128xf32>
    %add3A_91 = arith.addf %get3A_87, %get3A_90 : vector<1x128xf32>
    %get3A_92 = arith.constant 0 : index
    %get3A_93 = arith.constant 0 : index
    %get3A_94 = vector.load %arg2[%get3A_92, %get3A_93] : memref<2x128xf32, #tpu.memory_space<vmem>>, vector<1x128xf32>
    %add3A_95 = arith.addf %add3A_91, %get3A_94 : vector<1x128xf32>
    %swap3A_96 = arith.constant 6 : index
    %swap3A_97 = arith.constant 0 : index
    %swap3A_98 = vector.load %arg3[%swap3A_96, %swap3A_97] : memref<64x128xf32, #tpu.memory_space<vmem>>, vector<1x128xf32>
    tpu.vector_store %arg3[%swap3A_96, %swap3A_97], %add3A_95 {strides = array<i32>} : memref<64x128xf32, #tpu.memory_space<vmem>>, vector<1x128xf32>,
    %get3A_99 = arith.constant 0 : index
    %get3A_100 = arith.constant 0 : index
    %get3A_101 = vector.load %arg0[%get3A_99, %get3A_100] : memref<5x128xf32, #tpu.memory_space<vmem>>, vector<1x128xf32>
    %get3A_102 = arith.constant 3 : index
    %get3A_103 = arith.constant 0 : index
    %get3A_104 = vector.load %arg1[%get3A_102, %get3A_103] : memref<6x128xf32, #tpu.memory_space<vmem>>, vector<1x128xf32>
    %add3A_105 = arith.addf %get3A_101, %get3A_104 : vector<1x128xf32>
    %get3A_106 = arith.constant 1 : index
    %get3A_107 = arith.constant 0 : index
    %get3A_108 = vector.load %arg2[%get3A_106, %get3A_107] : memref<2x128xf32, #tpu.memory_space<vmem>>, vector<1x128xf32>
    %add3A_109 = arith.addf %add3A_105, %get3A_108 : vector<1x128xf32>
    %swap3A_110 = arith.constant 7 : index
    %swap3A_111 = arith.constant 0 : index
    %swap3A_112 = vector.load %arg3[%swap3A_110, %swap3A_111] : memref<64x128xf32, #tpu.memory_space<vmem>>, vector<1x128xf32>
    tpu.vector_store %arg3[%swap3A_110, %swap3A_111], %add3A_109 {strides = array<i32>} : memref<64x128xf32, #tpu.memory_space<vmem>>, vector<1x128xf32>,
    %get3A_113 = arith.constant 0 : index
    %get3A_114 = arith.constant 0 : index
    %get3A_115 = vector.load %arg0[%get3A_113, %get3A_114] : memref<5x128xf32, #tpu.memory_space<vmem>>, vector<1x128xf32>
    %get3A_116 = arith.constant 4 : index
    %get3A_117 = arith.constant 0 : index
    %get3A_118 = vector.load %arg1[%get3A_116, %get3A_117] : memref<6x128xf32, #tpu.memory_space<vmem>>, vector<1x128xf32>
    %add3A_119 = arith.addf %get3A_115, %get3A_118 : vector<1x128xf32>
    %get3A_120 = arith.constant 0 : index
    %get3A_121 = arith.constant 0 : index
    %get3A_122 = vector.load %arg2[%get3A_120, %get3A_121] : memref<2x128xf32, #tpu.memory_space<vmem>>, vector<1x128xf32>
    %add3A_123 = arith.addf %add3A_119, %get3A_122 : vector<1x128xf32>
    %swap3A_124 = arith.constant 8 : index
    %swap3A_125 = arith.constant 0 : index
    %swap3A_126 = vector.load %arg3[%swap3A_124, %swap3A_125] : memref<64x128xf32, #tpu.memory_space<vmem>>, vector<1x128xf32>
    tpu.vector_store %arg3[%swap3A_124, %swap3A_125], %add3A_123 {strides = array<i32>} : memref<64x128xf32, #tpu.memory_space<vmem>>, vector<1x128xf32>,
    %get3A_127 = arith.constant 0 : index
    %get3A_128 = arith.constant 0 : index
    %get3A_129 = vector.load %arg0[%get3A_127, %get3A_128] : memref<5x128xf32, #tpu.memory_space<vmem>>, vector<1x128xf32>
    %get3A_130 = arith.constant 4 : index
    %get3A_131 = arith.constant 0 : index
    %get3A_132 = vector.load %arg1[%get3A_130, %get3A_131] : memref<6x128xf32, #tpu.memory_space<vmem>>, vector<1x128xf32>
    %add3A_133 = arith.addf %get3A_129, %get3A_132 : vector<1x128xf32>
    %get3A_134 = arith.constant 1 : index
    %get3A_135 = arith.constant 0 : index
    %get3A_136 = vector.load %arg2[%get3A_134, %get3A_135] : memref<2x128xf32, #tpu.memory_space<vmem>>, vector<1x128xf32>
    %add3A_137 = arith.addf %add3A_133, %get3A_136 : vector<1x128xf32>
    %swap3A_138 = arith.constant 9 : index
    %swap3A_139 = arith.constant 0 : index
    %swap3A_140 = vector.load %arg3[%swap3A_138, %swap3A_139] : memref<64x128xf32, #tpu.memory_space<vmem>>, vector<1x128xf32>
    tpu.vector_store %arg3[%swap3A_138, %swap3A_139], %add3A_137 {strides = array<i32>} : memref<64x128xf32, #tpu.memory_space<vmem>>, vector<1x128xf32>,
    %get3A_141 = arith.constant 0 : index
    %get3A_142 = arith.constant 0 : index
    %get3A_143 = vector.load %arg0[%get3A_141, %get3A_142] : memref<5x128xf32, #tpu.memory_space<vmem>>, vector<1x128xf32>
    %get3A_144 = arith.constant 5 : index
    %get3A_145 = arith.constant 0 : index
    %get3A_146 = vector.load %arg1[%get3A_144, %get3A_145] : memref<6x128xf32, #tpu.memory_space<vmem>>, vector<1x128xf32>
    %add3A_147 = arith.addf %get3A_143, %get3A_146 : vector<1x128xf32>
    %get3A_148 = arith.constant 0 : index
    %get3A_149 = arith.constant 0 : index
    %get3A_150 = vector.load %arg2[%get3A_148, %get3A_149] : memref<2x128xf32, #tpu.memory_space<vmem>>, vector<1x128xf32>
    %add3A_151 = arith.addf %add3A_147, %get3A_150 : vector<1x128xf32>
    %swap3A_152 = arith.constant 10 : index
    %swap3A_153 = arith.constant 0 : index
    %swap3A_154 = vector.load %arg3[%swap3A_152, %swap3A_153] : memref<64x128xf32, #tpu.memory_space<vmem>>, vector<1x128xf32>
    tpu.vector_store %arg3[%swap3A_152, %swap3A_153], %add3A_151 {strides = array<i32>} : memref<64x128xf32, #tpu.memory_space<vmem>>, vector<1x128xf32>,
    %get3A_155 = arith.constant 0 : index
    %get3A_156 = arith.constant 0 : index
    %get3A_157 = vector.load %arg0[%get3A_155, %get3A_156] : memref<5x128xf32, #tpu.memory_space<vmem>>, vector<1x128xf32>
    %get3A_158 = arith.constant 5 : index
    %get3A_159 = arith.constant 0 : index
    %get3A_160 = vector.load %arg1[%get3A_158, %get3A_159] : memref<6x128xf32, #tpu.memory_space<vmem>>, vector<1x128xf32>
    %add3A_161 = arith.addf %get3A_157, %get3A_160 : vector<1x128xf32>
    %get3A_162 = arith.constant 1 : index
    %get3A_163 = arith.constant 0 : index
    %get3A_164 = vector.load %arg2[%get3A_162, %get3A_163] : memref<2x128xf32, #tpu.memory_space<vmem>>, vector<1x128xf32>
    %add3A_165 = arith.addf %add3A_161, %get3A_164 : vector<1x128xf32>
    %swap3A_166 = arith.constant 11 : index
    %swap3A_167 = arith.constant 0 : index
    %swap3A_168 = vector.load %arg3[%swap3A_166, %swap3A_167] : memref<64x128xf32, #tpu.memory_space<vmem>>, vector<1x128xf32>
    tpu.vector_store %arg3[%swap3A_166, %swap3A_167], %add3A_165 {strides = array<i32>} : memref<64x128xf32, #tpu.memory_space<vmem>>, vector<1x128xf32>,
    %get3A_169 = arith.constant 1 : index
    %get3A_170 = arith.constant 0 : index
    %get3A_171 = vector.load %arg0[%get3A_169, %get3A_170] : memref<5x128xf32, #tpu.memory_space<vmem>>, vector<1x128xf32>
    %get3A_172 = arith.constant 0 : index
    %get3A_173 = arith.constant 0 : index
    %get3A_174 = vector.load %arg1[%get3A_172, %get3A_173] : memref<6x128xf32, #tpu.memory_space<vmem>>, vector<1x128xf32>
    %add3A_175 = arith.addf %get3A_171, %get3A_174 : vector<1x128xf32>
    %get3A_176 = arith.constant 0 : index
    %get3A_177 = arith.constant 0 : index
    %get3A_178 = vector.load %arg2[%get3A_176, %get3A_177] : memref<2x128xf32, #tpu.memory_space<vmem>>, vector<1x128xf32>
    %add3A_179 = arith.addf %add3A_175, %get3A_178 : vector<1x128xf32>
    %swap3A_180 = arith.constant 12 : index
    %swap3A_181 = arith.constant 0 : index
    %swap3A_182 = vector.load %arg3[%swap3A_180, %swap3A_181] : memref<64x128xf32, #tpu.memory_space<vmem>>, vector<1x128xf32>
    tpu.vector_store %arg3[%swap3A_180, %swap3A_181], %add3A_179 {strides = array<i32>} : memref<64x128xf32, #tpu.memory_space<vmem>>, vector<1x128xf32>,
    %get3A_183 = arith.constant 1 : index
    %get3A_184 = arith.constant 0 : index
    %get3A_185 = vector.load %arg0[%get3A_183, %get3A_184] : memref<5x128xf32, #tpu.memory_space<vmem>>, vector<1x128xf32>
    %get3A_186 = arith.constant 0 : index
    %get3A_187 = arith.constant 0 : index
    %get3A_188 = vector.load %arg1[%get3A_186, %get3A_187] : memref<6x128xf32, #tpu.memory_space<vmem>>, vector<1x128xf32>
    %add3A_189 = arith.addf %get3A_185, %get3A_188 : vector<1x128xf32>
    %get3A_190 = arith.constant 1 : index
    %get3A_191 = arith.constant 0 : index
    %get3A_192 = vector.load %arg2[%get3A_190, %get3A_191] : memref<2x128xf32, #tpu.memory_space<vmem>>, vector<1x128xf32>
    %add3A_193 = arith.addf %add3A_189, %get3A_192 : vector<1x128xf32>
    %swap3A_194 = arith.constant 13 : index
    %swap3A_195 = arith.constant 0 : index
    %swap3A_196 = vector.load %arg3[%swap3A_194, %swap3A_195] : memref<64x128xf32, #tpu.memory_space<vmem>>, vector<1x128xf32>
    tpu.vector_store %arg3[%swap3A_194, %swap3A_195], %add3A_193 {strides = array<i32>} : memref<64x128xf32, #tpu.memory_space<vmem>>, vector<1x128xf32>,
    %get3A_197 = arith.constant 1 : index
    %get3A_198 = arith.constant 0 : index
    %get3A_199 = vector.load %arg0[%get3A_197, %get3A_198] : memref<5x128xf32, #tpu.memory_space<vmem>>, vector<1x128xf32>
    %get3A_200 = arith.constant 1 : index
    %get3A_201 = arith.constant 0 : index
    %get3A_202 = vector.load %arg1[%get3A_200, %get3A_201] : memref<6x128xf32, #tpu.memory_space<vmem>>, vector<1x128xf32>
    %add3A_203 = arith.addf %get3A_199, %get3A_202 : vector<1x128xf32>
    %get3A_204 = arith.constant 0 : index
    %get3A_205 = arith.constant 0 : index
    %get3A_206 = vector.load %arg2[%get3A_204, %get3A_205] : memref<2x128xf32, #tpu.memory_space<vmem>>, vector<1x128xf32>
    %add3A_207 = arith.addf %add3A_203, %get3A_206 : vector<1x128xf32>
    %swap3A_208 = arith.constant 14 : index
    %swap3A_209 = arith.constant 0 : index
    %swap3A_210 = vector.load %arg3[%swap3A_208, %swap3A_209] : memref<64x128xf32, #tpu.memory_space<vmem>>, vector<1x128xf32>
    tpu.vector_store %arg3[%swap3A_208, %swap3A_209], %add3A_207 {strides = array<i32>} : memref<64x128xf32, #tpu.memory_space<vmem>>, vector<1x128xf32>,
    %get3A_211 = arith.constant 1 : index
    %get3A_212 = arith.constant 0 : index
    %get3A_213 = vector.load %arg0[%get3A_211, %get3A_212] : memref<5x128xf32, #tpu.memory_space<vmem>>, vector<1x128xf32>
    %get3A_214 = arith.constant 1 : index
    %get3A_215 = arith.constant 0 : index
    %get3A_216 = vector.load %arg1[%get3A_214, %get3A_215] : memref<6x128xf32, #tpu.memory_space<vmem>>, vector<1x128xf32>
    %add3A_217 = arith.addf %get3A_213, %get3A_216 : vector<1x128xf32>
    %get3A_218 = arith.constant 1 : index
    %get3A_219 = arith.constant 0 : index
    %get3A_220 = vector.load %arg2[%get3A_218, %get3A_219] : memref<2x128xf32, #tpu.memory_space<vmem>>, vector<1x128xf32>
    %add3A_221 = arith.addf %add3A_217, %get3A_220 : vector<1x128xf32>
    %swap3A_222 = arith.constant 15 : index
    %swap3A_223 = arith.constant 0 : index
    %swap3A_224 = vector.load %arg3[%swap3A_222, %swap3A_223] : memref<64x128xf32, #tpu.memory_space<vmem>>, vector<1x128xf32>
    tpu.vector_store %arg3[%swap3A_222, %swap3A_223], %add3A_221 {strides = array<i32>} : memref<64x128xf32, #tpu.memory_space<vmem>>, vector<1x128xf32>,
    %get3A_225 = arith.constant 1 : index
    %get3A_226 = arith.constant 0 : index
    %get3A_227 = vector.load %arg0[%get3A_225, %get3A_226] : memref<5x128xf32, #tpu.memory_space<vmem>>, vector<1x128xf32>
    %get3A_228 = arith.constant 2 : index
    %get3A_229 = arith.constant 0 : index
    %get3A_230 = vector.load %arg1[%get3A_228, %get3A_229] : memref<6x128xf32, #tpu.memory_space<vmem>>, vector<1x128xf32>
    %add3A_231 = arith.addf %get3A_227, %get3A_230 : vector<1x128xf32>
    %get3A_232 = arith.constant 0 : index
    %get3A_233 = arith.constant 0 : index
    %get3A_234 = vector.load %arg2[%get3A_232, %get3A_233] : memref<2x128xf32, #tpu.memory_space<vmem>>, vector<1x128xf32>
    %add3A_235 = arith.addf %add3A_231, %get3A_234 : vector<1x128xf32>
    %swap3A_236 = arith.constant 16 : index
    %swap3A_237 = arith.constant 0 : index
    %swap3A_238 = vector.load %arg3[%swap3A_236, %swap3A_237] : memref<64x128xf32, #tpu.memory_space<vmem>>, vector<1x128xf32>
    tpu.vector_store %arg3[%swap3A_236, %swap3A_237], %add3A_235 {strides = array<i32>} : memref<64x128xf32, #tpu.memory_space<vmem>>, vector<1x128xf32>,
    %get3A_239 = arith.constant 1 : index
    %get3A_240 = arith.constant 0 : index
    %get3A_241 = vector.load %arg0[%get3A_239, %get3A_240] : memref<5x128xf32, #tpu.memory_space<vmem>>, vector<1x128xf32>
    %get3A_242 = arith.constant 2 : index
    %get3A_243 = arith.constant 0 : index
    %get3A_244 = vector.load %arg1[%get3A_242, %get3A_243] : memref<6x128xf32, #tpu.memory_space<vmem>>, vector<1x128xf32>
    %add3A_245 = arith.addf %get3A_241, %get3A_244 : vector<1x128xf32>
    %get3A_246 = arith.constant 1 : index
    %get3A_247 = arith.constant 0 : index
    %get3A_248 = vector.load %arg2[%get3A_246, %get3A_247] : memref<2x128xf32, #tpu.memory_space<vmem>>, vector<1x128xf32>
    %add3A_249 = arith.addf %add3A_245, %get3A_248 : vector<1x128xf32>
    %swap3A_250 = arith.constant 17 : index
    %swap3A_251 = arith.constant 0 : index
    %swap3A_252 = vector.load %arg3[%swap3A_250, %swap3A_251] : memref<64x128xf32, #tpu.memory_space<vmem>>, vector<1x128xf32>
    tpu.vector_store %arg3[%swap3A_250, %swap3A_251], %add3A_249 {strides = array<i32>} : memref<64x128xf32, #tpu.memory_space<vmem>>, vector<1x128xf32>,
    %get3A_253 = arith.constant 1 : index
    %get3A_254 = arith.constant 0 : index
    %get3A_255 = vector.load %arg0[%get3A_253, %get3A_254] : memref<5x128xf32, #tpu.memory_space<vmem>>, vector<1x128xf32>
    %get3A_256 = arith.constant 3 : index
    %get3A_257 = arith.constant 0 : index
    %get3A_258 = vector.load %arg1[%get3A_256, %get3A_257] : memref<6x128xf32, #tpu.memory_space<vmem>>, vector<1x128xf32>
    %add3A_259 = arith.addf %get3A_255, %get3A_258 : vector<1x128xf32>
    %get3A_260 = arith.constant 0 : index
    %get3A_261 = arith.constant 0 : index
    %get3A_262 = vector.load %arg2[%get3A_260, %get3A_261] : memref<2x128xf32, #tpu.memory_space<vmem>>, vector<1x128xf32>
    %add3A_263 = arith.addf %add3A_259, %get3A_262 : vector<1x128xf32>
    %swap3A_264 = arith.constant 18 : index
    %swap3A_265 = arith.constant 0 : index
    %swap3A_266 = vector.load %arg3[%swap3A_264, %swap3A_265] : memref<64x128xf32, #tpu.memory_space<vmem>>, vector<1x128xf32>
    tpu.vector_store %arg3[%swap3A_264, %swap3A_265], %add3A_263 {strides = array<i32>} : memref<64x128xf32, #tpu.memory_space<vmem>>, vector<1x128xf32>,
    %get3A_267 = arith.constant 1 : index
    %get3A_268 = arith.constant 0 : index
    %get3A_269 = vector.load %arg0[%get3A_267, %get3A_268] : memref<5x128xf32, #tpu.memory_space<vmem>>, vector<1x128xf32>
    %get3A_270 = arith.constant 3 : index
    %get3A_271 = arith.constant 0 : index
    %get3A_272 = vector.load %arg1[%get3A_270, %get3A_271] : memref<6x128xf32, #tpu.memory_space<vmem>>, vector<1x128xf32>
    %add3A_273 = arith.addf %get3A_269, %get3A_272 : vector<1x128xf32>
    %get3A_274 = arith.constant 1 : index
    %get3A_275 = arith.constant 0 : index
    %get3A_276 = vector.load %arg2[%get3A_274, %get3A_275] : memref<2x128xf32, #tpu.memory_space<vmem>>, vector<1x128xf32>
    %add3A_277 = arith.addf %add3A_273, %get3A_276 : vector<1x128xf32>
    %swap3A_278 = arith.constant 19 : index
    %swap3A_279 = arith.constant 0 : index
    %swap3A_280 = vector.load %arg3[%swap3A_278, %swap3A_279] : memref<64x128xf32, #tpu.memory_space<vmem>>, vector<1x128xf32>
    tpu.vector_store %arg3[%swap3A_278, %swap3A_279], %add3A_277 {strides = array<i32>} : memref<64x128xf32, #tpu.memory_space<vmem>>, vector<1x128xf32>,
    %get3A_281 = arith.constant 1 : index
    %get3A_282 = arith.constant 0 : index
    %get3A_283 = vector.load %arg0[%get3A_281, %get3A_282] : memref<5x128xf32, #tpu.memory_space<vmem>>, vector<1x128xf32>
    %get3A_284 = arith.constant 4 : index
    %get3A_285 = arith.constant 0 : index
    %get3A_286 = vector.load %arg1[%get3A_284, %get3A_285] : memref<6x128xf32, #tpu.memory_space<vmem>>, vector<1x128xf32>
    %add3A_287 = arith.addf %get3A_283, %get3A_286 : vector<1x128xf32>
    %get3A_288 = arith.constant 0 : index
    %get3A_289 = arith.constant 0 : index
    %get3A_290 = vector.load %arg2[%get3A_288, %get3A_289] : memref<2x128xf32, #tpu.memory_space<vmem>>, vector<1x128xf32>
    %add3A_291 = arith.addf %add3A_287, %get3A_290 : vector<1x128xf32>
    %swap3A_292 = arith.constant 20 : index
    %swap3A_293 = arith.constant 0 : index
    %swap3A_294 = vector.load %arg3[%swap3A_292, %swap3A_293] : memref<64x128xf32, #tpu.memory_space<vmem>>, vector<1x128xf32>
    tpu.vector_store %arg3[%swap3A_292, %swap3A_293], %add3A_291 {strides = array<i32>} : memref<64x128xf32, #tpu.memory_space<vmem>>, vector<1x128xf32>,
    %get3A_295 = arith.constant 1 : index
    %get3A_296 = arith.constant 0 : index
    %get3A_297 = vector.load %arg0[%get3A_295, %get3A_296] : memref<5x128xf32, #tpu.memory_space<vmem>>, vector<1x128xf32>
    %get3A_298 = arith.constant 4 : index
    %get3A_299 = arith.constant 0 : index
    %get3A_300 = vector.load %arg1[%get3A_298, %get3A_299] : memref<6x128xf32, #tpu.memory_space<vmem>>, vector<1x128xf32>
    %add3A_301 = arith.addf %get3A_297, %get3A_300 : vector<1x128xf32>
    %get3A_302 = arith.constant 1 : index
    %get3A_303 = arith.constant 0 : index
    %get3A_304 = vector.load %arg2[%get3A_302, %get3A_303] : memref<2x128xf32, #tpu.memory_space<vmem>>, vector<1x128xf32>
    %add3A_305 = arith.addf %add3A_301, %get3A_304 : vector<1x128xf32>
    %swap3A_306 = arith.constant 21 : index
    %swap3A_307 = arith.constant 0 : index
    %swap3A_308 = vector.load %arg3[%swap3A_306, %swap3A_307] : memref<64x128xf32, #tpu.memory_space<vmem>>, vector<1x128xf32>
    tpu.vector_store %arg3[%swap3A_306, %swap3A_307], %add3A_305 {strides = array<i32>} : memref<64x128xf32, #tpu.memory_space<vmem>>, vector<1x128xf32>,
    %get3A_309 = arith.constant 1 : index
    %get3A_310 = arith.constant 0 : index
    %get3A_311 = vector.load %arg0[%get3A_309, %get3A_310] : memref<5x128xf32, #tpu.memory_space<vmem>>, vector<1x128xf32>
    %get3A_312 = arith.constant 5 : index
    %get3A_313 = arith.constant 0 : index
    %get3A_314 = vector.load %arg1[%get3A_312, %get3A_313] : memref<6x128xf32, #tpu.memory_space<vmem>>, vector<1x128xf32>
    %add3A_315 = arith.addf %get3A_311, %get3A_314 : vector<1x128xf32>
    %get3A_316 = arith.constant 0 : index
    %get3A_317 = arith.constant 0 : index
    %get3A_318 = vector.load %arg2[%get3A_316, %get3A_317] : memref<2x128xf32, #tpu.memory_space<vmem>>, vector<1x128xf32>
    %add3A_319 = arith.addf %add3A_315, %get3A_318 : vector<1x128xf32>
    %swap3A_320 = arith.constant 22 : index
    %swap3A_321 = arith.constant 0 : index
    %swap3A_322 = vector.load %arg3[%swap3A_320, %swap3A_321] : memref<64x128xf32, #tpu.memory_space<vmem>>, vector<1x128xf32>
    tpu.vector_store %arg3[%swap3A_320, %swap3A_321], %add3A_319 {strides = array<i32>} : memref<64x128xf32, #tpu.memory_space<vmem>>, vector<1x128xf32>,
    %get3A_323 = arith.constant 1 : index
    %get3A_324 = arith.constant 0 : index
    %get3A_325 = vector.load %arg0[%get3A_323, %get3A_324] : memref<5x128xf32, #tpu.memory_space<vmem>>, vector<1x128xf32>
    %get3A_326 = arith.constant 5 : index
    %get3A_327 = arith.constant 0 : index
    %get3A_328 = vector.load %arg1[%get3A_326, %get3A_327] : memref<6x128xf32, #tpu.memory_space<vmem>>, vector<1x128xf32>
    %add3A_329 = arith.addf %get3A_325, %get3A_328 : vector<1x128xf32>
    %get3A_330 = arith.constant 1 : index
    %get3A_331 = arith.constant 0 : index
    %get3A_332 = vector.load %arg2[%get3A_330, %get3A_331] : memref<2x128xf32, #tpu.memory_space<vmem>>, vector<1x128xf32>
    %add3A_333 = arith.addf %add3A_329, %get3A_332 : vector<1x128xf32>
    %swap3A_334 = arith.constant 23 : index
    %swap3A_335 = arith.constant 0 : index
    %swap3A_336 = vector.load %arg3[%swap3A_334, %swap3A_335] : memref<64x128xf32, #tpu.memory_space<vmem>>, vector<1x128xf32>
    tpu.vector_store %arg3[%swap3A_334, %swap3A_335], %add3A_333 {strides = array<i32>} : memref<64x128xf32, #tpu.memory_space<vmem>>, vector<1x128xf32>,
    %get3A_337 = arith.constant 2 : index
    %get3A_338 = arith.constant 0 : index
    %get3A_339 = vector.load %arg0[%get3A_337, %get3A_338] : memref<5x128xf32, #tpu.memory_space<vmem>>, vector<1x128xf32>
    %get3A_340 = arith.constant 0 : index
    %get3A_341 = arith.constant 0 : index
    %get3A_342 = vector.load %arg1[%get3A_340, %get3A_341] : memref<6x128xf32, #tpu.memory_space<vmem>>, vector<1x128xf32>
    %add3A_343 = arith.addf %get3A_339, %get3A_342 : vector<1x128xf32>
    %get3A_344 = arith.constant 0 : index
    %get3A_345 = arith.constant 0 : index
    %get3A_346 = vector.load %arg2[%get3A_344, %get3A_345] : memref<2x128xf32, #tpu.memory_space<vmem>>, vector<1x128xf32>
    %add3A_347 = arith.addf %add3A_343, %get3A_346 : vector<1x128xf32>
    %swap3A_348 = arith.constant 24 : index
    %swap3A_349 = arith.constant 0 : index
    %swap3A_350 = vector.load %arg3[%swap3A_348, %swap3A_349] : memref<64x128xf32, #tpu.memory_space<vmem>>, vector<1x128xf32>
    tpu.vector_store %arg3[%swap3A_348, %swap3A_349], %add3A_347 {strides = array<i32>} : memref<64x128xf32, #tpu.memory_space<vmem>>, vector<1x128xf32>,
    %get3A_351 = arith.constant 2 : index
    %get3A_352 = arith.constant 0 : index
    %get3A_353 = vector.load %arg0[%get3A_351, %get3A_352] : memref<5x128xf32, #tpu.memory_space<vmem>>, vector<1x128xf32>
    %get3A_354 = arith.constant 0 : index
    %get3A_355 = arith.constant 0 : index
    %get3A_356 = vector.load %arg1[%get3A_354, %get3A_355] : memref<6x128xf32, #tpu.memory_space<vmem>>, vector<1x128xf32>
    %add3A_357 = arith.addf %get3A_353, %get3A_356 : vector<1x128xf32>
    %get3A_358 = arith.constant 1 : index
    %get3A_359 = arith.constant 0 : index
    %get3A_360 = vector.load %arg2[%get3A_358, %get3A_359] : memref<2x128xf32, #tpu.memory_space<vmem>>, vector<1x128xf32>
    %add3A_361 = arith.addf %add3A_357, %get3A_360 : vector<1x128xf32>
    %swap3A_362 = arith.constant 25 : index
    %swap3A_363 = arith.constant 0 : index
    %swap3A_364 = vector.load %arg3[%swap3A_362, %swap3A_363] : memref<64x128xf32, #tpu.memory_space<vmem>>, vector<1x128xf32>
    tpu.vector_store %arg3[%swap3A_362, %swap3A_363], %add3A_361 {strides = array<i32>} : memref<64x128xf32, #tpu.memory_space<vmem>>, vector<1x128xf32>,
    %get3A_365 = arith.constant 2 : index
    %get3A_366 = arith.constant 0 : index
    %get3A_367 = vector.load %arg0[%get3A_365, %get3A_366] : memref<5x128xf32, #tpu.memory_space<vmem>>, vector<1x128xf32>
    %get3A_368 = arith.constant 1 : index
    %get3A_369 = arith.constant 0 : index
    %get3A_370 = vector.load %arg1[%get3A_368, %get3A_369] : memref<6x128xf32, #tpu.memory_space<vmem>>, vector<1x128xf32>
    %add3A_371 = arith.addf %get3A_367, %get3A_370 : vector<1x128xf32>
    %get3A_372 = arith.constant 0 : index
    %get3A_373 = arith.constant 0 : index
    %get3A_374 = vector.load %arg2[%get3A_372, %get3A_373] : memref<2x128xf32, #tpu.memory_space<vmem>>, vector<1x128xf32>
    %add3A_375 = arith.addf %add3A_371, %get3A_374 : vector<1x128xf32>
    %swap3A_376 = arith.constant 26 : index
    %swap3A_377 = arith.constant 0 : index
    %swap3A_378 = vector.load %arg3[%swap3A_376, %swap3A_377] : memref<64x128xf32, #tpu.memory_space<vmem>>, vector<1x128xf32>
    tpu.vector_store %arg3[%swap3A_376, %swap3A_377], %add3A_375 {strides = array<i32>} : memref<64x128xf32, #tpu.memory_space<vmem>>, vector<1x128xf32>,
    %get3A_379 = arith.constant 2 : index
    %get3A_380 = arith.constant 0 : index
    %get3A_381 = vector.load %arg0[%get3A_379, %get3A_380] : memref<5x128xf32, #tpu.memory_space<vmem>>, vector<1x128xf32>
    %get3A_382 = arith.constant 1 : index
    %get3A_383 = arith.constant 0 : index
    %get3A_384 = vector.load %arg1[%get3A_382, %get3A_383] : memref<6x128xf32, #tpu.memory_space<vmem>>, vector<1x128xf32>
    %add3A_385 = arith.addf %get3A_381, %get3A_384 : vector<1x128xf32>
    %get3A_386 = arith.constant 1 : index
    %get3A_387 = arith.constant 0 : index
    %get3A_388 = vector.load %arg2[%get3A_386, %get3A_387] : memref<2x128xf32, #tpu.memory_space<vmem>>, vector<1x128xf32>
    %add3A_389 = arith.addf %add3A_385, %get3A_388 : vector<1x128xf32>
    %swap3A_390 = arith.constant 27 : index
    %swap3A_391 = arith.constant 0 : index
    %swap3A_392 = vector.load %arg3[%swap3A_390, %swap3A_391] : memref<64x128xf32, #tpu.memory_space<vmem>>, vector<1x128xf32>
    tpu.vector_store %arg3[%swap3A_390, %swap3A_391], %add3A_389 {strides = array<i32>} : memref<64x128xf32, #tpu.memory_space<vmem>>, vector<1x128xf32>,
    %get3A_393 = arith.constant 2 : index
    %get3A_394 = arith.constant 0 : index
    %get3A_395 = vector.load %arg0[%get3A_393, %get3A_394] : memref<5x128xf32, #tpu.memory_space<vmem>>, vector<1x128xf32>
    %get3A_396 = arith.constant 2 : index
    %get3A_397 = arith.constant 0 : index
    %get3A_398 = vector.load %arg1[%get3A_396, %get3A_397] : memref<6x128xf32, #tpu.memory_space<vmem>>, vector<1x128xf32>
    %add3A_399 = arith.addf %get3A_395, %get3A_398 : vector<1x128xf32>
    %get3A_400 = arith.constant 0 : index
    %get3A_401 = arith.constant 0 : index
    %get3A_402 = vector.load %arg2[%get3A_400, %get3A_401] : memref<2x128xf32, #tpu.memory_space<vmem>>, vector<1x128xf32>
    %add3A_403 = arith.addf %add3A_399, %get3A_402 : vector<1x128xf32>
    %swap3A_404 = arith.constant 28 : index
    %swap3A_405 = arith.constant 0 : index
    %swap3A_406 = vector.load %arg3[%swap3A_404, %swap3A_405] : memref<64x128xf32, #tpu.memory_space<vmem>>, vector<1x128xf32>
    tpu.vector_store %arg3[%swap3A_404, %swap3A_405], %add3A_403 {strides = array<i32>} : memref<64x128xf32, #tpu.memory_space<vmem>>, vector<1x128xf32>,
    %get3A_407 = arith.constant 2 : index
    %get3A_408 = arith.constant 0 : index
    %get3A_409 = vector.load %arg0[%get3A_407, %get3A_408] : memref<5x128xf32, #tpu.memory_space<vmem>>, vector<1x128xf32>
    %get3A_410 = arith.constant 2 : index
    %get3A_411 = arith.constant 0 : index
    %get3A_412 = vector.load %arg1[%get3A_410, %get3A_411] : memref<6x128xf32, #tpu.memory_space<vmem>>, vector<1x128xf32>
    %add3A_413 = arith.addf %get3A_409, %get3A_412 : vector<1x128xf32>
    %get3A_414 = arith.constant 1 : index
    %get3A_415 = arith.constant 0 : index
    %get3A_416 = vector.load %arg2[%get3A_414, %get3A_415] : memref<2x128xf32, #tpu.memory_space<vmem>>, vector<1x128xf32>
    %add3A_417 = arith.addf %add3A_413, %get3A_416 : vector<1x128xf32>
    %swap3A_418 = arith.constant 29 : index
    %swap3A_419 = arith.constant 0 : index
    %swap3A_420 = vector.load %arg3[%swap3A_418, %swap3A_419] : memref<64x128xf32, #tpu.memory_space<vmem>>, vector<1x128xf32>
    tpu.vector_store %arg3[%swap3A_418, %swap3A_419], %add3A_417 {strides = array<i32>} : memref<64x128xf32, #tpu.memory_space<vmem>>, vector<1x128xf32>,
    %get3A_421 = arith.constant 2 : index
    %get3A_422 = arith.constant 0 : index
    %get3A_423 = vector.load %arg0[%get3A_421, %get3A_422] : memref<5x128xf32, #tpu.memory_space<vmem>>, vector<1x128xf32>
    %get3A_424 = arith.constant 3 : index
    %get3A_425 = arith.constant 0 : index
    %get3A_426 = vector.load %arg1[%get3A_424, %get3A_425] : memref<6x128xf32, #tpu.memory_space<vmem>>, vector<1x128xf32>
    %add3A_427 = arith.addf %get3A_423, %get3A_426 : vector<1x128xf32>
    %get3A_428 = arith.constant 0 : index
    %get3A_429 = arith.constant 0 : index
    %get3A_430 = vector.load %arg2[%get3A_428, %get3A_429] : memref<2x128xf32, #tpu.memory_space<vmem>>, vector<1x128xf32>
    %add3A_431 = arith.addf %add3A_427, %get3A_430 : vector<1x128xf32>
    %swap3A_432 = arith.constant 30 : index
    %swap3A_433 = arith.constant 0 : index
    %swap3A_434 = vector.load %arg3[%swap3A_432, %swap3A_433] : memref<64x128xf32, #tpu.memory_space<vmem>>, vector<1x128xf32>
    tpu.vector_store %arg3[%swap3A_432, %swap3A_433], %add3A_431 {strides = array<i32>} : memref<64x128xf32, #tpu.memory_space<vmem>>, vector<1x128xf32>,
    %get3A_435 = arith.constant 2 : index
    %get3A_436 = arith.constant 0 : index
    %get3A_437 = vector.load %arg0[%get3A_435, %get3A_436] : memref<5x128xf32, #tpu.memory_space<vmem>>, vector<1x128xf32>
    %get3A_438 = arith.constant 3 : index
    %get3A_439 = arith.constant 0 : index
    %get3A_440 = vector.load %arg1[%get3A_438, %get3A_439] : memref<6x128xf32, #tpu.memory_space<vmem>>, vector<1x128xf32>
    %add3A_441 = arith.addf %get3A_437, %get3A_440 : vector<1x128xf32>
    %get3A_442 = arith.constant 1 : index
    %get3A_443 = arith.constant 0 : index
    %get3A_444 = vector.load %arg2[%get3A_442, %get3A_443] : memref<2x128xf32, #tpu.memory_space<vmem>>, vector<1x128xf32>
    %add3A_445 = arith.addf %add3A_441, %get3A_444 : vector<1x128xf32>
    %swap3A_446 = arith.constant 31 : index
    %swap3A_447 = arith.constant 0 : index
    %swap3A_448 = vector.load %arg3[%swap3A_446, %swap3A_447] : memref<64x128xf32, #tpu.memory_space<vmem>>, vector<1x128xf32>
    tpu.vector_store %arg3[%swap3A_446, %swap3A_447], %add3A_445 {strides = array<i32>} : memref<64x128xf32, #tpu.memory_space<vmem>>, vector<1x128xf32>,
    %get3A_449 = arith.constant 2 : index
    %get3A_450 = arith.constant 0 : index
    %get3A_451 = vector.load %arg0[%get3A_449, %get3A_450] : memref<5x128xf32, #tpu.memory_space<vmem>>, vector<1x128xf32>
    %get3A_452 = arith.constant 4 : index
    %get3A_453 = arith.constant 0 : index
    %get3A_454 = vector.load %arg1[%get3A_452, %get3A_453] : memref<6x128xf32, #tpu.memory_space<vmem>>, vector<1x128xf32>
    %add3A_455 = arith.addf %get3A_451, %get3A_454 : vector<1x128xf32>
    %get3A_456 = arith.constant 0 : index
    %get3A_457 = arith.constant 0 : index
    %get3A_458 = vector.load %arg2[%get3A_456, %get3A_457] : memref<2x128xf32, #tpu.memory_space<vmem>>, vector<1x128xf32>
    %add3A_459 = arith.addf %add3A_455, %get3A_458 : vector<1x128xf32>
    %swap3A_460 = arith.constant 32 : index
    %swap3A_461 = arith.constant 0 : index
    %swap3A_462 = vector.load %arg3[%swap3A_460, %swap3A_461] : memref<64x128xf32, #tpu.memory_space<vmem>>, vector<1x128xf32>
    tpu.vector_store %arg3[%swap3A_460, %swap3A_461], %add3A_459 {strides = array<i32>} : memref<64x128xf32, #tpu.memory_space<vmem>>, vector<1x128xf32>,
    %get3A_463 = arith.constant 2 : index
    %get3A_464 = arith.constant 0 : index
    %get3A_465 = vector.load %arg0[%get3A_463, %get3A_464] : memref<5x128xf32, #tpu.memory_space<vmem>>, vector<1x128xf32>
    %get3A_466 = arith.constant 4 : index
    %get3A_467 = arith.constant 0 : index
    %get3A_468 = vector.load %arg1[%get3A_466, %get3A_467] : memref<6x128xf32, #tpu.memory_space<vmem>>, vector<1x128xf32>
    %add3A_469 = arith.addf %get3A_465, %get3A_468 : vector<1x128xf32>
    %get3A_470 = arith.constant 1 : index
    %get3A_471 = arith.constant 0 : index
    %get3A_472 = vector.load %arg2[%get3A_470, %get3A_471] : memref<2x128xf32, #tpu.memory_space<vmem>>, vector<1x128xf32>
    %add3A_473 = arith.addf %add3A_469, %get3A_472 : vector<1x128xf32>
    %swap3A_474 = arith.constant 33 : index
    %swap3A_475 = arith.constant 0 : index
    %swap3A_476 = vector.load %arg3[%swap3A_474, %swap3A_475] : memref<64x128xf32, #tpu.memory_space<vmem>>, vector<1x128xf32>
    tpu.vector_store %arg3[%swap3A_474, %swap3A_475], %add3A_473 {strides = array<i32>} : memref<64x128xf32, #tpu.memory_space<vmem>>, vector<1x128xf32>,
    %get3A_477 = arith.constant 2 : index
    %get3A_478 = arith.constant 0 : index
    %get3A_479 = vector.load %arg0[%get3A_477, %get3A_478] : memref<5x128xf32, #tpu.memory_space<vmem>>, vector<1x128xf32>
    %get3A_480 = arith.constant 5 : index
    %get3A_481 = arith.constant 0 : index
    %get3A_482 = vector.load %arg1[%get3A_480, %get3A_481] : memref<6x128xf32, #tpu.memory_space<vmem>>, vector<1x128xf32>
    %add3A_483 = arith.addf %get3A_479, %get3A_482 : vector<1x128xf32>
    %get3A_484 = arith.constant 0 : index
    %get3A_485 = arith.constant 0 : index
    %get3A_486 = vector.load %arg2[%get3A_484, %get3A_485] : memref<2x128xf32, #tpu.memory_space<vmem>>, vector<1x128xf32>
    %add3A_487 = arith.addf %add3A_483, %get3A_486 : vector<1x128xf32>
    %swap3A_488 = arith.constant 34 : index
    %swap3A_489 = arith.constant 0 : index
    %swap3A_490 = vector.load %arg3[%swap3A_488, %swap3A_489] : memref<64x128xf32, #tpu.memory_space<vmem>>, vector<1x128xf32>
    tpu.vector_store %arg3[%swap3A_488, %swap3A_489], %add3A_487 {strides = array<i32>} : memref<64x128xf32, #tpu.memory_space<vmem>>, vector<1x128xf32>,
    %get3A_491 = arith.constant 2 : index
    %get3A_492 = arith.constant 0 : index
    %get3A_493 = vector.load %arg0[%get3A_491, %get3A_492] : memref<5x128xf32, #tpu.memory_space<vmem>>, vector<1x128xf32>
    %get3A_494 = arith.constant 5 : index
    %get3A_495 = arith.constant 0 : index
    %get3A_496 = vector.load %arg1[%get3A_494, %get3A_495] : memref<6x128xf32, #tpu.memory_space<vmem>>, vector<1x128xf32>
    %add3A_497 = arith.addf %get3A_493, %get3A_496 : vector<1x128xf32>
    %get3A_498 = arith.constant 1 : index
    %get3A_499 = arith.constant 0 : index
    %get3A_500 = vector.load %arg2[%get3A_498, %get3A_499] : memref<2x128xf32, #tpu.memory_space<vmem>>, vector<1x128xf32>
    %add3A_501 = arith.addf %add3A_497, %get3A_500 : vector<1x128xf32>
    %swap3A_502 = arith.constant 35 : index
    %swap3A_503 = arith.constant 0 : index
    %swap3A_504 = vector.load %arg3[%swap3A_502, %swap3A_503] : memref<64x128xf32, #tpu.memory_space<vmem>>, vector<1x128xf32>
    tpu.vector_store %arg3[%swap3A_502, %swap3A_503], %add3A_501 {strides = array<i32>} : memref<64x128xf32, #tpu.memory_space<vmem>>, vector<1x128xf32>,
    %get3A_505 = arith.constant 3 : index
    %get3A_506 = arith.constant 0 : index
    %get3A_507 = vector.load %arg0[%get3A_505, %get3A_506] : memref<5x128xf32, #tpu.memory_space<vmem>>, vector<1x128xf32>
    %get3A_508 = arith.constant 0 : index
    %get3A_509 = arith.constant 0 : index
    %get3A_510 = vector.load %arg1[%get3A_508, %get3A_509] : memref<6x128xf32, #tpu.memory_space<vmem>>, vector<1x128xf32>
    %add3A_511 = arith.addf %get3A_507, %get3A_510 : vector<1x128xf32>
    %get3A_512 = arith.constant 0 : index
    %get3A_513 = arith.constant 0 : index
    %get3A_514 = vector.load %arg2[%get3A_512, %get3A_513] : memref<2x128xf32, #tpu.memory_space<vmem>>, vector<1x128xf32>
    %add3A_515 = arith.addf %add3A_511, %get3A_514 : vector<1x128xf32>
    %swap3A_516 = arith.constant 36 : index
    %swap3A_517 = arith.constant 0 : index
    %swap3A_518 = vector.load %arg3[%swap3A_516, %swap3A_517] : memref<64x128xf32, #tpu.memory_space<vmem>>, vector<1x128xf32>
    tpu.vector_store %arg3[%swap3A_516, %swap3A_517], %add3A_515 {strides = array<i32>} : memref<64x128xf32, #tpu.memory_space<vmem>>, vector<1x128xf32>,
    %get3A_519 = arith.constant 3 : index
    %get3A_520 = arith.constant 0 : index
    %get3A_521 = vector.load %arg0[%get3A_519, %get3A_520] : memref<5x128xf32, #tpu.memory_space<vmem>>, vector<1x128xf32>
    %get3A_522 = arith.constant 0 : index
    %get3A_523 = arith.constant 0 : index
    %get3A_524 = vector.load %arg1[%get3A_522, %get3A_523] : memref<6x128xf32, #tpu.memory_space<vmem>>, vector<1x128xf32>
    %add3A_525 = arith.addf %get3A_521, %get3A_524 : vector<1x128xf32>
    %get3A_526 = arith.constant 1 : index
    %get3A_527 = arith.constant 0 : index
    %get3A_528 = vector.load %arg2[%get3A_526, %get3A_527] : memref<2x128xf32, #tpu.memory_space<vmem>>, vector<1x128xf32>
    %add3A_529 = arith.addf %add3A_525, %get3A_528 : vector<1x128xf32>
    %swap3A_530 = arith.constant 37 : index
    %swap3A_531 = arith.constant 0 : index
    %swap3A_532 = vector.load %arg3[%swap3A_530, %swap3A_531] : memref<64x128xf32, #tpu.memory_space<vmem>>, vector<1x128xf32>
    tpu.vector_store %arg3[%swap3A_530, %swap3A_531], %add3A_529 {strides = array<i32>} : memref<64x128xf32, #tpu.memory_space<vmem>>, vector<1x128xf32>,
    %get3A_533 = arith.constant 3 : index
    %get3A_534 = arith.constant 0 : index
    %get3A_535 = vector.load %arg0[%get3A_533, %get3A_534] : memref<5x128xf32, #tpu.memory_space<vmem>>, vector<1x128xf32>
    %get3A_536 = arith.constant 1 : index
    %get3A_537 = arith.constant 0 : index
    %get3A_538 = vector.load %arg1[%get3A_536, %get3A_537] : memref<6x128xf32, #tpu.memory_space<vmem>>, vector<1x128xf32>
    %add3A_539 = arith.addf %get3A_535, %get3A_538 : vector<1x128xf32>
    %get3A_540 = arith.constant 0 : index
    %get3A_541 = arith.constant 0 : index
    %get3A_542 = vector.load %arg2[%get3A_540, %get3A_541] : memref<2x128xf32, #tpu.memory_space<vmem>>, vector<1x128xf32>
    %add3A_543 = arith.addf %add3A_539, %get3A_542 : vector<1x128xf32>
    %swap3A_544 = arith.constant 38 : index
    %swap3A_545 = arith.constant 0 : index
    %swap3A_546 = vector.load %arg3[%swap3A_544, %swap3A_545] : memref<64x128xf32, #tpu.memory_space<vmem>>, vector<1x128xf32>
    tpu.vector_store %arg3[%swap3A_544, %swap3A_545], %add3A_543 {strides = array<i32>} : memref<64x128xf32, #tpu.memory_space<vmem>>, vector<1x128xf32>,
    %get3A_547 = arith.constant 3 : index
    %get3A_548 = arith.constant 0 : index
    %get3A_549 = vector.load %arg0[%get3A_547, %get3A_548] : memref<5x128xf32, #tpu.memory_space<vmem>>, vector<1x128xf32>
    %get3A_550 = arith.constant 1 : index
    %get3A_551 = arith.constant 0 : index
    %get3A_552 = vector.load %arg1[%get3A_550, %get3A_551] : memref<6x128xf32, #tpu.memory_space<vmem>>, vector<1x128xf32>
    %add3A_553 = arith.addf %get3A_549, %get3A_552 : vector<1x128xf32>
    %get3A_554 = arith.constant 1 : index
    %get3A_555 = arith.constant 0 : index
    %get3A_556 = vector.load %arg2[%get3A_554, %get3A_555] : memref<2x128xf32, #tpu.memory_space<vmem>>, vector<1x128xf32>
    %add3A_557 = arith.addf %add3A_553, %get3A_556 : vector<1x128xf32>
    %swap3A_558 = arith.constant 39 : index
    %swap3A_559 = arith.constant 0 : index
    %swap3A_560 = vector.load %arg3[%swap3A_558, %swap3A_559] : memref<64x128xf32, #tpu.memory_space<vmem>>, vector<1x128xf32>
    tpu.vector_store %arg3[%swap3A_558, %swap3A_559], %add3A_557 {strides = array<i32>} : memref<64x128xf32, #tpu.memory_space<vmem>>, vector<1x128xf32>,
    %get3A_561 = arith.constant 3 : index
    %get3A_562 = arith.constant 0 : index
    %get3A_563 = vector.load %arg0[%get3A_561, %get3A_562] : memref<5x128xf32, #tpu.memory_space<vmem>>, vector<1x128xf32>
    %get3A_564 = arith.constant 2 : index
    %get3A_565 = arith.constant 0 : index
    %get3A_566 = vector.load %arg1[%get3A_564, %get3A_565] : memref<6x128xf32, #tpu.memory_space<vmem>>, vector<1x128xf32>
    %add3A_567 = arith.addf %get3A_563, %get3A_566 : vector<1x128xf32>
    %get3A_568 = arith.constant 0 : index
    %get3A_569 = arith.constant 0 : index
    %get3A_570 = vector.load %arg2[%get3A_568, %get3A_569] : memref<2x128xf32, #tpu.memory_space<vmem>>, vector<1x128xf32>
    %add3A_571 = arith.addf %add3A_567, %get3A_570 : vector<1x128xf32>
    %swap3A_572 = arith.constant 40 : index
    %swap3A_573 = arith.constant 0 : index
    %swap3A_574 = vector.load %arg3[%swap3A_572, %swap3A_573] : memref<64x128xf32, #tpu.memory_space<vmem>>, vector<1x128xf32>
    tpu.vector_store %arg3[%swap3A_572, %swap3A_573], %add3A_571 {strides = array<i32>} : memref<64x128xf32, #tpu.memory_space<vmem>>, vector<1x128xf32>,
    %get3A_575 = arith.constant 3 : index
    %get3A_576 = arith.constant 0 : index
    %get3A_577 = vector.load %arg0[%get3A_575, %get3A_576] : memref<5x128xf32, #tpu.memory_space<vmem>>, vector<1x128xf32>
    %get3A_578 = arith.constant 2 : index
    %get3A_579 = arith.constant 0 : index
    %get3A_580 = vector.load %arg1[%get3A_578, %get3A_579] : memref<6x128xf32, #tpu.memory_space<vmem>>, vector<1x128xf32>
    %add3A_581 = arith.addf %get3A_577, %get3A_580 : vector<1x128xf32>
    %get3A_582 = arith.constant 1 : index
    %get3A_583 = arith.constant 0 : index
    %get3A_584 = vector.load %arg2[%get3A_582, %get3A_583] : memref<2x128xf32, #tpu.memory_space<vmem>>, vector<1x128xf32>
    %add3A_585 = arith.addf %add3A_581, %get3A_584 : vector<1x128xf32>
    %swap3A_586 = arith.constant 41 : index
    %swap3A_587 = arith.constant 0 : index
    %swap3A_588 = vector.load %arg3[%swap3A_586, %swap3A_587] : memref<64x128xf32, #tpu.memory_space<vmem>>, vector<1x128xf32>
    tpu.vector_store %arg3[%swap3A_586, %swap3A_587], %add3A_585 {strides = array<i32>} : memref<64x128xf32, #tpu.memory_space<vmem>>, vector<1x128xf32>,
    %get3A_589 = arith.constant 3 : index
    %get3A_590 = arith.constant 0 : index
    %get3A_591 = vector.load %arg0[%get3A_589, %get3A_590] : memref<5x128xf32, #tpu.memory_space<vmem>>, vector<1x128xf32>
    %get3A_592 = arith.constant 3 : index
    %get3A_593 = arith.constant 0 : index
    %get3A_594 = vector.load %arg1[%get3A_592, %get3A_593] : memref<6x128xf32, #tpu.memory_space<vmem>>, vector<1x128xf32>
    %add3A_595 = arith.addf %get3A_591, %get3A_594 : vector<1x128xf32>
    %get3A_596 = arith.constant 0 : index
    %get3A_597 = arith.constant 0 : index
    %get3A_598 = vector.load %arg2[%get3A_596, %get3A_597] : memref<2x128xf32, #tpu.memory_space<vmem>>, vector<1x128xf32>
    %add3A_599 = arith.addf %add3A_595, %get3A_598 : vector<1x128xf32>
    %swap3A_600 = arith.constant 42 : index
    %swap3A_601 = arith.constant 0 : index
    %swap3A_602 = vector.load %arg3[%swap3A_600, %swap3A_601] : memref<64x128xf32, #tpu.memory_space<vmem>>, vector<1x128xf32>
    tpu.vector_store %arg3[%swap3A_600, %swap3A_601], %add3A_599 {strides = array<i32>} : memref<64x128xf32, #tpu.memory_space<vmem>>, vector<1x128xf32>,
    %get3A_603 = arith.constant 3 : index
    %get3A_604 = arith.constant 0 : index
    %get3A_605 = vector.load %arg0[%get3A_603, %get3A_604] : memref<5x128xf32, #tpu.memory_space<vmem>>, vector<1x128xf32>
    %get3A_606 = arith.constant 3 : index
    %get3A_607 = arith.constant 0 : index
    %get3A_608 = vector.load %arg1[%get3A_606, %get3A_607] : memref<6x128xf32, #tpu.memory_space<vmem>>, vector<1x128xf32>
    %add3A_609 = arith.addf %get3A_605, %get3A_608 : vector<1x128xf32>
    %get3A_610 = arith.constant 1 : index
    %get3A_611 = arith.constant 0 : index
    %get3A_612 = vector.load %arg2[%get3A_610, %get3A_611] : memref<2x128xf32, #tpu.memory_space<vmem>>, vector<1x128xf32>
    %add3A_613 = arith.addf %add3A_609, %get3A_612 : vector<1x128xf32>
    %swap3A_614 = arith.constant 43 : index
    %swap3A_615 = arith.constant 0 : index
    %swap3A_616 = vector.load %arg3[%swap3A_614, %swap3A_615] : memref<64x128xf32, #tpu.memory_space<vmem>>, vector<1x128xf32>
    tpu.vector_store %arg3[%swap3A_614, %swap3A_615], %add3A_613 {strides = array<i32>} : memref<64x128xf32, #tpu.memory_space<vmem>>, vector<1x128xf32>,
    %get3A_617 = arith.constant 3 : index
    %get3A_618 = arith.constant 0 : index
    %get3A_619 = vector.load %arg0[%get3A_617, %get3A_618] : memref<5x128xf32, #tpu.memory_space<vmem>>, vector<1x128xf32>
    %get3A_620 = arith.constant 4 : index
    %get3A_621 = arith.constant 0 : index
    %get3A_622 = vector.load %arg1[%get3A_620, %get3A_621] : memref<6x128xf32, #tpu.memory_space<vmem>>, vector<1x128xf32>
    %add3A_623 = arith.addf %get3A_619, %get3A_622 : vector<1x128xf32>
    %get3A_624 = arith.constant 0 : index
    %get3A_625 = arith.constant 0 : index
    %get3A_626 = vector.load %arg2[%get3A_624, %get3A_625] : memref<2x128xf32, #tpu.memory_space<vmem>>, vector<1x128xf32>
    %add3A_627 = arith.addf %add3A_623, %get3A_626 : vector<1x128xf32>
    %swap3A_628 = arith.constant 44 : index
    %swap3A_629 = arith.constant 0 : index
    %swap3A_630 = vector.load %arg3[%swap3A_628, %swap3A_629] : memref<64x128xf32, #tpu.memory_space<vmem>>, vector<1x128xf32>
    tpu.vector_store %arg3[%swap3A_628, %swap3A_629], %add3A_627 {strides = array<i32>} : memref<64x128xf32, #tpu.memory_space<vmem>>, vector<1x128xf32>,
    %get3A_631 = arith.constant 3 : index
    %get3A_632 = arith.constant 0 : index
    %get3A_633 = vector.load %arg0[%get3A_631, %get3A_632] : memref<5x128xf32, #tpu.memory_space<vmem>>, vector<1x128xf32>
    %get3A_634 = arith.constant 4 : index
    %get3A_635 = arith.constant 0 : index
    %get3A_636 = vector.load %arg1[%get3A_634, %get3A_635] : memref<6x128xf32, #tpu.memory_space<vmem>>, vector<1x128xf32>
    %add3A_637 = arith.addf %get3A_633, %get3A_636 : vector<1x128xf32>
    %get3A_638 = arith.constant 1 : index
    %get3A_639 = arith.constant 0 : index
    %get3A_640 = vector.load %arg2[%get3A_638, %get3A_639] : memref<2x128xf32, #tpu.memory_space<vmem>>, vector<1x128xf32>
    %add3A_641 = arith.addf %add3A_637, %get3A_640 : vector<1x128xf32>
    %swap3A_642 = arith.constant 45 : index
    %swap3A_643 = arith.constant 0 : index
    %swap3A_644 = vector.load %arg3[%swap3A_642, %swap3A_643] : memref<64x128xf32, #tpu.memory_space<vmem>>, vector<1x128xf32>
    tpu.vector_store %arg3[%swap3A_642, %swap3A_643], %add3A_641 {strides = array<i32>} : memref<64x128xf32, #tpu.memory_space<vmem>>, vector<1x128xf32>,
    %get3A_645 = arith.constant 3 : index
    %get3A_646 = arith.constant 0 : index
    %get3A_647 = vector.load %arg0[%get3A_645, %get3A_646] : memref<5x128xf32, #tpu.memory_space<vmem>>, vector<1x128xf32>
    %get3A_648 = arith.constant 5 : index
    %get3A_649 = arith.constant 0 : index
    %get3A_650 = vector.load %arg1[%get3A_648, %get3A_649] : memref<6x128xf32, #tpu.memory_space<vmem>>, vector<1x128xf32>
    %add3A_651 = arith.addf %get3A_647, %get3A_650 : vector<1x128xf32>
    %get3A_652 = arith.constant 0 : index
    %get3A_653 = arith.constant 0 : index
    %get3A_654 = vector.load %arg2[%get3A_652, %get3A_653] : memref<2x128xf32, #tpu.memory_space<vmem>>, vector<1x128xf32>
    %add3A_655 = arith.addf %add3A_651, %get3A_654 : vector<1x128xf32>
    %swap3A_656 = arith.constant 46 : index
    %swap3A_657 = arith.constant 0 : index
    %swap3A_658 = vector.load %arg3[%swap3A_656, %swap3A_657] : memref<64x128xf32, #tpu.memory_space<vmem>>, vector<1x128xf32>
    tpu.vector_store %arg3[%swap3A_656, %swap3A_657], %add3A_655 {strides = array<i32>} : memref<64x128xf32, #tpu.memory_space<vmem>>, vector<1x128xf32>,
    %get3A_659 = arith.constant 3 : index
    %get3A_660 = arith.constant 0 : index
    %get3A_661 = vector.load %arg0[%get3A_659, %get3A_660] : memref<5x128xf32, #tpu.memory_space<vmem>>, vector<1x128xf32>
    %get3A_662 = arith.constant 5 : index
    %get3A_663 = arith.constant 0 : index
    %get3A_664 = vector.load %arg1[%get3A_662, %get3A_663] : memref<6x128xf32, #tpu.memory_space<vmem>>, vector<1x128xf32>
    %add3A_665 = arith.addf %get3A_661, %get3A_664 : vector<1x128xf32>
    %get3A_666 = arith.constant 1 : index
    %get3A_667 = arith.constant 0 : index
    %get3A_668 = vector.load %arg2[%get3A_666, %get3A_667] : memref<2x128xf32, #tpu.memory_space<vmem>>, vector<1x128xf32>
    %add3A_669 = arith.addf %add3A_665, %get3A_668 : vector<1x128xf32>
    %swap3A_670 = arith.constant 47 : index
    %swap3A_671 = arith.constant 0 : index
    %swap3A_672 = vector.load %arg3[%swap3A_670, %swap3A_671] : memref<64x128xf32, #tpu.memory_space<vmem>>, vector<1x128xf32>
    tpu.vector_store %arg3[%swap3A_670, %swap3A_671], %add3A_669 {strides = array<i32>} : memref<64x128xf32, #tpu.memory_space<vmem>>, vector<1x128xf32>,
    %get3A_673 = arith.constant 4 : index
    %get3A_674 = arith.constant 0 : index
    %get3A_675 = vector.load %arg0[%get3A_673, %get3A_674] : memref<5x128xf32, #tpu.memory_space<vmem>>, vector<1x128xf32>
    %get3A_676 = arith.constant 0 : index
    %get3A_677 = arith.constant 0 : index
    %get3A_678 = vector.load %arg1[%get3A_676, %get3A_677] : memref<6x128xf32, #tpu.memory_space<vmem>>, vector<1x128xf32>
    %add3A_679 = arith.addf %get3A_675, %get3A_678 : vector<1x128xf32>
    %get3A_680 = arith.constant 0 : index
    %get3A_681 = arith.constant 0 : index
    %get3A_682 = vector.load %arg2[%get3A_680, %get3A_681] : memref<2x128xf32, #tpu.memory_space<vmem>>, vector<1x128xf32>
    %add3A_683 = arith.addf %add3A_679, %get3A_682 : vector<1x128xf32>
    %swap3A_684 = arith.constant 48 : index
    %swap3A_685 = arith.constant 0 : index
    %swap3A_686 = vector.load %arg3[%swap3A_684, %swap3A_685] : memref<64x128xf32, #tpu.memory_space<vmem>>, vector<1x128xf32>
    tpu.vector_store %arg3[%swap3A_684, %swap3A_685], %add3A_683 {strides = array<i32>} : memref<64x128xf32, #tpu.memory_space<vmem>>, vector<1x128xf32>,
    %get3A_687 = arith.constant 4 : index
    %get3A_688 = arith.constant 0 : index
    %get3A_689 = vector.load %arg0[%get3A_687, %get3A_688] : memref<5x128xf32, #tpu.memory_space<vmem>>, vector<1x128xf32>
    %get3A_690 = arith.constant 0 : index
    %get3A_691 = arith.constant 0 : index
    %get3A_692 = vector.load %arg1[%get3A_690, %get3A_691] : memref<6x128xf32, #tpu.memory_space<vmem>>, vector<1x128xf32>
    %add3A_693 = arith.addf %get3A_689, %get3A_692 : vector<1x128xf32>
    %get3A_694 = arith.constant 1 : index
    %get3A_695 = arith.constant 0 : index
    %get3A_696 = vector.load %arg2[%get3A_694, %get3A_695] : memref<2x128xf32, #tpu.memory_space<vmem>>, vector<1x128xf32>
    %add3A_697 = arith.addf %add3A_693, %get3A_696 : vector<1x128xf32>
    %swap3A_698 = arith.constant 49 : index
    %swap3A_699 = arith.constant 0 : index
    %swap3A_700 = vector.load %arg3[%swap3A_698, %swap3A_699] : memref<64x128xf32, #tpu.memory_space<vmem>>, vector<1x128xf32>
    tpu.vector_store %arg3[%swap3A_698, %swap3A_699], %add3A_697 {strides = array<i32>} : memref<64x128xf32, #tpu.memory_space<vmem>>, vector<1x128xf32>,
    %get3A_701 = arith.constant 4 : index
    %get3A_702 = arith.constant 0 : index
    %get3A_703 = vector.load %arg0[%get3A_701, %get3A_702] : memref<5x128xf32, #tpu.memory_space<vmem>>, vector<1x128xf32>
    %get3A_704 = arith.constant 1 : index
    %get3A_705 = arith.constant 0 : index
    %get3A_706 = vector.load %arg1[%get3A_704, %get3A_705] : memref<6x128xf32, #tpu.memory_space<vmem>>, vector<1x128xf32>
    %add3A_707 = arith.addf %get3A_703, %get3A_706 : vector<1x128xf32>
    %get3A_708 = arith.constant 0 : index
    %get3A_709 = arith.constant 0 : index
    %get3A_710 = vector.load %arg2[%get3A_708, %get3A_709] : memref<2x128xf32, #tpu.memory_space<vmem>>, vector<1x128xf32>
    %add3A_711 = arith.addf %add3A_707, %get3A_710 : vector<1x128xf32>
    %swap3A_712 = arith.constant 50 : index
    %swap3A_713 = arith.constant 0 : index
    %swap3A_714 = vector.load %arg3[%swap3A_712, %swap3A_713] : memref<64x128xf32, #tpu.memory_space<vmem>>, vector<1x128xf32>
    tpu.vector_store %arg3[%swap3A_712, %swap3A_713], %add3A_711 {strides = array<i32>} : memref<64x128xf32, #tpu.memory_space<vmem>>, vector<1x128xf32>,
    %get3A_715 = arith.constant 4 : index
    %get3A_716 = arith.constant 0 : index
    %get3A_717 = vector.load %arg0[%get3A_715, %get3A_716] : memref<5x128xf32, #tpu.memory_space<vmem>>, vector<1x128xf32>
    %get3A_718 = arith.constant 1 : index
    %get3A_719 = arith.constant 0 : index
    %get3A_720 = vector.load %arg1[%get3A_718, %get3A_719] : memref<6x128xf32, #tpu.memory_space<vmem>>, vector<1x128xf32>
    %add3A_721 = arith.addf %get3A_717, %get3A_720 : vector<1x128xf32>
    %get3A_722 = arith.constant 1 : index
    %get3A_723 = arith.constant 0 : index
    %get3A_724 = vector.load %arg2[%get3A_722, %get3A_723] : memref<2x128xf32, #tpu.memory_space<vmem>>, vector<1x128xf32>
    %add3A_725 = arith.addf %add3A_721, %get3A_724 : vector<1x128xf32>
    %swap3A_726 = arith.constant 51 : index
    %swap3A_727 = arith.constant 0 : index
    %swap3A_728 = vector.load %arg3[%swap3A_726, %swap3A_727] : memref<64x128xf32, #tpu.memory_space<vmem>>, vector<1x128xf32>
    tpu.vector_store %arg3[%swap3A_726, %swap3A_727], %add3A_725 {strides = array<i32>} : memref<64x128xf32, #tpu.memory_space<vmem>>, vector<1x128xf32>,
    %get3A_729 = arith.constant 4 : index
    %get3A_730 = arith.constant 0 : index
    %get3A_731 = vector.load %arg0[%get3A_729, %get3A_730] : memref<5x128xf32, #tpu.memory_space<vmem>>, vector<1x128xf32>
    %get3A_732 = arith.constant 2 : index
    %get3A_733 = arith.constant 0 : index
    %get3A_734 = vector.load %arg1[%get3A_732, %get3A_733] : memref<6x128xf32, #tpu.memory_space<vmem>>, vector<1x128xf32>
    %add3A_735 = arith.addf %get3A_731, %get3A_734 : vector<1x128xf32>
    %get3A_736 = arith.constant 0 : index
    %get3A_737 = arith.constant 0 : index
    %get3A_738 = vector.load %arg2[%get3A_736, %get3A_737] : memref<2x128xf32, #tpu.memory_space<vmem>>, vector<1x128xf32>
    %add3A_739 = arith.addf %add3A_735, %get3A_738 : vector<1x128xf32>
    %swap3A_740 = arith.constant 52 : index
    %swap3A_741 = arith.constant 0 : index
    %swap3A_742 = vector.load %arg3[%swap3A_740, %swap3A_741] : memref<64x128xf32, #tpu.memory_space<vmem>>, vector<1x128xf32>
    tpu.vector_store %arg3[%swap3A_740, %swap3A_741], %add3A_739 {strides = array<i32>} : memref<64x128xf32, #tpu.memory_space<vmem>>, vector<1x128xf32>,
    %get3A_743 = arith.constant 4 : index
    %get3A_744 = arith.constant 0 : index
    %get3A_745 = vector.load %arg0[%get3A_743, %get3A_744] : memref<5x128xf32, #tpu.memory_space<vmem>>, vector<1x128xf32>
    %get3A_746 = arith.constant 2 : index
    %get3A_747 = arith.constant 0 : index
    %get3A_748 = vector.load %arg1[%get3A_746, %get3A_747] : memref<6x128xf32, #tpu.memory_space<vmem>>, vector<1x128xf32>
    %add3A_749 = arith.addf %get3A_745, %get3A_748 : vector<1x128xf32>
    %get3A_750 = arith.constant 1 : index
    %get3A_751 = arith.constant 0 : index
    %get3A_752 = vector.load %arg2[%get3A_750, %get3A_751] : memref<2x128xf32, #tpu.memory_space<vmem>>, vector<1x128xf32>
    %add3A_753 = arith.addf %add3A_749, %get3A_752 : vector<1x128xf32>
    %swap3A_754 = arith.constant 53 : index
    %swap3A_755 = arith.constant 0 : index
    %swap3A_756 = vector.load %arg3[%swap3A_754, %swap3A_755] : memref<64x128xf32, #tpu.memory_space<vmem>>, vector<1x128xf32>
    tpu.vector_store %arg3[%swap3A_754, %swap3A_755], %add3A_753 {strides = array<i32>} : memref<64x128xf32, #tpu.memory_space<vmem>>, vector<1x128xf32>,
    %get3A_757 = arith.constant 4 : index
    %get3A_758 = arith.constant 0 : index
    %get3A_759 = vector.load %arg0[%get3A_757, %get3A_758] : memref<5x128xf32, #tpu.memory_space<vmem>>, vector<1x128xf32>
    %get3A_760 = arith.constant 3 : index
    %get3A_761 = arith.constant 0 : index
    %get3A_762 = vector.load %arg1[%get3A_760, %get3A_761] : memref<6x128xf32, #tpu.memory_space<vmem>>, vector<1x128xf32>
    %add3A_763 = arith.addf %get3A_759, %get3A_762 : vector<1x128xf32>
    %get3A_764 = arith.constant 0 : index
    %get3A_765 = arith.constant 0 : index
    %get3A_766 = vector.load %arg2[%get3A_764, %get3A_765] : memref<2x128xf32, #tpu.memory_space<vmem>>, vector<1x128xf32>
    %add3A_767 = arith.addf %add3A_763, %get3A_766 : vector<1x128xf32>
    %swap3A_768 = arith.constant 54 : index
    %swap3A_769 = arith.constant 0 : index
    %swap3A_770 = vector.load %arg3[%swap3A_768, %swap3A_769] : memref<64x128xf32, #tpu.memory_space<vmem>>, vector<1x128xf32>
    tpu.vector_store %arg3[%swap3A_768, %swap3A_769], %add3A_767 {strides = array<i32>} : memref<64x128xf32, #tpu.memory_space<vmem>>, vector<1x128xf32>,
    %get3A_771 = arith.constant 4 : index
    %get3A_772 = arith.constant 0 : index
    %get3A_773 = vector.load %arg0[%get3A_771, %get3A_772] : memref<5x128xf32, #tpu.memory_space<vmem>>, vector<1x128xf32>
    %get3A_774 = arith.constant 3 : index
    %get3A_775 = arith.constant 0 : index
    %get3A_776 = vector.load %arg1[%get3A_774, %get3A_775] : memref<6x128xf32, #tpu.memory_space<vmem>>, vector<1x128xf32>
    %add3A_777 = arith.addf %get3A_773, %get3A_776 : vector<1x128xf32>
    %get3A_778 = arith.constant 1 : index
    %get3A_779 = arith.constant 0 : index
    %get3A_780 = vector.load %arg2[%get3A_778, %get3A_779] : memref<2x128xf32, #tpu.memory_space<vmem>>, vector<1x128xf32>
    %add3A_781 = arith.addf %add3A_777, %get3A_780 : vector<1x128xf32>
    %swap3A_782 = arith.constant 55 : index
    %swap3A_783 = arith.constant 0 : index
    %swap3A_784 = vector.load %arg3[%swap3A_782, %swap3A_783] : memref<64x128xf32, #tpu.memory_space<vmem>>, vector<1x128xf32>
    tpu.vector_store %arg3[%swap3A_782, %swap3A_783], %add3A_781 {strides = array<i32>} : memref<64x128xf32, #tpu.memory_space<vmem>>, vector<1x128xf32>,
    %get3A_785 = arith.constant 4 : index
    %get3A_786 = arith.constant 0 : index
    %get3A_787 = vector.load %arg0[%get3A_785, %get3A_786] : memref<5x128xf32, #tpu.memory_space<vmem>>, vector<1x128xf32>
    %get3A_788 = arith.constant 4 : index
    %get3A_789 = arith.constant 0 : index
    %get3A_790 = vector.load %arg1[%get3A_788, %get3A_789] : memref<6x128xf32, #tpu.memory_space<vmem>>, vector<1x128xf32>
    %add3A_791 = arith.addf %get3A_787, %get3A_790 : vector<1x128xf32>
    %get3A_792 = arith.constant 0 : index
    %get3A_793 = arith.constant 0 : index
    %get3A_794 = vector.load %arg2[%get3A_792, %get3A_793] : memref<2x128xf32, #tpu.memory_space<vmem>>, vector<1x128xf32>
    %add3A_795 = arith.addf %add3A_791, %get3A_794 : vector<1x128xf32>
    %swap3A_796 = arith.constant 56 : index
    %swap3A_797 = arith.constant 0 : index
    %swap3A_798 = vector.load %arg3[%swap3A_796, %swap3A_797] : memref<64x128xf32, #tpu.memory_space<vmem>>, vector<1x128xf32>
    tpu.vector_store %arg3[%swap3A_796, %swap3A_797], %add3A_795 {strides = array<i32>} : memref<64x128xf32, #tpu.memory_space<vmem>>, vector<1x128xf32>,
    %get3A_799 = arith.constant 4 : index
    %get3A_800 = arith.constant 0 : index
    %get3A_801 = vector.load %arg0[%get3A_799, %get3A_800] : memref<5x128xf32, #tpu.memory_space<vmem>>, vector<1x128xf32>
    %get3A_802 = arith.constant 4 : index
    %get3A_803 = arith.constant 0 : index
    %get3A_804 = vector.load %arg1[%get3A_802, %get3A_803] : memref<6x128xf32, #tpu.memory_space<vmem>>, vector<1x128xf32>
    %add3A_805 = arith.addf %get3A_801, %get3A_804 : vector<1x128xf32>
    %get3A_806 = arith.constant 1 : index
    %get3A_807 = arith.constant 0 : index
    %get3A_808 = vector.load %arg2[%get3A_806, %get3A_807] : memref<2x128xf32, #tpu.memory_space<vmem>>, vector<1x128xf32>
    %add3A_809 = arith.addf %add3A_805, %get3A_808 : vector<1x128xf32>
    %swap3A_810 = arith.constant 57 : index
    %swap3A_811 = arith.constant 0 : index
    %swap3A_812 = vector.load %arg3[%swap3A_810, %swap3A_811] : memref<64x128xf32, #tpu.memory_space<vmem>>, vector<1x128xf32>
    tpu.vector_store %arg3[%swap3A_810, %swap3A_811], %add3A_809 {strides = array<i32>} : memref<64x128xf32, #tpu.memory_space<vmem>>, vector<1x128xf32>,
    %get3A_813 = arith.constant 4 : index
    %get3A_814 = arith.constant 0 : index
    %get3A_815 = vector.load %arg0[%get3A_813, %get3A_814] : memref<5x128xf32, #tpu.memory_space<vmem>>, vector<1x128xf32>
    %get3A_816 = arith.constant 5 : index
    %get3A_817 = arith.constant 0 : index
    %get3A_818 = vector.load %arg1[%get3A_816, %get3A_817] : memref<6x128xf32, #tpu.memory_space<vmem>>, vector<1x128xf32>
    %add3A_819 = arith.addf %get3A_815, %get3A_818 : vector<1x128xf32>
    %get3A_820 = arith.constant 0 : index
    %get3A_821 = arith.constant 0 : index
    %get3A_822 = vector.load %arg2[%get3A_820, %get3A_821] : memref<2x128xf32, #tpu.memory_space<vmem>>, vector<1x128xf32>
    %add3A_823 = arith.addf %add3A_819, %get3A_822 : vector<1x128xf32>
    %swap3A_824 = arith.constant 58 : index
    %swap3A_825 = arith.constant 0 : index
    %swap3A_826 = vector.load %arg3[%swap3A_824, %swap3A_825] : memref<64x128xf32, #tpu.memory_space<vmem>>, vector<1x128xf32>
    tpu.vector_store %arg3[%swap3A_824, %swap3A_825], %add3A_823 {strides = array<i32>} : memref<64x128xf32, #tpu.memory_space<vmem>>, vector<1x128xf32>,
    %get3A_827 = arith.constant 4 : index
    %get3A_828 = arith.constant 0 : index
    %get3A_829 = vector.load %arg0[%get3A_827, %get3A_828] : memref<5x128xf32, #tpu.memory_space<vmem>>, vector<1x128xf32>
    %get3A_830 = arith.constant 5 : index
    %get3A_831 = arith.constant 0 : index
    %get3A_832 = vector.load %arg1[%get3A_830, %get3A_831] : memref<6x128xf32, #tpu.memory_space<vmem>>, vector<1x128xf32>
    %add3A_833 = arith.addf %get3A_829, %get3A_832 : vector<1x128xf32>
    %get3A_834 = arith.constant 1 : index
    %get3A_835 = arith.constant 0 : index
    %get3A_836 = vector.load %arg2[%get3A_834, %get3A_835] : memref<2x128xf32, #tpu.memory_space<vmem>>, vector<1x128xf32>
    %add3A_837 = arith.addf %add3A_833, %get3A_836 : vector<1x128xf32>
    %swap3A_838 = arith.constant 59 : index
    %swap3A_839 = arith.constant 0 : index
    %swap3A_840 = vector.load %arg3[%swap3A_838, %swap3A_839] : memref<64x128xf32, #tpu.memory_space<vmem>>, vector<1x128xf32>
    tpu.vector_store %arg3[%swap3A_838, %swap3A_839], %add3A_837 {strides = array<i32>} : memref<64x128xf32, #tpu.memory_space<vmem>>, vector<1x128xf32>,
    return
  }
}

</mosaic_0001>

<sc_bundles>
// kernel: kernel.4.cloned.1.call-start
scs
__scs_entry_jumppad:
0x0: {  	(pc) =	sbr.rel $0x88, $3  }
0x1: {  	(tag) =	ssettag $0x0;
	lr =	simm.s32 $0x1  }
0x2: {  	[smem:$0x3F9D] =	sst lr;
	_ =	strace $0xD0000000  }
0x3: {  	_ = 	snop  }
0x4: {  	_ = 	snop  }
0x5: {  	_ = 	snop  }
0x6: {  	_ = 	snop  }
0x7: {  	_ = 	snop  }
__scs_overlays_trampoline_lowered:
0x8: {  	[smem:$0x3FAC] =	sst s0  }
0x9: {  	[smem:$0x3FAD] =	sst s1  }
0xa: {  	[smem:$0x3FAE] =	sst s2  }
0xb: {  	[smem:$0x3FAF] =	sst s3  }
0xc: {  	[smem:$0x3FB0] =	sst s4  }
0xd: {  	[smem:$0x3FB1] =	sst s5  }
0xe: {  	[smem:$0x3FB2] =	sst s6  }
0xf: {  	[smem:$0x3FB3] =	sst s7  }
0x10: {  	[smem:$0x3FB4] =	sst s8  }
0x11: {  	[smem:$0x3FB5] =	sst s9;
	s0 =	simm.s32 @!p0 $0x0  }
0x12: {  	s1 =	sld [smem:$0x3F9B];
	s0 =	simm.s32 @p0 $0x1  }
0x13: {  	[smem:$0x3FB6] =	sst s0;
	s0 =	simm.s32 @!p1 $0x0  }
0x14: {  	s2 =	sld [smem:$0x3F9A];
	s0 =	simm.s32 @p1 $0x1  }
0x15: {  	[smem:$0x3FB7] =	sst s0;
	s0 =	simm.s32 @!p2 $0x0  }
0x16: {  	s3 =	sld [smem:$0x3FDB];
	s0 =	simm.s32 @p2 $0x1  }
0x17: {  	s4 =	simm.s32 $0x1BF5;
	[smem:$0x3FB9] =	sst s0  }
0x18: {  	s0 =	sld [smem:$0x3F9C];
	_ =	swait.ge [sflag:s4], $0x0  }
0x19: {  	s7 =	sld [smem:$0x3F9D]  }
0x1a: {  	s8 =	sadd.s32 $0xFFFFE003, lr  }
0x1b: {  	s9 =	sadd.s32 $0xFFFFFEF7, lr;
	s5 =	simm.s32 $0xFFFFFFFF;
	p2 =	slt.u32 s8, $0xFFFFF086  }
0x1c: {  	p1 =	slt.u32 s9, $0xF7A;
	s5 =	simm.s32 @!p2 $0x0  }
0x1d: {  	s5 =	simm.s32 @p1 $0x1;
	p0 =	seq.s32 s7, s2  }
0x1e: {  	s7 =	smul.u32 @!p0 $0xF7A, s2;
	p2 =	seq.s32 @!p0 s5, $0x0  }
0x1f: {  	s9 =	smul.u32 $0xF7A, s1;
	s8 =	simm.s32 @!p0 $0x1BF5;
	p2 =	por !p2, p0  }
0x20: {  	[sflag:s8] =	ssyncset.s32 @!p0 $0xFFFFF086;
	s6 =	sadd.s32 @!p0 s3, s7;
	s7 =	simm.s32 @!p0 $0x108  }
0x21: {  	s3 =	sadd.s32 s3, s9;
	s6 =	sadd.s32 @!p0 $0x88, s6;
	s7 =	simm.s32 @p2 $0x1082  }
0x22: {  	[simem:s7], [sflag:s8] =	dma.local @!p0 [hbm:s6], $0xF7A  }
0x23: {  	s9 =	sor.u32 $0xD0000000, s2;
	s6 =	simm.s32 $0x108;
	_ =	swait.ge @!p0 [sflag:s8], $0x0  }
0x24: {  	s3 =	sadd.s32 $0x88, s3;
	s6 =	simm.s32 @!p1 $0x1082;
	[sflag:s4] =	ssyncset.s32 $0xFFFFF086  }
0x25: {  	[simem:s6], [sflag:s4] =	dma.local [hbm:s3], $0xF7A  }
0x26: {  	[smem:$0x3F9D] =	sst s1;
	(tag) =	ssettag s2;
	_ =	strace s9  }
0x27: {  	s1 =	sld [smem:$0x3FAD]  }
0x28: {  	s2 =	sld [smem:$0x3FAE]  }
0x29: {  	s4 =	sld [smem:$0x3FB0]  }
0x2a: {  	p0 =	seq.s32 s5, $0x0;
	s5 =	sld [smem:$0x3FB1]  }
0x2b: {  	s6 =	sld [smem:$0x3FB2]  }
0x2c: {  	s7 =	sld [smem:$0x3FB3]  }
0x2d: {  	s3 =	simm.s32 $0x108;
	s8 =	sld [smem:$0x3FB4]  }
0x2e: {  	s3 =	simm.s32 @!p0 $0x1082;
	s9 =	sld [smem:$0x3FB5]  }
0x2f: {  	lr =	sadd.s32 s0, s3;
	s0 =	sld [smem:$0x3FAC]  }
0x30: {  	s3 =	sld [smem:$0x3FAF]  }
0x31: {  	[smem:$0x3FB8] =	sst s10  }
0x32: {  	s10 =	sld [smem:$0x3FB6];
	_ =	sdelay $0x3  }
0x33: {  	p0 =	seq.s32 s10, $0x1;
	s10 =	sld [smem:$0x3FB8];
	_ =	sdelay $0x3  }
0x34: {  	[smem:$0x3FB8] =	sst s10  }
0x35: {  	s10 =	sld [smem:$0x3FB7];
	_ =	sdelay $0x3  }
0x36: {  	p1 =	seq.s32 s10, $0x1;
	s10 =	sld [smem:$0x3FB8];
	_ =	sdelay $0x3  }
0x37: {  	[smem:$0x3FB8] =	sst s10  }
0x38: {  	s10 =	sld [smem:$0x3FB9]  }
0x39: {  	_ = 	snop;
	(pc) =	sbr.ind lr, $3  }
0x3a: {  	_ = 	snop  }
0x3b: {  	_ = 	snop  }
0x3c: {  	p2 =	seq.s32 s10, $0x1;
	s10 =	sld [smem:$0x3FB8]  }
0x3d: {  	_ =	shalt  }
0x3e: {  	_ =	shalt  }
0x3f: {  	_ =	shalt  }
0x40: {  	_ =	shalt  }
0x41: {  	_ =	shalt  }
0x42: {  	_ =	shalt  }
0x43: {  	_ =	shalt  }
0x44: {  	_ =	shalt  }
0x45: {  	_ =	shalt  }
0x46: {  	_ =	shalt  }
0x47: {  	_ =	shalt  }
0x48: {  	_ =	shalt  }
0x49: {  	_ =	shalt  }
0x4a: {  	_ =	shalt  }
0x4b: {  	_ =	shalt  }
0x4c: {  	_ =	shalt  }
0x4d: {  	_ =	shalt  }
0x4e: {  	_ =	shalt  }
0x4f: {  	_ =	shalt  }
0x50: {  	_ =	shalt  }
0x51: {  	_ =	shalt  }
0x52: {  	_ =	shalt  }
0x53: {  	_ =	shalt  }
0x54: {  	_ =	shalt  }
0x55: {  	_ =	shalt  }
0x56: {  	_ =	shalt  }
0x57: {  	_ =	shalt  }
0x58: {  	_ =	shalt  }
0x59: {  	_ =	shalt  }
0x5a: {  	_ =	shalt  }
0x5b: {  	_ =	shalt  }
0x5c: {  	_ =	shalt  }
0x5d: {  	_ =	shalt  }
0x5e: {  	_ =	shalt  }
0x5f: {  	_ =	shalt  }
0x60: {  	_ =	shalt  }
0x61: {  	_ =	shalt  }
0x62: {  	_ =	shalt  }
0x63: {  	_ =	shalt  }
0x64: {  	_ =	shalt  }
0x65: {  	_ =	shalt  }
0x66: {  	_ =	shalt  }
0x67: {  	_ =	shalt  }
0x68: {  	_ =	shalt  }
0x69: {  	_ =	shalt  }
0x6a: {  	_ =	shalt  }
0x6b: {  	_ =	shalt  }
0x6c: {  	_ =	shalt  }
0x6d: {  	_ =	shalt  }
0x6e: {  	_ =	shalt  }
0x6f: {  	_ =	shalt  }
0x70: {  	_ =	shalt  }
0x71: {  	_ =	shalt  }
0x72: {  	_ =	shalt  }
0x73: {  	_ =	shalt  }
0x74: {  	_ =	shalt  }
0x75: {  	_ =	shalt  }
0x76: {  	_ =	shalt  }
0x77: {  	_ =	shalt  }
0x78: {  	_ =	shalt  }
0x79: {  	_ =	shalt  }
0x7a: {  	_ =	shalt  }
0x7b: {  	_ =	shalt  }
0x7c: {  	_ =	shalt  }
0x7d: {  	_ =	shalt  }
0x7e: {  	_ =	shalt  }
0x7f: {  	_ =	shalt  }
0x80: {  	_ =	shalt  }
0x81: {  	_ =	shalt  }
0x82: {  	_ =	shalt  }
0x83: {  	_ =	shalt  }
0x84: {  	_ =	shalt  }
0x85: {  	_ =	shalt  }
0x86: {  	_ =	shalt  }
0x87: {  	_ =	shalt  }
.Lfunc_end0:
.L_simem_size_0:
called_computation_lowered:
.L_overlay_start_0:
0x88: {  	s2 =	sld [smem:$0x3FD9]  }
0x89: {  	s3 =	sld [smem:$0x3FFE];
	_ =	sdelay $0x1  }
0x8a: {  	s1 =	srdreg.scid  }
0x8b: {  	s0 =	sand.u32 $0x1, s1  }
0x8c: {  	s17 =	sshll.u32 s0, $0xA;
	s2 =	sadd.s32 s3, s2  }
0x8d: {  	s2 =	sadd.s32 s2, s17  }
0x8e: {  	[smem:$0x3FC4] =	sst s2  }
0x8f: {  	_ = 	snop  }
0x90: {  	s2 =	sld [smem:$0x3FD0];
	(tm) =	ssettm $0x1  }
0x91: {  	s18 =	sld [smem:$0x3FFB];
	_ =	sdelay $0x3  }
0x92: {  	_ =	strace s18  }
0x93: {  	s3 =	sld [smem:$0x3FFC];
	_ =	sdelay $0x3  }
0x94: {  	_ =	strace s3  }
0x95: {  	s3 =	sld [smem:$0x3FFD];
	_ =	sdelay $0x3  }
0x96: {  	_ =	strace s3  }
0x97: {  	_ =	strace $0x8FFFFFFF  }
0x98: {  	s19 =	sld [smem:$0x3FDB];
	_ =	sdelay $0x1  }
0x99: {  	s4 =	simm.s32 $_scs_section_size  }
0x9a: {  	s5 =	simm.s32 $_size__tile_overlayer_lowered;
	s6 =	simm.s32 $_tile_overlayer_lowered  }
0x9b: {  	s22 =	simm.s32 $0x1BFF;
	s21 =	sshll.u32 s6, $0x1;
	s3 =	sadd.s32 s4, s19  }
0x9c: {  	s7 =	simm.s32 $0x0;
	s20 =	sshll.u32 s5, $0x1;
	s5 =	sadd.s32 s21, s3  }
0x9d: {  	[timem:s7], [sflag:s22] =	dma.local [hbm:s5], s20  }
0x9e: {  	_ =	swait.ge [sflag:s22], s20  }
0x9f: {  	s4 =	ssub.s32 $0x0, s20;
	[sflag:s22] =	ssyncset.done $0x0  }
0xa0: {  	[sflag:s22] =	ssyncadd.s32 s4;
	_ =	sdelay $0x1  }
0xa1: {  	s23 =	simm.s32 $0x1B8B  }
0xa2: {  	_ =	swait.ge [sflag:s23], $0x1  }
0xa3: {  	[sflag:s23] =	ssyncset.done $0x0  }
0xa4: {  	s25 =	simm.s32 $0x1B8E;
	s24 =	sld [smem:$0x3FFE];
	[sflag:s23] =	ssyncadd.s32 $0xFFFFFFFF  }
0xa5: {  	s26 =	simm.s32 $execute0_lowered;
	[smem:$0x3FD2] =	sst s25  }
0xa6: {  	s5 =	sshll.u32 s26, $0x1;
	_ =	strace $0x80000046;
	[dreg:$0x1] =	wrdreg $0xFFFFFFFF  }
0xa7: {  	s28 =	simm.s32 $_size_execute0_lowered;
	s3 =	sadd.s32 s3, s5;
	[dreg:$0x0] =	wrdreg $0x0  }
0xa8: {  	s5 =	sshll.u32 s28, $0x1;
	[dreg:$0x2] =	wrdreg s3  }
0xa9: {  	[dreg:$0x3] =	wrdreg s5  }
0xaa: {  	[dreg:$0x4] =	wrdreg $0xC0  }
0xab: {  	_ =	task [dreg:s7], $0x5FFFF  }
0xac: {  	[dreg:$0x1] =	wrdreg $0xFFFFFFFF  }
0xad: {  	[dreg:$0x0] =	wrdreg $0x60  }
0xae: {  	[dreg:$0x2] =	wrdreg s24  }
0xaf: {  	[dreg:$0x3] =	wrdreg s2  }
0xb0: {  	[dreg:$0x4] =	wrdreg $0x9  }
0xb1: {  	_ =	task.clear_ibuf [dreg:s7], $0x5FFFF;
	_ =	strace $0x90000046  }
0xb2: {  	s29 =	simm.s32 $0x9;
	_ =	strace $0x80000048  }
0xb3: {  	_ =	swait.ge [sflag:s29], $0x1  }
0xb4: {  	[sflag:s29] =	ssyncadd.s32 $0xFFFFFFFF  }
0xb5: {  	_ =	strace $0x90000048  }
0xb6: {  	_ =	sfence  }
0xb7: {  	s30 =	sld [smem:$0x0];
	_ =	sdelay $0x2  }
0xb8: {  	s31 =	sshll.u32 s1, $0xD;
	s1 =	sshrl.u32 s1, $0x2  }
0xb9: {  	s3 =	sand.u32 $0x4000, s31;
	s1 =	sadd.s32 s1, s30  }
0xba: {  	s0 =	sor.u32 s3, s0;
	s1 =	sshll.u32 s1, $0x11  }
0xbb: {  	s0 =	sor.u32 s1, s0  }
0xbc: {  	s0 =	sadd.s32 $0x8F2B, s0  }
0xbd: {  	[sflag:s0] =	ssyncadd.remote.s32 $0x1  }
0xbe: {  	_ =	sfence.sel $0xFFFF  }
0xbf: {  	[dreg:$0x0] =	wrdreg $0xFFFFFFFF;
	(pc) =	sbr.abs _section_cstart, $3  }
0xc0: {  	[dreg:$0x1] =	wrdreg $0xFFFFFFFF  }
0xc1: {  	_ =	task.clear_ibuf [dreg:s7], $0x2FFFF;
	_ =	strace $0x9FFFFFFF  }
0xc2: {  	(tm) =	ssettm $0x7FFFFFFF  }
0xc3: {  	_ =	shalt  }
tec
execute0_lowered:
.L_overlay_start_1:
0x0: {  	(tag) =	ssettag $0x1  }
0x1: {  	s1 =	rddreg [dreg:$0x0]  }
0x2: {  	s3 =	rddreg [dreg:$0x1]  }
0x3: {  	s4 =	simm.s32 $0x0;
	s0 =	srdreg.scid;
	s2 =	stileid.u32  }
0x4: {  	s14 =	simm.s32 $0x5;
	s15 =	simm.s32 $0x2000;
	s16 =	simm.s32 $0x2200  }
0x5: {  	s17 =	simm.s32 $0x2400;
	s18 =	simm.s32 $0x1;
	s19 =	simm.s32 $0x2C00  }
0x6: {  	s20 =	simm.s32 $0x3000;
	s21 =	simm.s32 $0x2;
	s22 =	simm.s32 $0x2E00  }
0x7: {  	s23 =	simm.s32 $0xF800;
	s24 =	simm.s32 $0x3;
	s25 =	simm.s32 $0x4  }
0x8: {  	s26 =	simm.s32 $0x0;
	[smem:$0x7FF] =	sst s4;
	s0 =	sand.u32 $0x1, s0  }
0x9: {  	s2 =	sshll.u32 s2, $0x1;
	s29 =	sadd.s32 $0x1DA00, s1;
	s7 =	sadd.s32 $0x13C00, s1  }
.Ltmp0:
0xa: {  	s8 =	sadd.s32 $0x9E00, s1;
	s5 =	sor.u32 s0, s2;
	(pc) =	sbr.rel .LBB2_1-.Ltmp0, $4  }
0xb: {  	v0 =	vlaneseq.u32;
	_ =	strace $0x80000047;
	s6 =	ssub.s32 $0x2, s0;
	s2 =	smul.u32 $0x32, s5  }
0xc: {  	v1 =	vor.u32 $0x10, v0;
	[dreg:$0x3] =	wrdreg s29;
	s30 =	sshrl.u32 s6, $0x1;
	s12 =	sor.u32 $0x40, s5  }
0xd: {  	v2 =	vor.u32 $0x20, v0;
	v3 =	vor.u32 $0x30, v0;
	v4 =	vor.u32 $0x40, v0;
	s0 =	ssub.s32 s6, s30;
	s31 =	sadd.s32 s7, s2;
	s10 =	sadd.s32 s8, s2  }
0xe: {  	v5 =	vor.u32 $0x50, v0;
	v6 =	vor.u32 $0x60, v0;
	v7 =	vor.u32 $0x70, v0;
	s11 =	sadd.s32 s1, s2;
	s13 =	smax.u32 s0, $0x1;
	[dreg:$0x4] =	wrdreg s31  }
.LBB2_9:
0xf: {  	s26 =	sadd.s32 $0x1, s26  }
0x10: {  	_ =	swait.ge [sflag:s24], $0xC800;
	p0 =	sne.s32 s26, s13  }
.Ltmp1:
0x11: {  	[sflag:s24] =	ssyncset.done $0x0;
	(pc) =	sbr.rel @!p0 .LBB2_10-.Ltmp1, $4  }
0x12: {  	[sflag:s24] =	ssyncadd.s32 $0xFFFF3800  }
0x13: {  	_ =	swait.ge [sflag:s25], $0xC800  }
0x14: {  	[sflag:s25] =	ssyncset.done $0x0  }
0x15: {  	[sflag:s25] =	ssyncadd.s32 $0xFFFF3800  }
.LBB2_1:
0x16: {  	s0 =	rddreg [dreg:$0x3]  }
0x17: {  	[tilespmem:s4], [sflag:$0x5] =	stream.linear.gather [hbm4b:s0+s4], $0x2000, $0x38;
	[tilespmem:$0x1C000] =	vst v63  }
0x18: {  	_ =	swait.ge [sflag:s14], $0x2000  }
0x19: {  	[sflag:s14] =	ssyncset.done $0x0  }
0x1a: {  	s31 =	rddreg [dreg:$0x4];
	[sflag:s14] =	ssyncadd.s32 $0xFFFFE000  }
0x1b: {  	[tilespmem:s15], [sflag:$0x1] =	stream.linear.gather [hbm4b:s31+s4], $0x190, $0x38;
	[tilespmem:$0x1C000] =	vst v63  }
.Ltmp2:
0x1c: {  	_ = 	snop;
	(pc) =	sbr.rel .LBB2_2-.Ltmp2, $4  }
0x1d: {  	_ = 	snop  }
0x1e: {  	[tilespmem:s16], [sflag:$0x1] =	stream.linear.gather [hbm4b:s10+s4], $0x190, $0x38;
	[tilespmem:$0x1C000] =	vst v63  }
0x1f: {  	s28 =	simm.s32 $0x0  }
0x20: {  	[tilespmem:s17], [sflag:$0x1] =	stream.linear.gather [hbm4b:s11+s4], $0x190, $0x38;
	[tilespmem:$0x1C000] =	vst v63  }
.LBB2_8:
0x21: {  	s28 =	sadd.s32 $0x1, s28  }
0x22: {  	p0 =	sne.s32 s28, $0xD  }
.Ltmp3:
0x23: {  	_ = 	snop;
	(pc) =	sbr.rel @!p0 .LBB2_9-.Ltmp3, $1  }
0x24: {  	_ =	sdelay $0x3  }
.LBB2_2:
0x25: {  	_ =	swait.ge [sflag:s18], $0x190  }
0x26: {  	[sflag:s18] =	ssyncset.done $0x0  }
0x27: {  	[sflag:s18] =	ssyncadd.s32 $0xFFFFFE70  }
0x28: {  	_ =	swait.ge [sflag:s18], $0x190  }
0x29: {  	[sflag:s18] =	ssyncset.done $0x0  }
0x2a: {  	[sflag:s18] =	ssyncadd.s32 $0xFFFFFE70  }
0x2b: {  	_ =	swait.ge [sflag:s18], $0x190  }
0x2c: {  	[sflag:s18] =	ssyncset.done $0x0  }
0x2d: {  	[sflag:s18] =	ssyncadd.s32 $0xFFFFFE70  }
0x2e: {  	v8 =	vld [tilespmem:$0x2000]  }
0x2f: {  	v9 =	vld [tilespmem:$0x2200]  }
0x30: {  	v10 =	vld [tilespmem:$0x2400]  }
0x31: {  	v11 =	vld [tilespmem:$0x2010]  }
0x32: {  	v12 =	vld [tilespmem:$0x2210]  }
0x33: {  	v13 =	vld [tilespmem:$0x2410]  }
0x34: {  	v14 =	vld [tilespmem:$0x2020]  }
0x35: {  	v15 =	vld [tilespmem:$0x2220]  }
0x36: {  	v16 =	vld [tilespmem:$0x2420]  }
0x37: {  	v17 =	vld [tilespmem:$0x2030]  }
0x38: {  	v18 =	vld [tilespmem:$0x2230]  }
0x39: {  	v19 =	vld [tilespmem:$0x2430]  }
0x3a: {  	v20 =	vld [tilespmem:$0x2040]  }
0x3b: {  	v21 =	vld [tilespmem:$0x2240]  }
0x3c: {  	v22 =	vld [tilespmem:$0x2440]  }
0x3d: {  	v23 =	vld [tilespmem:$0x2050]  }
0x3e: {  	v24 =	vld [tilespmem:$0x2250]  }
0x3f: {  	v25 =	vld [tilespmem:$0x2450]  }
0x40: {  	v26 =	vld [tilespmem:$0x2060]  }
0x41: {  	v27 =	vld [tilespmem:$0x2260]  }
0x42: {  	v28 =	vld [tilespmem:$0x2460]  }
0x43: {  	v29 =	vld [tilespmem:$0x2070]  }
0x44: {  	v30 =	vld [tilespmem:$0x2270]  }
0x45: {  	v31 =	vld [tilespmem:$0x2470]  }
0x46: {  	v32 =	vld [tilespmem:$0x2080]  }
0x47: {  	v33 =	vld [tilespmem:$0x2280]  }
0x48: {  	v34 =	vld [tilespmem:$0x2480]  }
0x49: {  	v35 =	vld [tilespmem:$0x2090]  }
0x4a: {  	v36 =	vld [tilespmem:$0x2290]  }
0x4b: {  	v37 =	vld [tilespmem:$0x2490]  }
0x4c: {  	v38 =	vld [tilespmem:$0x20A0]  }
0x4d: {  	v39 =	vld [tilespmem:$0x22A0]  }
0x4e: {  	v40 =	vld [tilespmem:$0x24A0]  }
0x4f: {  	v41 =	vld [tilespmem:$0x20B0]  }
0x50: {  	v42 =	vld [tilespmem:$0x22B0]  }
0x51: {  	v43 =	vld [tilespmem:$0x24B0]  }
0x52: {  	v44 =	vld [tilespmem:$0x20C0]  }
0x53: {  	v45 =	vld [tilespmem:$0x24C0]  }
0x54: {  	v46 =	vld [tilespmem:$0x20D0];
	v8 =	vmul.u32 $0x6, v8  }
0x55: {  	v62 =	vld [tilespmem:$0x2500];
	v10 =	vshll.u32 v10, $0x7;
	v11 =	vmul.u32 $0x6, v11;
	v14 =	vmul.u32 $0x6, v14  }
0x56: {  	v47 =	vld [tilespmem:$0x2510];
	v13 =	vshll.u32 v13, $0x7;
	v16 =	vshll.u32 v16, $0x7;
	v22 =	vshll.u32 v22, $0x7  }
0x57: {  	v51 =	vld [tilespmem:$0x2120];
	v25 =	vshll.u32 v25, $0x7;
	v63 =	vshll.u32 v34, $0x7;
	v48 =	vshll.u32 v37, $0x7  }
0x58: {  	v55 =	vld [tilespmem:$0x2520];
	v49 =	vmul.u32 $0x6, v38;
	v50 =	vmul.u32 $0x6, v41;
	v54 =	vmul.u32 $0x6, v44  }
0x59: {  	v57 =	vld [tilespmem:$0x2130];
	v56 =	vshll.u32 v40, $0x7;
	v58 =	vmul.u32 $0x6, v46;
	v8 =	vadd.s32 v9, v8  }
0x5a: {  	v59 =	vld [tilespmem:$0x2330];
	v11 =	vadd.s32 v12, v11;
	v12 =	vadd.s32 v15, v14;
	v14 =	vmul.u32 $0x6, v17  }
0x5b: {  	v9 =	vld [tilespmem:$0x22C0];
	v52 =	vadd.s32 v39, v49;
	v53 =	vadd.s32 v42, v50;
	v8 =	vshll.u32 v8, $0x8  }
0x5c: {  	v15 =	vld [tilespmem:$0x24D0];
	v11 =	vshll.u32 v11, $0x8;
	v12 =	vshll.u32 v12, $0x8;
	v8 =	vadd.s32 v10, v8  }
0x5d: {  	v17 =	vld [tilespmem:$0x20E0];
	v14 =	vadd.s32 v18, v14;
	v18 =	vmul.u32 $0x6, v20;
	v11 =	vadd.s32 v13, v11  }
0x5e: {  	v60 =	vld [tilespmem:$0x2140];
	v12 =	vadd.s32 v16, v12;
	v16 =	vshll.u32 v19, $0x7;
	v19 =	vmul.u32 $0x6, v23  }
0x5f: {  	v10 =	vld [tilespmem:$0x22D0];
	v23 =	vmul.u32 $0x6, v26;
	v13 =	vshll.u32 v14, $0x8;
	[tilespmem:$0x2C00] =	vst v8;
	v8 =	vshll.u32 v52, $0x8  }
0x60: {  	v20 =	vld [tilespmem:$0x22E0];
	[tilespmem:$0x2C10] =	vst v11;
	v11 =	vshll.u32 v43, $0x7;
	v18 =	vadd.s32 v21, v18;
	v13 =	vadd.s32 v16, v13  }
0x61: {  	v26 =	vld [tilespmem:$0x22F0];
	[tilespmem:$0x2C20] =	vst v12;
	v8 =	vadd.s32 v56, v8;
	v18 =	vshll.u32 v18, $0x8;
	v9 =	vadd.s32 v9, v54  }
0x62: {  	v14 =	vld [tilespmem:$0x24E0];
	[tilespmem:$0x2C30] =	vst v13;
	v13 =	vshll.u32 v45, $0x7;
	v17 =	vmul.u32 $0x6, v17;
	v15 =	vshll.u32 v15, $0x7  }
0x63: {  	v12 =	vld [tilespmem:$0x2530];
	[tilespmem:$0x2CA0] =	vst v8;
	v8 =	vshll.u32 v62, $0x7;
	v16 =	vadd.s32 v22, v18;
	v18 =	vadd.s32 v24, v19  }
0x64: {  	v21 =	vld [tilespmem:$0x20F0];
	v22 =	vadd.s32 v27, v23;
	v23 =	vmul.u32 $0x6, v29;
	v27 =	vshll.u32 v28, $0x7  }
0x65: {  	v19 =	vld [tilespmem:$0x24F0];
	v29 =	vmul.u32 $0x6, v32;
	v9 =	vshll.u32 v9, $0x8;
	v18 =	vshll.u32 v18, $0x8  }
0x66: {  	v24 =	vld [tilespmem:$0x2100];
	v22 =	vshll.u32 v22, $0x8;
	v10 =	vadd.s32 v10, v58;
	v9 =	vadd.s32 v13, v9  }
0x67: {  	v28 =	vld [tilespmem:$0x2300];
	v13 =	vadd.s32 v20, v17;
	v23 =	vadd.s32 v30, v23;
	v30 =	vmul.u32 $0x6, v35  }
0x68: {  	v20 =	vld [tilespmem:$0x2350];
	v18 =	vadd.s32 v25, v18;
	v22 =	vadd.s32 v27, v22;
	v27 =	vshll.u32 v31, $0x7  }
0x69: {  	v25 =	vld [tilespmem:$0x2110];
	v29 =	vadd.s32 v33, v29;
	v35 =	vshll.u32 v53, $0x8;
	v10 =	vshll.u32 v10, $0x8  }
0x6a: {  	v31 =	vld [tilespmem:$0x2310];
	v13 =	vshll.u32 v13, $0x8;
	v14 =	vshll.u32 v14, $0x7;
	[tilespmem:$0x2CC0] =	vst v9;
	v9 =	vshll.u32 v55, $0x7  }
0x6b: {  	[tilespmem:$0x2C40] =	vst v16;
	v23 =	vshll.u32 v23, $0x8;
	v29 =	vshll.u32 v29, $0x8;
	v16 =	vmul.u32 $0x6, v21;
	v21 =	vld [tilespmem:$0x2340]  }
0x6c: {  	v11 =	vadd.s32 v11, v35;
	v10 =	vadd.s32 v15, v10;
	v15 =	vld [tilespmem:$0x2540];
	v13 =	vadd.s32 v14, v13  }
0x6d: {  	[tilespmem:$0x2C50] =	vst v18;
	v18 =	vld [tilespmem:$0x2150];
	v30 =	vadd.s32 v36, v30;
	v23 =	vadd.s32 v27, v23;
	v27 =	vadd.s32 v63, v29  }
0x6e: {  	v30 =	vshll.u32 v30, $0x8;
	v16 =	vadd.s32 v26, v16;
	v17 =	vmul.u32 $0x6, v24;
	v24 =	vld [tilespmem:$0x2550]  }
0x6f: {  	v19 =	vshll.u32 v19, $0x7;
	[tilespmem:$0x2C80] =	vst v27;
	v27 =	vmul.u32 $0x6, v60;
	v29 =	vadd.s32 v48, v30;
	v30 =	vld [tilespmem:$0x2320]  }
0x70: {  	[tilespmem:$0x2C60] =	vst v22;
	v16 =	vshll.u32 v16, $0x8;
	v17 =	vadd.s32 v28, v17;
	v22 =	vmul.u32 $0x6, v25;
	v25 =	vld [tilespmem:$0x2560]  }
0x71: {  	[tilespmem:$0x2C70] =	vst v23;
	v23 =	vmul.u32 $0x6, v51;
	v14 =	vadd.s32 v19, v16;
	v28 =	vld [tilespmem:$0x2170];
	v16 =	vshll.u32 v17, $0x8  }
0x72: {  	[tilespmem:$0x2CB0] =	vst v11;
	v26 =	vmul.u32 $0x6, v57;
	v17 =	vld [tilespmem:$0x2160];
	v8 =	vadd.s32 v8, v16;
	v16 =	vadd.s32 v21, v27  }
0x73: {  	v18 =	vmul.u32 $0x6, v18;
	[tilespmem:$0x2CF0] =	vst v14;
	v19 =	vadd.s32 v31, v22;
	v14 =	vshll.u32 v16, $0x8;
	v16 =	vld [tilespmem:$0x2570]  }
0x74: {  	[tilespmem:$0x2CD0] =	vst v10;
	v11 =	vshll.u32 v19, $0x8;
	v19 =	vshll.u32 v47, $0x7;
	v22 =	vadd.s32 v30, v23;
	v23 =	vld [tilespmem:$0x2360]  }
0x75: {  	v12 =	vshll.u32 v12, $0x7;
	[tilespmem:$0x2CE0] =	vst v13;
	v13 =	vadd.s32 v59, v26;
	v10 =	vadd.s32 v19, v11;
	v19 =	vld [tilespmem:$0x2180]  }
0x76: {  	v13 =	vshll.u32 v13, $0x8;
	[tilespmem:$0x2D00] =	vst v8;
	v8 =	vshll.u32 v15, $0x7;
	v15 =	vadd.s32 v20, v18;
	v11 =	vld [tilespmem:$0x2370]  }
0x77: {  	[tilespmem:$0x2C90] =	vst v29;
	v18 =	vld [tilespmem:$0x2380];
	v8 =	vadd.s32 v8, v14;
	v22 =	vshll.u32 v22, $0x8;
	v17 =	vmul.u32 $0x6, v17  }
0x78: {  	[tilespmem:$0x2D10] =	vst v10;
	v10 =	vadd.s32 v12, v13;
	v12 =	vshll.u32 v15, $0x8;
	v13 =	vld [tilespmem:$0x2580];
	v9 =	vadd.s32 v9, v22  }
0x79: {  	s30 =	sshll.u32 s28, $0x6;
	v15 =	vmul.u32 $0x6, v28;
	[tilespmem:$0x2D20] =	vst v9;
	v9 =	vshll.u32 v24, $0x7;
	v14 =	vadd.s32 v23, v17  }
0x7a: {  	s29 =	sor.u32 $0x20, s30;
	[tilespmem:$0x2D30] =	vst v10;
	v17 =	vmul.u32 $0x6, v19;
	v10 =	vshll.u32 v14, $0x8;
	v14 =	vshll.u32 v25, $0x7  }
0x7b: {  	p1 =	sgt.u32 s29, $0x31F;
	[tilespmem:$0x2D40] =	vst v8;
	v8 =	vadd.s32 v9, v12;
	v9 =	vadd.s32 v14, v10;
	v10 =	vadd.s32 v11, v15  }
0x7c: {  	s0 =	sor.u32 @!p1 s5, s29;
	[tilespmem:$0x2D50] =	vst v8;
	v11 =	vadd.s32 v18, v17;
	v8 =	vshll.u32 v10, $0x8;
	v10 =	vshll.u32 v16, $0x7  }
0x7d: {  	s0 =	smul.u32 @!p1 $0x32, s0;
	[tilespmem:$0x2D60] =	vst v9;
	v9 =	vshll.u32 v11, $0x8;
	v8 =	vadd.s32 v10, v8;
	v10 =	vshll.u32 v13, $0x7  }
0x7e: {  	[tilespmem:$0x2D70] =	vst v8;
	v8 =	vadd.s32 v10, v9  }
0x7f: {  	s6 =	simm.s32 @!p1 $0x0;
	s9 =	simm.s32 @!p1 $0x2600;
	s2 =	sadd.s32 @!p1 s7, s0;
	[tilespmem:$0x2D80] =	vst v8  }
0x80: {  	[tilespmem:s9], [sflag:$0x2] =	stream.linear.gather @!p1 [hbm4b:s2+s6], $0x190, $0x38;
	[tilespmem:$0x1C000] =	vst v63  }
0x81: {  	s2 =	sadd.s32 @!p1 s8, s0;
	s9 =	simm.s32 @!p1 $0x2800  }
0x82: {  	[tilespmem:s9], [sflag:$0x2] =	stream.linear.gather @!p1 [hbm4b:s2+s6], $0x190, $0x38;
	[tilespmem:$0x1C000] =	vst v63  }
0x83: {  	s9 =	simm.s32 $0x1  }
0x84: {  	s0 =	sadd.s32 @!p1 s1, s0;
	s2 =	simm.s32 @!p1 $0x2A00;
	v8 =	vmov s9;
	s9 =	simm.s32 $0x7  }
0x85: {  	[tilespmem:s2], [sflag:$0x2] =	stream.linear.gather @!p1 [hbm4b:s0+s6], $0x190, $0x38;
	[tilespmem:$0x1C000] =	vst v63  }
0x86: {  	s2 =	simm.s32 $0x2;
	s6 =	simm.s32 $0x6;
	v8 =	vand.u32 $0xFFFFFFF9, v8;
	v11 =	vmov s9  }
0x87: {  	p0 =	seq.s32 s28, $0x0;
	s9 =	simm.s32 $0x4;
	v9 =	vmov s2;
	v10 =	vmov s6;
	v8 =	vbroadcast v8, $0x0;
	s6 =	simm.s32 $0x3  }
0x88: {  	s2 =	simm.s32 @!p0 $0x3;
	v13 =	vmov s9;
	v10 =	vand.u32 $0xFFFFFFFE, v10;
	v12 =	vmov s6  }
0x89: {  	v9 =	vand.u32 $0xFFFFFFFA, v9;
	_ =	swait.ge @!p0 [sflag:s2], $0xC800;
	v10 =	vbroadcast v10, $0x0;
	v12 =	vand.u32 $0xFFFFFFFB, v12  }
0x8a: {  	s6 =	simm.s32 $0x5;
	v9 =	vbroadcast v9, $0x0;
	[sflag:s2] =	ssyncset.done @!p0 $0x0;
	v14 =	vbroadcast v12, $0x0;
	v12 =	vand.u32 $0xFFFFFFFC, v13  }
0x8b: {  	s9 =	simm.s32 $0x0;
	v13 =	vmov s6;
	[sflag:s2] =	ssyncadd.s32 @!p0 $0xFFFF3800;
	v16 =	vbroadcast v12, $0x0  }
0x8c: {  	v15 =	vmov s9;
	v12 =	vand.u32 $0xFFFFFFFD, v13;
	v11 =	vld.idx.msk [tilespmem:v11+s19+$0x0], $0xffff  }
0x8d: {  	v13 =	vand.u32 $0xFFFFFFF8, v15;
	v15 =	vbroadcast v12, $0x0  }
0x8e: {  	s2 =	simm.s32 $0xA;
	v19 =	vbroadcast v13, $0x0;
	v17 =	vld.idx.msk [tilespmem:v8+s19+$0x0], $0xffff  }
0x8f: {  	s6 =	simm.s32 $0xF;
	v18 =	vld.idx.msk [tilespmem:v10+s19+$0x0], $0xffff;
	v10 =	vmov s2  }
0x90: {  	v12 =	vld.idx.msk [tilespmem:v9+s19+$0x0], $0xffff;
	v9 =	vand.u32 $0xFFFFFFFA, v10;
	v10 =	vmov s6  }
0x91: {  	v21 =	vadd.s32 v0, v11;
	v20 =	vbroadcast v9, $0x0;
	v16 =	vld.idx.msk [tilespmem:v16+s19+$0x0], $0xffff  }
0x92: {  	v13 =	vld.idx.msk [tilespmem:v14+s19+$0x0], $0xffff  }
0x93: {  	v15 =	vld.idx.msk [tilespmem:v15+s19+$0x0], $0xffff;
	v22 =	vadd.s32 v0, v17  }
0x94: {  	v14 =	vld.idx.msk [tilespmem:v19+s19+$0x0], $0xffff;
	v19 =	vadd.s32 v0, v18  }
0x95: {  	v23 =	vadd.s32 v0, v12;
	v9 =	vld.idx.msk [tilespmem:v10+s19+$0x0], $0xffff  }
0x96: {  	v21 =	vld.idx.msk [tilespmem:v21+s4+$0x0], $0xffff;
	v24 =	vadd.s32 v0, v16  }
0x97: {  	v10 =	vld.idx.msk [tilespmem:v20+s19+$0x0], $0xffff;
	v20 =	vadd.s32 v0, v13  }
0x98: {  	v25 =	vadd.s32 v0, v15;
	v22 =	vld.idx.msk [tilespmem:v22+s4+$0x0], $0xffff  }
0x99: {  	v26 =	vadd.s32 v0, v14;
	v19 =	vld.idx.msk [tilespmem:v19+s4+$0x0], $0xffff  }
0x9a: {  	v28 =	vadd.s32 v1, v17;
	v23 =	vld.idx.msk [tilespmem:v23+s4+$0x0], $0xffff  }
0x9b: {  	v27 =	vadd.s32 v1, v18;
	v24 =	vld.idx.msk [tilespmem:v24+s4+$0x0], $0xffff  }
0x9c: {  	s0 =	simm.s32 $0x3200;
	v29 =	vadd.s32 v1, v12;
	v20 =	vld.idx.msk [tilespmem:v20+s4+$0x0], $0xffff  }
0x9d: {  	v31 =	vadd.s32 v1, v16;
	[tilespmem:s0+$0x180] =	vst v21;
	v25 =	vld.idx.msk [tilespmem:v25+s4+$0x0], $0xffff  }
0x9e: {  	v30 =	vadd.s32 v1, v13;
	v26 =	vld.idx.msk [tilespmem:v26+s4+$0x0], $0xffff;
	[tilespmem:s0+$0xFFFFFE80] =	vst v22  }
0x9f: {  	v28 =	vld.idx.msk [tilespmem:v28+s4+$0x0], $0xffff;
	[tilespmem:s0+$0x100] =	vst v19;
	v19 =	vadd.s32 v1, v15  }
0xa0: {  	[tilespmem:s0+$0xFFFFFF00] =	vst v23;
	v22 =	vld.idx.msk [tilespmem:v27+s4+$0x0], $0xffff;
	v27 =	vadd.s32 v1, v14  }
0xa1: {  	v23 =	vld.idx.msk [tilespmem:v29+s4+$0x0], $0xffff;
	[tilespmem:s0+$0x0] =	vst v24;
	v24 =	vadd.s32 v1, v11  }
0xa2: {  	[tilespmem:s0+$0xFFFFFF80] =	vst v20;
	v20 =	vadd.s32 v2, v18;
	v31 =	vld.idx.msk [tilespmem:v31+s4+$0x0], $0xffff  }
0xa3: {  	[tilespmem:s0+$0x80] =	vst v25;
	v25 =	vadd.s32 v2, v12;
	v29 =	vld.idx.msk [tilespmem:v30+s4+$0x0], $0xffff  }
0xa4: {  	[tilespmem:s0+$0xFFFFFE00] =	vst v26;
	v30 =	vadd.s32 v2, v17;
	v19 =	vld.idx.msk [tilespmem:v19+s4+$0x0], $0xffff  }
0xa5: {  	[tilespmem:s0+$0xFFFFFE90] =	vst v28;
	v26 =	vld.idx.msk [tilespmem:v27+s4+$0x0], $0xffff;
	v27 =	vadd.s32 v2, v13  }
0xa6: {  	[tilespmem:s0+$0x110] =	vst v22;
	v22 =	vadd.s32 v2, v16;
	v24 =	vld.idx.msk [tilespmem:v24+s4+$0x0], $0xffff  }
0xa7: {  	v21 =	vadd.s32 v2, v15;
	[tilespmem:s0+$0xFFFFFF10] =	vst v23;
	v20 =	vld.idx.msk [tilespmem:v20+s4+$0x0], $0xffff  }
0xa8: {  	v23 =	vadd.s32 v3, v18;
	v25 =	vld.idx.msk [tilespmem:v25+s4+$0x0], $0xffff;
	[tilespmem:s0+$0x10] =	vst v31  }
0xa9: {  	v28 =	vld.idx.msk [tilespmem:v30+s4+$0x0], $0xffff;
	v30 =	vadd.s32 v2, v14;
	[tilespmem:s0+$0xFFFFFF90] =	vst v29  }
0xaa: {  	v29 =	vadd.s32 v2, v11;
	[tilespmem:s0+$0x90] =	vst v19;
	v27 =	vld.idx.msk [tilespmem:v27+s4+$0x0], $0xffff  }
0xab: {  	v31 =	vadd.s32 v3, v17;
	v22 =	vld.idx.msk [tilespmem:v22+s4+$0x0], $0xffff;
	[tilespmem:s0+$0xFFFFFE10] =	vst v26  }
0xac: {  	v19 =	vadd.s32 v3, v12;
	v21 =	vld.idx.msk [tilespmem:v21+s4+$0x0], $0xffff;
	[tilespmem:s0+$0x120] =	vst v20  }
0xad: {  	[tilespmem:s0+$0x190] =	vst v24;
	v20 =	vadd.s32 v3, v13;
	v23 =	vld.idx.msk [tilespmem:v23+s4+$0x0], $0xffff  }
0xae: {  	[tilespmem:s0+$0xFFFFFF20] =	vst v25;
	v25 =	vadd.s32 v3, v15;
	v26 =	vld.idx.msk [tilespmem:v30+s4+$0x0], $0xffff  }
0xaf: {  	v30 =	vadd.s32 v3, v16;
	[tilespmem:s0+$0xFFFFFEA0] =	vst v28;
	v28 =	vld.idx.msk [tilespmem:v29+s4+$0x0], $0xffff  }
0xb0: {  	v24 =	vadd.s32 v4, v18;
	v29 =	vld.idx.msk [tilespmem:v31+s4+$0x0], $0xffff;
	[tilespmem:s0+$0xFFFFFFA0] =	vst v27  }
0xb1: {  	v31 =	vadd.s32 v3, v14;
	v19 =	vld.idx.msk [tilespmem:v19+s4+$0x0], $0xffff;
	[tilespmem:s0+$0x20] =	vst v22  }
0xb2: {  	v22 =	vadd.s32 v3, v11;
	[tilespmem:s0+$0xA0] =	vst v21;
	v20 =	vld.idx.msk [tilespmem:v20+s4+$0x0], $0xffff  }
0xb3: {  	v27 =	vadd.s32 v4, v17;
	v25 =	vld.idx.msk [tilespmem:v25+s4+$0x0], $0xffff;
	[tilespmem:s0+$0x130] =	vst v23  }
0xb4: {  	v30 =	vld.idx.msk [tilespmem:v30+s4+$0x0], $0xffff;
	v23 =	vadd.s32 v4, v12;
	[tilespmem:s0+$0xFFFFFE20] =	vst v26  }
0xb5: {  	[tilespmem:s0+$0x1A0] =	vst v28;
	v21 =	vld.idx.msk [tilespmem:v24+s4+$0x0], $0xffff;
	v24 =	vadd.s32 v4, v13  }
0xb6: {  	s9 =	simm.s32 $0x9;
	v28 =	vadd.s32 v4, v16;
	v26 =	vld.idx.msk [tilespmem:v31+s4+$0x0], $0xffff;
	[tilespmem:s0+$0xFFFFFEB0] =	vst v29  }
0xb7: {  	v8 =	vmov s9;
	[tilespmem:s0+$0xFFFFFF30] =	vst v19;
	v19 =	vadd.s32 v4, v15;
	v22 =	vld.idx.msk [tilespmem:v22+s4+$0x0], $0xffff  }
0xb8: {  	v8 =	vand.u32 $0xFFFFFFF9, v8;
	v31 =	vadd.s32 v5, v18;
	v27 =	vld.idx.msk [tilespmem:v27+s4+$0x0], $0xffff;
	[tilespmem:s0+$0xFFFFFFB0] =	vst v20  }
0xb9: {  	v8 =	vbroadcast v8, $0x0;
	v29 =	vadd.s32 v4, v14;
	[tilespmem:s0+$0xB0] =	vst v25;
	v23 =	vld.idx.msk [tilespmem:v23+s4+$0x0], $0xffff  }
0xba: {  	[tilespmem:s0+$0x30] =	vst v30;
	v20 =	vld.idx.msk [tilespmem:v24+s4+$0x0], $0xffff  }
0xbb: {  	[tilespmem:s0+$0x140] =	vst v21;
	v21 =	vadd.s32 v4, v11;
	v28 =	vld.idx.msk [tilespmem:v28+s4+$0x0], $0xffff  }
0xbc: {  	v24 =	vadd.s32 v5, v17;
	[tilespmem:s0+$0xFFFFFE30] =	vst v26;
	v19 =	vld.idx.msk [tilespmem:v19+s4+$0x0], $0xffff  }
0xbd: {  	v30 =	vld.idx.msk [tilespmem:v31+s4+$0x0], $0xffff;
	v31 =	vadd.s32 v5, v12;
	[tilespmem:s0+$0x1B0] =	vst v22  }
0xbe: {  	v26 =	vld.idx.msk [tilespmem:v29+s4+$0x0], $0xffff;
	v29 =	vadd.s32 v5, v13;
	[tilespmem:s0+$0xFFFFFEC0] =	vst v27  }
0xbf: {  	v8 =	vld.idx.msk [tilespmem:v8+s19+$0x0], $0xffff;
	v25 =	vadd.s32 v6, v18;
	[tilespmem:s0+$0xFFFFFF40] =	vst v23  }
0xc0: {  	v22 =	vadd.s32 v5, v16;
	v21 =	vld.idx.msk [tilespmem:v21+s4+$0x0], $0xffff;
	[tilespmem:s0+$0xFFFFFFC0] =	vst v20  }
0xc1: {  	v23 =	vadd.s32 v5, v15;
	v27 =	vld.idx.msk [tilespmem:v24+s4+$0x0], $0xffff;
	[tilespmem:s0+$0x40] =	vst v28  }
0xc2: {  	v24 =	vadd.s32 v5, v14;
	[tilespmem:s0+$0xC0] =	vst v19;
	v31 =	vld.idx.msk [tilespmem:v31+s4+$0x0], $0xffff  }
0xc3: {  	[tilespmem:s0+$0x150] =	vst v30;
	v30 =	vadd.s32 v6, v17;
	v29 =	vld.idx.msk [tilespmem:v29+s4+$0x0], $0xffff  }
0xc4: {  	[tilespmem:s0+$0xFFFFFE40] =	vst v26;
	v20 =	vld.idx.msk [tilespmem:v25+s4+$0x0], $0xffff;
	v25 =	vadd.s32 v5, v11  }
0xc5: {  	v22 =	vld.idx.msk [tilespmem:v22+s4+$0x0], $0xffff;
	v26 =	vadd.s32 v6, v12;
	[tilespmem:s0+$0x1C0] =	vst v21  }
0xc6: {  	v18 =	vadd.s32 v7, v18;
	v61 =	vld.idx.msk [tilespmem:v23+s4+$0x0], $0xffff;
	[tilespmem:s0+$0xFFFFFED0] =	vst v27  }
0xc7: {  	v63 =	vadd.s32 v6, v16;
	v24 =	vld.idx.msk [tilespmem:v24+s4+$0x0], $0xffff;
	[tilespmem:s0+$0xFFFFFF50] =	vst v31  }
0xc8: {  	s9 =	simm.s32 $0xB;
	v62 =	vadd.s32 v6, v13;
	v19 =	vld.idx.msk [tilespmem:v30+s4+$0x0], $0xffff;
	[tilespmem:s0+$0xFFFFFFD0] =	vst v29  }
0xc9: {  	v29 =	vadd.s32 v6, v15;
	v23 =	vld.idx.msk [tilespmem:v25+s4+$0x0], $0xffff;
	[tilespmem:s0+$0x160] =	vst v20;
	v20 =	vmov s9  }
0xca: {  	v28 =	vadd.s32 v6, v14;
	v21 =	vld.idx.msk [tilespmem:v26+s4+$0x0], $0xffff;
	v25 =	vand.u32 $0xFFFFFFFB, v20  }
0xcb: {  	v27 =	vadd.s32 v6, v11;
	[tilespmem:s0+$0x50] =	vst v22;
	v18 =	vld.idx.msk [tilespmem:v18+s4+$0x0], $0xffff;
	v25 =	vbroadcast v25, $0x0  }
0xcc: {  	s31 =	sor.u32 s5, s30;
	v22 =	vld.idx.msk [tilespmem:v63+s4+$0x0], $0xffff  }
0xcd: {  	s2 =	simm.s32 $0x8;
	s6 =	simm.s32 $0x10;
	s9 =	simm.s32 $0xE;
	v26 =	vadd.s32 v7, v17;
	v20 =	vld.idx.msk [tilespmem:v62+s4+$0x0], $0xffff;
	[tilespmem:s0+$0xD0] =	vst v61  }
.LBB2_3:
0xce: {  	p2 =	slt.u32 s6, $0x188;
	v17 =	vmov s9;
	[tilespmem:s0+$0xFFFFFE50] =	vst v24;
	v24 =	vadd.s32 v7, v12;
	v29 =	vld.idx.msk [tilespmem:v29+s4+$0x0], $0xffff;
	v12 =	vmov v10  }
0xcf: {  	v10 =	vand.u32 $0xFFFFFFFE, v17;
	v17 =	vld.idx.msk [tilespmem:v28+s4+$0x0], $0xffff;
	v28 =	vadd.s32 v7, v13;
	[tilespmem:s0+$0x1D0] =	vst v23  }
0xd0: {  	v16 =	vadd.s32 v7, v16;
	v10 =	vbroadcast v10, $0x0;
	[tilespmem:s0+$0x170] =	vst v18;
	v23 =	vld.idx.msk [tilespmem:v27+s4+$0x0], $0xffff  }
0xd1: {  	s9 =	sadd.s32 $0x4, s2;
	v13 =	vld.idx.msk [tilespmem:v25+s19+$0x0], $0xffff;
	[tilespmem:s0+$0xFFFFFEE0] =	vst v19  }
0xd2: {  	v15 =	vadd.s32 v7, v15;
	v18 =	vmov s2;
	v19 =	vmov s9;
	s9 =	sadd.s32 $0x5, s2;
	s2 =	smov.u32 s6;
	v25 =	vld.idx.msk [tilespmem:v26+s4+$0x0], $0xffff;
	[tilespmem:s0+$0xFFFFFF60] =	vst v21  }
0xd3: {  	v14 =	vadd.s32 v7, v14;
	v19 =	vand.u32 $0xFFFFFFFC, v19;
	v21 =	vmov s9;
	v24 =	vld.idx.msk [tilespmem:v24+s4+$0x0], $0xffff;
	[tilespmem:s0+$0xFFFFFFE0] =	vst v20  }
0xd4: {  	v19 =	vbroadcast v19, $0x0;
	v20 =	vand.u32 $0xFFFFFFFD, v21;
	v21 =	vld.idx.msk [tilespmem:v28+s4+$0x0], $0xffff;
	[tilespmem:s0+$0x60] =	vst v22;
	v22 =	vadd.s32 v7, v11;
	v11 =	vmovc v9  }
0xd5: {  	s9 =	sadd.s32 $0x1, s6;
	v9 =	vand.u32 $0xFFFFFFF8, v18;
	v20 =	vbroadcast v20, $0x0;
	v26 =	vld.idx.msk [tilespmem:v16+s4+$0x0], $0xffff;
	[tilespmem:s0+$0xE0] =	vst v29  }
0xd6: {  	v16 =	vmov s9;
	s9 =	sadd.s32 $0x2, s6;
	v9 =	vbroadcast v9, $0x0;
	v18 =	vld.idx.msk [tilespmem:v10+s19+$0x0], $0xffff;
	[tilespmem:s0+$0xFFFFFE60] =	vst v17  }
0xd7: {  	v10 =	vand.u32 $0xFFFFFFF9, v16;
	v16 =	vmov s9;
	s9 =	sadd.s32 $0x7, s6;
	v17 =	vld.idx.msk [tilespmem:v15+s4+$0x0], $0xffff;
	[tilespmem:s0+$0x1E0] =	vst v23  }
0xd8: {  	v10 =	vbroadcast v10, $0x0;
	v15 =	vand.u32 $0xFFFFFFFA, v16;
	v23 =	vmov s9;
	v27 =	vld.idx.msk [tilespmem:v14+s4+$0x0], $0xffff;
	[tilespmem:s0+$0xFFFFFEF0] =	vst v25  }
0xd9: {  	v25 =	vbroadcast v15, $0x0;
	[tilespmem:s0+$0xFFFFFF70] =	vst v24;
	v22 =	vld.idx.msk [tilespmem:v22+s4+$0x0], $0xffff  }
0xda: {  	v16 =	vld.idx.msk [tilespmem:v19+s19+$0x0], $0xffff;
	[tilespmem:s0+$0xFFFFFFF0] =	vst v21  }
0xdb: {  	v19 =	vadd.s32 v0, v11;
	v15 =	vld.idx.msk [tilespmem:v20+s19+$0x0], $0xffff;
	[tilespmem:s0+$0x70] =	vst v26  }
0xdc: {  	v20 =	vadd.s32 v0, v18;
	v14 =	vld.idx.msk [tilespmem:v9+s19+$0x0], $0xffff  }
0xdd: {  	v21 =	vadd.s32 v0, v8;
	v9 =	vld.idx.msk [tilespmem:v23+s19+$0x0], $0xffff;
	[tilespmem:s0+$0xF0] =	vst v17  }
0xde: {  	v23 =	vadd.s32 v0, v12;
	v17 =	vld.idx.msk [tilespmem:v10+s19+$0x0], $0xffff;
	[tilespmem:s0+$0xFFFFFE70] =	vst v27  }
0xdf: {  	v24 =	vadd.s32 v0, v13;
	v10 =	vld.idx.msk [tilespmem:v25+s19+$0x0], $0xffff;
	[tilespmem:s0+$0x1F0] =	vst v22  }
0xe0: {  	v22 =	vadd.s32 v0, v16;
	v19 =	vld.idx.msk [tilespmem:v19+s4+$0x0], $0xffff  }
0xe1: {  	v25 =	vadd.s32 v0, v15;
	v20 =	vld.idx.msk [tilespmem:v20+s4+$0x0], $0xffff  }
0xe2: {  	v26 =	vadd.s32 v0, v14;
	v21 =	vld.idx.msk [tilespmem:v21+s4+$0x0], $0xffff  }
0xe3: {  	v27 =	vadd.s32 v1, v18;
	v23 =	vld.idx.msk [tilespmem:v23+s4+$0x0], $0xffff  }
0xe4: {  	v28 =	vadd.s32 v1, v8;
	v24 =	vld.idx.msk [tilespmem:v24+s4+$0x0], $0xffff  }
0xe5: {  	v29 =	vadd.s32 v1, v12;
	v22 =	vld.idx.msk [tilespmem:v22+s4+$0x0], $0xffff  }
0xe6: {  	v30 =	vadd.s32 v1, v13;
	s0 =	sadd.s32 $0x400, s0;
	v25 =	vld.idx.msk [tilespmem:v25+s4+$0x0], $0xffff  }
0xe7: {  	v31 =	vadd.s32 v1, v16;
	v26 =	vld.idx.msk [tilespmem:v26+s4+$0x0], $0xffff;
	[tilespmem:s0+$0x100] =	vst v20  }
0xe8: {  	v20 =	vadd.s32 v1, v15;
	[tilespmem:s0+$0xFFFFFE80] =	vst v21;
	v21 =	vld.idx.msk [tilespmem:v27+s4+$0x0], $0xffff  }
0xe9: {  	v27 =	vadd.s32 v1, v14;
	v28 =	vld.idx.msk [tilespmem:v28+s4+$0x0], $0xffff;
	[tilespmem:s0+$0xFFFFFF00] =	vst v23  }
0xea: {  	v23 =	vld.idx.msk [tilespmem:v29+s4+$0x0], $0xffff;
	[tilespmem:s0+$0xFFFFFF80] =	vst v24;
	v24 =	vadd.s32 v2, v18  }
0xeb: {  	v29 =	vld.idx.msk [tilespmem:v30+s4+$0x0], $0xffff;
	[tilespmem:s0+$0x0] =	vst v22;
	v22 =	vadd.s32 v1, v11  }
0xec: {  	v30 =	vadd.s32 v2, v8;
	v31 =	vld.idx.msk [tilespmem:v31+s4+$0x0], $0xffff;
	[tilespmem:s0+$0x80] =	vst v25  }
0xed: {  	v25 =	vadd.s32 v2, v12;
	[tilespmem:s0+$0xFFFFFE00] =	vst v26;
	v20 =	vld.idx.msk [tilespmem:v20+s4+$0x0], $0xffff  }
0xee: {  	v26 =	vld.idx.msk [tilespmem:v27+s4+$0x0], $0xffff;
	v27 =	vadd.s32 v2, v13;
	[tilespmem:s0+$0x110] =	vst v21  }
0xef: {  	v21 =	vadd.s32 v2, v16;
	v24 =	vld.idx.msk [tilespmem:v24+s4+$0x0], $0xffff;
	[tilespmem:s0+$0x180] =	vst v19  }
0xf0: {  	v19 =	vadd.s32 v2, v15;
	[tilespmem:s0+$0xFFFFFE90] =	vst v28;
	v22 =	vld.idx.msk [tilespmem:v22+s4+$0x0], $0xffff  }
0xf1: {  	v28 =	vld.idx.msk [tilespmem:v30+s4+$0x0], $0xffff;
	[tilespmem:s0+$0xFFFFFF10] =	vst v23;
	v23 =	vadd.s32 v3, v18  }
0xf2: {  	v30 =	vadd.s32 v2, v14;
	v25 =	vld.idx.msk [tilespmem:v25+s4+$0x0], $0xffff;
	[tilespmem:s0+$0xFFFFFF90] =	vst v29  }
0xf3: {  	v29 =	vadd.s32 v2, v11;
	v27 =	vld.idx.msk [tilespmem:v27+s4+$0x0], $0xffff;
	[tilespmem:s0+$0x10] =	vst v31  }
0xf4: {  	v31 =	vadd.s32 v3, v8;
	v21 =	vld.idx.msk [tilespmem:v21+s4+$0x0], $0xffff;
	[tilespmem:s0+$0x90] =	vst v20  }
0xf5: {  	v20 =	vadd.s32 v3, v12;
	v19 =	vld.idx.msk [tilespmem:v19+s4+$0x0], $0xffff;
	[tilespmem:s0+$0x120] =	vst v24  }
0xf6: {  	v24 =	vadd.s32 v3, v13;
	[tilespmem:s0+$0xFFFFFE10] =	vst v26;
	v23 =	vld.idx.msk [tilespmem:v23+s4+$0x0], $0xffff  }
0xf7: {  	v26 =	vld.idx.msk [tilespmem:v30+s4+$0x0], $0xffff;
	v30 =	vadd.s32 v3, v16;
	[tilespmem:s0+$0x190] =	vst v22  }
0xf8: {  	v22 =	vadd.s32 v4, v18;
	[tilespmem:s0+$0xFFFFFEA0] =	vst v28;
	v28 =	vld.idx.msk [tilespmem:v29+s4+$0x0], $0xffff  }
0xf9: {  	v29 =	vld.idx.msk [tilespmem:v31+s4+$0x0], $0xffff;
	[tilespmem:s0+$0xFFFFFF20] =	vst v25;
	v25 =	vadd.s32 v3, v15  }
0xfa: {  	v31 =	vadd.s32 v3, v14;
	v20 =	vld.idx.msk [tilespmem:v20+s4+$0x0], $0xffff;
	[tilespmem:s0+$0xFFFFFFA0] =	vst v27  }
0xfb: {  	v24 =	vld.idx.msk [tilespmem:v24+s4+$0x0], $0xffff;
	[tilespmem:s0+$0x20] =	vst v21;
	v21 =	vadd.s32 v3, v11  }
0xfc: {  	v27 =	vadd.s32 v4, v8;
	v30 =	vld.idx.msk [tilespmem:v30+s4+$0x0], $0xffff;
	[tilespmem:s0+$0x130] =	vst v23  }
0xfd: {  	v23 =	vadd.s32 v4, v12;
	[tilespmem:s0+$0xA0] =	vst v19;
	v19 =	vld.idx.msk [tilespmem:v22+s4+$0x0], $0xffff  }
0xfe: {  	v22 =	vadd.s32 v4, v13;
	[tilespmem:s0+$0xFFFFFE20] =	vst v26;
	v25 =	vld.idx.msk [tilespmem:v25+s4+$0x0], $0xffff  }
0xff: {  	v26 =	vld.idx.msk [tilespmem:v31+s4+$0x0], $0xffff;
	v31 =	vadd.s32 v5, v18;
	[tilespmem:s0+$0x1A0] =	vst v28  }
0x100: {  	v28 =	vadd.s32 v4, v16;
	[tilespmem:s0+$0xFFFFFEB0] =	vst v29;
	v21 =	vld.idx.msk [tilespmem:v21+s4+$0x0], $0xffff  }
0x101: {  	v27 =	vld.idx.msk [tilespmem:v27+s4+$0x0], $0xffff;
	[tilespmem:s0+$0xFFFFFF30] =	vst v20;
	v20 =	vadd.s32 v4, v15  }
0x102: {  	v29 =	vadd.s32 v4, v14;
	v23 =	vld.idx.msk [tilespmem:v23+s4+$0x0], $0xffff;
	[tilespmem:s0+$0xFFFFFFB0] =	vst v24  }
0x103: {  	v22 =	vld.idx.msk [tilespmem:v22+s4+$0x0], $0xffff;
	[tilespmem:s0+$0x140] =	vst v19;
	v19 =	vadd.s32 v4, v11  }
0x104: {  	v24 =	vadd.s32 v5, v8;
	[tilespmem:s0+$0x30] =	vst v30;
	v30 =	vld.idx.msk [tilespmem:v31+s4+$0x0], $0xffff  }
0x105: {  	v31 =	vadd.s32 v5, v12;
	v28 =	vld.idx.msk [tilespmem:v28+s4+$0x0], $0xffff;
	[tilespmem:s0+$0xB0] =	vst v25  }
0x106: {  	v25 =	vadd.s32 v6, v18;
	[tilespmem:s0+$0xFFFFFE30] =	vst v26;
	v20 =	vld.idx.msk [tilespmem:v20+s4+$0x0], $0xffff  }
0x107: {  	v26 =	vld.idx.msk [tilespmem:v29+s4+$0x0], $0xffff;
	v29 =	vadd.s32 v5, v13;
	[tilespmem:s0+$0x1B0] =	vst v21  }
0x108: {  	v21 =	vadd.s32 v5, v16;
	[tilespmem:s0+$0xFFFFFEC0] =	vst v27;
	v19 =	vld.idx.msk [tilespmem:v19+s4+$0x0], $0xffff  }
0x109: {  	v27 =	vld.idx.msk [tilespmem:v24+s4+$0x0], $0xffff;
	[tilespmem:s0+$0xFFFFFF40] =	vst v23;
	v23 =	vadd.s32 v5, v15  }
0x10a: {  	v24 =	vadd.s32 v5, v14;
	v31 =	vld.idx.msk [tilespmem:v31+s4+$0x0], $0xffff;
	[tilespmem:s0+$0x150] =	vst v30  }
0x10b: {  	[tilespmem:s0+$0xFFFFFFC0] =	vst v22;
	v22 =	vld.idx.msk [tilespmem:v25+s4+$0x0], $0xffff;
	v25 =	vadd.s32 v5, v11  }
0x10c: {  	v30 =	vadd.s32 v6, v8;
	v32 =	vld.idx.msk [tilespmem:v29+s4+$0x0], $0xffff;
	[tilespmem:s0+$0x40] =	vst v28  }
0x10d: {  	v18 =	vadd.s32 v7, v18;
	v33 =	vld.idx.msk [tilespmem:v21+s4+$0x0], $0xffff;
	[tilespmem:s0+$0xC0] =	vst v20  }
0x10e: {  	v20 =	vadd.s32 v6, v12;
	[tilespmem:s0+$0xFFFFFE40] =	vst v26;
	v34 =	vld.idx.msk [tilespmem:v23+s4+$0x0], $0xffff  }
0x10f: {  	v26 =	vadd.s32 v6, v13;
	v24 =	vld.idx.msk [tilespmem:v24+s4+$0x0], $0xffff;
	[tilespmem:s0+$0x1C0] =	vst v19  }
0x110: {  	s9 =	sadd.s32 $0x3, s6;
	v35 =	vadd.s32 v6, v16;
	[tilespmem:s0+$0xFFFFFED0] =	vst v27;
	v23 =	vld.idx.msk [tilespmem:v25+s4+$0x0], $0xffff  }
.Ltmp4:
0x111: {  	v29 =	vadd.s32 v6, v15;
	v21 =	vmov s9;
	v19 =	vld.idx.msk [tilespmem:v30+s4+$0x0], $0xffff;
	[tilespmem:s0+$0x160] =	vst v22;
	(pc) =	sbr.rel @p2 .LBB2_3-.Ltmp4, $4  }
0x112: {  	v28 =	vadd.s32 v6, v14;
	v21 =	vand.u32 $0xFFFFFFFB, v21;
	[tilespmem:s0+$0xFFFFFF50] =	vst v31;
	v18 =	vld.idx.msk [tilespmem:v18+s4+$0x0], $0xffff  }
0x113: {  	v25 =	vbroadcast v21, $0x0;
	v27 =	vadd.s32 v6, v11;
	v21 =	vld.idx.msk [tilespmem:v20+s4+$0x0], $0xffff;
	[tilespmem:s0+$0xFFFFFFD0] =	vst v32  }
0x114: {  	v20 =	vld.idx.msk [tilespmem:v26+s4+$0x0], $0xffff;
	[tilespmem:s0+$0x50] =	vst v33  }
0x115: {  	s6 =	sadd.s32 $0x8, s6;
	s9 =	sadd.s32 $0x6, s2;
	v26 =	vadd.s32 v7, v8;
	v8 =	vmov v17;
	v22 =	vld.idx.msk [tilespmem:v35+s4+$0x0], $0xffff;
	[tilespmem:s0+$0xD0] =	vst v34  }
0x116: {  	_ =	sdelay $0x3  }
0x117: {  	v52 =	vld.idx.msk [tilespmem:v29+s4+$0x0], $0xffff;
	v53 =	vadd.s32 v7, v12  }
0x118: {  	[tilespmem:s0+$0xFFFFFE50] =	vst v24;
	v13 =	vadd.s32 v7, v13;
	v12 =	vld.idx.msk [tilespmem:v25+s19+$0x0], $0xffff  }
0x119: {  	v17 =	vmov s9;
	[tilespmem:s0+$0x1D0] =	vst v23;
	v55 =	vadd.s32 v7, v16;
	v57 =	vmov s2;
	v28 =	vld.idx.msk [tilespmem:v28+s4+$0x0], $0xffff  }
0x11a: {  	s6 =	sadd.s32 $0x4, s2;
	[tilespmem:s0+$0xFFFFFEE0] =	vst v19;
	v29 =	vadd.s32 v0, v10;
	v37 =	vadd.s32 v0, v9;
	v17 =	vand.u32 $0xFFFFFFFE, v17;
	v27 =	vld.idx.msk [tilespmem:v27+s4+$0x0], $0xffff  }
0x11b: {  	s9 =	sadd.s32 $0x5, s2;
	v54 =	vmov s6;
	v26 =	vld.idx.msk [tilespmem:v26+s4+$0x0], $0xffff;
	v19 =	vand.u32 $0xFFFFFFF8, v57;
	v17 =	vbroadcast v17, $0x0;
	[tilespmem:s0+$0xFFFFFF60] =	vst v21  }
0x11c: {  	v30 =	vmov s9;
	v56 =	vand.u32 $0xFFFFFFFC, v54;
	v19 =	vbroadcast v19, $0x0;
	[tilespmem:s0+$0xFFFFFFE0] =	vst v20;
	v60 =	vld.idx.msk [tilespmem:v53+s4+$0x0], $0xffff  }
0x11d: {  	v59 =	vand.u32 $0xFFFFFFFD, v30;
	v58 =	vbroadcast v56, $0x0;
	[tilespmem:s0+$0x60] =	vst v22;
	v20 =	vld.idx.msk [tilespmem:v13+s4+$0x0], $0xffff  }
0x11e: {  	v30 =	vbroadcast v59, $0x0;
	v22 =	vld.idx.msk [tilespmem:v55+s4+$0x0], $0xffff  }
0x11f: {  	v35 =	vld.idx.msk [tilespmem:v29+s4+$0x0], $0xffff  }
0x120: {  	v43 =	vld.idx.msk [tilespmem:v37+s4+$0x0], $0xffff;
	[tilespmem:s0+$0xFFFFFE60] =	vst v28;
	v28 =	vadd.s32 v0, v8  }
0x121: {  	v15 =	vadd.s32 v7, v15;
	[tilespmem:s0+$0x170] =	vst v18;
	v16 =	vld.idx.msk [tilespmem:v17+s19+$0x0], $0xffff  }
0x122: {  	v61 =	vadd.s32 v7, v14;
	[tilespmem:s0+$0xE0] =	vst v52;
	v13 =	vld.idx.msk [tilespmem:v19+s19+$0x0], $0xffff  }
0x123: {  	v62 =	vadd.s32 v7, v11;
	[tilespmem:s0+$0x1E0] =	vst v27;
	v14 =	vld.idx.msk [tilespmem:v58+s19+$0x0], $0xffff  }
0x124: {  	v40 =	vadd.s32 v1, v10;
	[tilespmem:s0+$0xFFFFFEF0] =	vst v26;
	v11 =	vld.idx.msk [tilespmem:v30+s19+$0x0], $0xffff  }
0x125: {  	v30 =	vadd.s32 v0, v12;
	[tilespmem:s0+$0xFFFFFF70] =	vst v60;
	v19 =	vld.idx.msk [tilespmem:v28+s4+$0x0], $0xffff  }
0x126: {  	v39 =	vadd.s32 v1, v8;
	v15 =	vld.idx.msk [tilespmem:v15+s4+$0x0], $0xffff;
	[tilespmem:s0+$0xFFFFFFF0] =	vst v20  }
0x127: {  	s6 =	sadd.s32 $0x400, s0;
	v21 =	vld.idx.msk [tilespmem:v61+s4+$0x0], $0xffff;
	[tilespmem:s0+$0x70] =	vst v22;
	v63 =	vadd.s32 v0, v16  }
0x128: {  	v31 =	vld.idx.msk [tilespmem:v62+s4+$0x0], $0xffff;
	[tilespmem:s6+$0xFFFFFF00] =	vst v35;
	v34 =	vadd.s32 v0, v13  }
0x129: {  	[tilespmem:s6+$0x180] =	vst v43;
	v25 =	vld.idx.msk [tilespmem:v40+s4+$0x0], $0xffff;
	v32 =	vadd.s32 v0, v14  }
0x12a: {  	v33 =	vadd.s32 v0, v11;
	v38 =	vld.idx.msk [tilespmem:v30+s4+$0x0], $0xffff;
	[tilespmem:s6+$0xFFFFFE80] =	vst v19  }
0x12b: {  	v41 =	vadd.s32 v1, v12;
	[tilespmem:s0+$0xF0] =	vst v15;
	v17 =	vld.idx.msk [tilespmem:v39+s4+$0x0], $0xffff  }
0x12c: {  	v48 =	vadd.s32 v1, v9;
	[tilespmem:s0+$0xFFFFFE70] =	vst v21;
	v23 =	vld.idx.msk [tilespmem:v63+s4+$0x0], $0xffff  }
0x12d: {  	v49 =	vadd.s32 v2, v8;
	[tilespmem:s0+$0x1F0] =	vst v31;
	v22 =	vld.idx.msk [tilespmem:v34+s4+$0x0], $0xffff  }
0x12e: {  	v36 =	vadd.s32 v1, v16;
	[tilespmem:s6+$0xFFFFFF10] =	vst v25;
	v18 =	vld.idx.msk [tilespmem:v32+s4+$0x0], $0xffff  }
0x12f: {  	v46 =	vadd.s32 v1, v13;
	v20 =	vld.idx.msk [tilespmem:v33+s4+$0x0], $0xffff;
	[tilespmem:s6+$0xFFFFFF80] =	vst v38  }
0x130: {  	v42 =	vadd.s32 v1, v14;
	v47 =	vld.idx.msk [tilespmem:v41+s4+$0x0], $0xffff;
	[tilespmem:s6+$0xFFFFFE90] =	vst v17  }
0x131: {  	v44 =	vadd.s32 v1, v11;
	[tilespmem:s6+$0x100] =	vst v23;
	v23 =	vld.idx.msk [tilespmem:v48+s4+$0x0], $0xffff  }
0x132: {  	v51 =	vadd.s32 v2, v12;
	[tilespmem:s6+$0xFFFFFE00] =	vst v22;
	v22 =	vld.idx.msk [tilespmem:v49+s4+$0x0], $0xffff  }
0x133: {  	v50 =	vadd.s32 v2, v10;
	v24 =	vld.idx.msk [tilespmem:v36+s4+$0x0], $0xffff;
	[tilespmem:s6+$0x0] =	vst v18  }
0x134: {  	v58 =	vadd.s32 v3, v8;
	[tilespmem:s6+$0x80] =	vst v20;
	v52 =	vld.idx.msk [tilespmem:v46+s4+$0x0], $0xffff  }
0x135: {  	v45 =	vadd.s32 v2, v16;
	v19 =	vld.idx.msk [tilespmem:v42+s4+$0x0], $0xffff;
	[tilespmem:s6+$0xFFFFFF90] =	vst v47  }
0x136: {  	v56 =	vadd.s32 v2, v13;
	v26 =	vld.idx.msk [tilespmem:v44+s4+$0x0], $0xffff;
	[tilespmem:s6+$0x190] =	vst v23  }
0x137: {  	v57 =	vadd.s32 v2, v9;
	v15 =	vld.idx.msk [tilespmem:v51+s4+$0x0], $0xffff;
	[tilespmem:s6+$0xFFFFFEA0] =	vst v22  }
0x138: {  	v53 =	vadd.s32 v2, v14;
	[tilespmem:s6+$0x110] =	vst v24;
	v24 =	vld.idx.msk [tilespmem:v50+s4+$0x0], $0xffff  }
0x139: {  	v55 =	vadd.s32 v2, v11;
	[tilespmem:s6+$0xFFFFFE10] =	vst v52;
	v63 =	vld.idx.msk [tilespmem:v58+s4+$0x0], $0xffff  }
0x13a: {  	v60 =	vadd.s32 v3, v12;
	v21 =	vld.idx.msk [tilespmem:v45+s4+$0x0], $0xffff;
	[tilespmem:s6+$0x10] =	vst v19  }
0x13b: {  	v59 =	vadd.s32 v3, v10;
	[tilespmem:s6+$0x90] =	vst v26;
	v19 =	vld.idx.msk [tilespmem:v56+s4+$0x0], $0xffff  }
0x13c: {  	v54 =	vadd.s32 v3, v16;
	v26 =	vld.idx.msk [tilespmem:v57+s4+$0x0], $0xffff;
	[tilespmem:s6+$0xFFFFFFA0] =	vst v15  }
0x13d: {  	v29 =	vadd.s32 v3, v13;
	v18 =	vld.idx.msk [tilespmem:v53+s4+$0x0], $0xffff;
	[tilespmem:s6+$0xFFFFFF20] =	vst v24  }
0x13e: {  	v31 =	vadd.s32 v4, v8;
	v20 =	vld.idx.msk [tilespmem:v55+s4+$0x0], $0xffff;
	[tilespmem:s6+$0xFFFFFEB0] =	vst v63  }
0x13f: {  	v62 =	vadd.s32 v3, v14;
	v23 =	vld.idx.msk [tilespmem:v60+s4+$0x0], $0xffff;
	[tilespmem:s6+$0x120] =	vst v21  }
0x140: {  	v28 =	vadd.s32 v3, v11;
	v17 =	vld.idx.msk [tilespmem:v59+s4+$0x0], $0xffff;
	[tilespmem:s6+$0xFFFFFE20] =	vst v19  }
0x141: {  	v35 =	vadd.s32 v4, v12;
	[tilespmem:s6+$0x1A0] =	vst v26;
	v25 =	vld.idx.msk [tilespmem:v54+s4+$0x0], $0xffff  }
0x142: {  	v30 =	vadd.s32 v3, v9;
	[tilespmem:s6+$0x20] =	vst v18;
	v18 =	vld.idx.msk [tilespmem:v29+s4+$0x0], $0xffff  }
0x143: {  	v33 =	vadd.s32 v4, v10;
	[tilespmem:s6+$0xA0] =	vst v20;
	v20 =	vld.idx.msk [tilespmem:v31+s4+$0x0], $0xffff  }
0x144: {  	v61 =	vadd.s32 v4, v16;
	v32 =	vld.idx.msk [tilespmem:v62+s4+$0x0], $0xffff;
	[tilespmem:s6+$0xFFFFFFB0] =	vst v23  }
0x145: {  	v38 =	vadd.s32 v4, v13;
	v21 =	vld.idx.msk [tilespmem:v28+s4+$0x0], $0xffff;
	[tilespmem:s6+$0xFFFFFF30] =	vst v17  }
0x146: {  	v40 =	vadd.s32 v5, v8;
	v15 =	vld.idx.msk [tilespmem:v35+s4+$0x0], $0xffff;
	[tilespmem:s6+$0x130] =	vst v25  }
0x147: {  	v36 =	vadd.s32 v4, v14;
	v25 =	vld.idx.msk [tilespmem:v30+s4+$0x0], $0xffff;
	[tilespmem:s6+$0xFFFFFE30] =	vst v18  }
0x148: {  	v37 =	vadd.s32 v4, v11;
	v24 =	vld.idx.msk [tilespmem:v33+s4+$0x0], $0xffff;
	[tilespmem:s6+$0xFFFFFEC0] =	vst v20  }
0x149: {  	v39 =	vadd.s32 v4, v9;
	v22 =	vld.idx.msk [tilespmem:v61+s4+$0x0], $0xffff;
	[tilespmem:s6+$0x30] =	vst v32  }
0x14a: {  	v42 =	vadd.s32 v5, v10;
	[tilespmem:s6+$0xB0] =	vst v21;
	v43 =	vld.idx.msk [tilespmem:v38+s4+$0x0], $0xffff  }
0x14b: {  	v44 =	vadd.s32 v5, v12;
	v21 =	vld.idx.msk [tilespmem:v40+s4+$0x0], $0xffff;
	[tilespmem:s6+$0xFFFFFFC0] =	vst v15  }
0x14c: {  	v34 =	vadd.s32 v5, v16;
	v17 =	vld.idx.msk [tilespmem:v36+s4+$0x0], $0xffff;
	[tilespmem:s6+$0x1B0] =	vst v25  }
0x14d: {  	v47 =	vadd.s32 v5, v13;
	v23 =	vld.idx.msk [tilespmem:v37+s4+$0x0], $0xffff;
	[tilespmem:s6+$0xFFFFFF40] =	vst v24  }
0x14e: {  	v50 =	vadd.s32 v6, v8;
	[tilespmem:s6+$0x140] =	vst v22;
	v19 =	vld.idx.msk [tilespmem:v39+s4+$0x0], $0xffff  }
0x14f: {  	v45 =	vadd.s32 v5, v14;
	v48 =	vld.idx.msk [tilespmem:v42+s4+$0x0], $0xffff;
	[tilespmem:s6+$0xFFFFFE40] =	vst v43  }
0x150: {  	v46 =	vadd.s32 v5, v11;
	v22 =	vld.idx.msk [tilespmem:v44+s4+$0x0], $0xffff;
	[tilespmem:s6+$0xFFFFFED0] =	vst v21  }
0x151: {  	v49 =	vadd.s32 v5, v9;
	v26 =	vld.idx.msk [tilespmem:v34+s4+$0x0], $0xffff;
	[tilespmem:s6+$0x40] =	vst v17  }
0x152: {  	v52 =	vadd.s32 v6, v10;
	[tilespmem:s6+$0xC0] =	vst v23;
	v15 =	vld.idx.msk [tilespmem:v47+s4+$0x0], $0xffff  }
0x153: {  	v54 =	vadd.s32 v6, v12;
	v20 =	vld.idx.msk [tilespmem:v50+s4+$0x0], $0xffff;
	[tilespmem:s6+$0x1C0] =	vst v19  }
0x154: {  	v41 =	vadd.s32 v6, v16;
	v51 =	vld.idx.msk [tilespmem:v45+s4+$0x0], $0xffff;
	[tilespmem:s6+$0xFFFFFF50] =	vst v48  }
0x155: {  	v57 =	vadd.s32 v6, v13;
	v53 =	vld.idx.msk [tilespmem:v46+s4+$0x0], $0xffff;
	[tilespmem:s6+$0xFFFFFFD0] =	vst v22  }
0x156: {  	v8 =	vadd.s32 v7, v8;
	[tilespmem:s6+$0x150] =	vst v26;
	v25 =	vld.idx.msk [tilespmem:v49+s4+$0x0], $0xffff  }
0x157: {  	v55 =	vadd.s32 v6, v14;
	v19 =	vld.idx.msk [tilespmem:v52+s4+$0x0], $0xffff;
	[tilespmem:s6+$0xFFFFFE50] =	vst v15  }
0x158: {  	v56 =	vadd.s32 v6, v11;
	v21 =	vld.idx.msk [tilespmem:v54+s4+$0x0], $0xffff;
	[tilespmem:s6+$0xFFFFFEE0] =	vst v20  }
0x159: {  	v58 =	vadd.s32 v6, v9;
	v18 =	vld.idx.msk [tilespmem:v41+s4+$0x0], $0xffff;
	[tilespmem:s6+$0x50] =	vst v51  }
0x15a: {  	v60 =	vadd.s32 v7, v10;
	[tilespmem:s6+$0xD0] =	vst v53;
	v61 =	vld.idx.msk [tilespmem:v57+s4+$0x0], $0xffff  }
0x15b: {  	v12 =	vadd.s32 v7, v12;
	v8 =	vld.idx.msk [tilespmem:v8+s4+$0x0], $0xffff;
	[tilespmem:s6+$0x1D0] =	vst v25  }
0x15c: {  	v16 =	vadd.s32 v7, v16;
	v59 =	vld.idx.msk [tilespmem:v55+s4+$0x0], $0xffff;
	[tilespmem:s6+$0xFFFFFF60] =	vst v19  }
0x15d: {  	v13 =	vadd.s32 v7, v13;
	v17 =	vld.idx.msk [tilespmem:v56+s4+$0x0], $0xffff;
	[tilespmem:s6+$0xFFFFFFE0] =	vst v21  }
0x15e: {  	v14 =	vadd.s32 v7, v14;
	[tilespmem:s6+$0x160] =	vst v18;
	v62 =	vld.idx.msk [tilespmem:v58+s4+$0x0], $0xffff  }
0x15f: {  	v11 =	vadd.s32 v7, v11;
	v10 =	vld.idx.msk [tilespmem:v60+s4+$0x0], $0xffff;
	[tilespmem:s6+$0xFFFFFE60] =	vst v61  }
0x160: {  	v63 =	vadd.s32 v7, v9;
	v12 =	vld.idx.msk [tilespmem:v12+s4+$0x0], $0xffff;
	[tilespmem:s6+$0xFFFFFEF0] =	vst v8  }
0x161: {  	v16 =	vld.idx.msk [tilespmem:v16+s4+$0x0], $0xffff;
	[tilespmem:s6+$0x60] =	vst v59  }
0x162: {  	[tilespmem:s6+$0xE0] =	vst v17;
	v13 =	vld.idx.msk [tilespmem:v13+s4+$0x0], $0xffff  }
0x163: {  	v14 =	vld.idx.msk [tilespmem:v14+s4+$0x0], $0xffff;
	[tilespmem:s6+$0x1E0] =	vst v62  }
0x164: {  	v11 =	vld.idx.msk [tilespmem:v11+s4+$0x0], $0xffff;
	[tilespmem:s6+$0xFFFFFF70] =	vst v10  }
0x165: {  	[tilespmem:s6+$0xFFFFFFF0] =	vst v12;
	v8 =	vld.idx.msk [tilespmem:v63+s4+$0x0], $0xffff  }
0x166: {  	[tilespmem:s6+$0x170] =	vst v16  }
.Ltmp5:
0x167: {  	[tilespmem:s6+$0xFFFFFE70] =	vst v13;
	(pc) =	sbr.rel @p1 .LBB2_8-.Ltmp5, $4  }
0x168: {  	s9 =	smul.u32 $0x1900, s31;
	[tilespmem:s6+$0x70] =	vst v14  }
0x169: {  	[tilespmem:s6+$0xF0] =	vst v11  }
0x16a: {  	s31 =	sadd.s32 s3, s9;
	[tilespmem:s6+$0x1F0] =	vst v8  }
0x16b: {  	[hbm4b:s31+s4] =	stream.linear.scatter [tilespmem:s20], [sflag:$0x3], $0xC800, $0x38;
	[tilespmem:$0x1C000] =	vst v63  }
0x16c: {  	_ =	swait.ge [sflag:s21], $0x190  }
0x16d: {  	[sflag:s21] =	ssyncset.done $0x0  }
0x16e: {  	[sflag:s21] =	ssyncadd.s32 $0xFFFFFE70  }
0x16f: {  	_ =	swait.ge [sflag:s21], $0x190  }
0x170: {  	[sflag:s21] =	ssyncset.done $0x0  }
0x171: {  	[sflag:s21] =	ssyncadd.s32 $0xFFFFFE70  }
0x172: {  	_ =	swait.ge [sflag:s21], $0x190  }
0x173: {  	[sflag:s21] =	ssyncset.done $0x0  }
0x174: {  	[sflag:s21] =	ssyncadd.s32 $0xFFFFFE70  }
0x175: {  	v8 =	vld [tilespmem:$0x2600]  }
0x176: {  	v9 =	vld [tilespmem:$0x2800]  }
0x177: {  	v10 =	vld [tilespmem:$0x2A00]  }
0x178: {  	v11 =	vld [tilespmem:$0x2610]  }
0x179: {  	v12 =	vld [tilespmem:$0x2810]  }
0x17a: {  	v13 =	vld [tilespmem:$0x2A10]  }
0x17b: {  	v14 =	vld [tilespmem:$0x2620]  }
0x17c: {  	v15 =	vld [tilespmem:$0x2820]  }
0x17d: {  	v16 =	vld [tilespmem:$0x2A20]  }
0x17e: {  	v17 =	vld [tilespmem:$0x2630]  }
0x17f: {  	v18 =	vld [tilespmem:$0x2830]  }
0x180: {  	v19 =	vld [tilespmem:$0x2A30]  }
0x181: {  	v20 =	vld [tilespmem:$0x2640]  }
0x182: {  	v21 =	vld [tilespmem:$0x2840]  }
0x183: {  	v22 =	vld [tilespmem:$0x2A40]  }
0x184: {  	v23 =	vld [tilespmem:$0x2650]  }
0x185: {  	v24 =	vld [tilespmem:$0x2850]  }
0x186: {  	v25 =	vld [tilespmem:$0x2A50]  }
0x187: {  	v26 =	vld [tilespmem:$0x2660]  }
0x188: {  	v27 =	vld [tilespmem:$0x2860]  }
0x189: {  	v28 =	vld [tilespmem:$0x2A60]  }
0x18a: {  	v29 =	vld [tilespmem:$0x2670]  }
0x18b: {  	v30 =	vld [tilespmem:$0x2870]  }
0x18c: {  	v31 =	vld [tilespmem:$0x2A70]  }
0x18d: {  	v32 =	vld [tilespmem:$0x2680]  }
0x18e: {  	v33 =	vld [tilespmem:$0x2880]  }
0x18f: {  	v34 =	vld [tilespmem:$0x2A80]  }
0x190: {  	v35 =	vld [tilespmem:$0x2690]  }
0x191: {  	v36 =	vld [tilespmem:$0x2890]  }
0x192: {  	v37 =	vld [tilespmem:$0x2A90]  }
0x193: {  	v38 =	vld [tilespmem:$0x26A0]  }
0x194: {  	v39 =	vld [tilespmem:$0x28A0]  }
0x195: {  	v40 =	vld [tilespmem:$0x2AA0]  }
0x196: {  	v41 =	vld [tilespmem:$0x26B0]  }
0x197: {  	v42 =	vld [tilespmem:$0x28B0]  }
0x198: {  	v43 =	vld [tilespmem:$0x2AB0]  }
0x199: {  	v44 =	vld [tilespmem:$0x26C0]  }
0x19a: {  	v45 =	vld [tilespmem:$0x2AC0]  }
0x19b: {  	v46 =	vld [tilespmem:$0x26D0];
	v8 =	vmul.u32 $0x6, v8  }
0x19c: {  	v62 =	vld [tilespmem:$0x2B00];
	v10 =	vshll.u32 v10, $0x7;
	v11 =	vmul.u32 $0x6, v11;
	v14 =	vmul.u32 $0x6, v14  }
0x19d: {  	v47 =	vld [tilespmem:$0x2B10];
	v13 =	vshll.u32 v13, $0x7;
	v16 =	vshll.u32 v16, $0x7;
	v22 =	vshll.u32 v22, $0x7  }
0x19e: {  	v51 =	vld [tilespmem:$0x2720];
	v25 =	vshll.u32 v25, $0x7;
	v63 =	vshll.u32 v34, $0x7;
	v48 =	vshll.u32 v37, $0x7  }
0x19f: {  	v55 =	vld [tilespmem:$0x2B20];
	v49 =	vmul.u32 $0x6, v38;
	v50 =	vmul.u32 $0x6, v41;
	v54 =	vmul.u32 $0x6, v44  }
0x1a0: {  	v57 =	vld [tilespmem:$0x2730];
	v56 =	vshll.u32 v40, $0x7;
	v58 =	vmul.u32 $0x6, v46;
	v8 =	vadd.s32 v9, v8  }
0x1a1: {  	v59 =	vld [tilespmem:$0x2930];
	v11 =	vadd.s32 v12, v11;
	v12 =	vadd.s32 v15, v14;
	v14 =	vmul.u32 $0x6, v17  }
0x1a2: {  	v9 =	vld [tilespmem:$0x28C0];
	v52 =	vadd.s32 v39, v49;
	v53 =	vadd.s32 v42, v50;
	v8 =	vshll.u32 v8, $0x8  }
0x1a3: {  	v15 =	vld [tilespmem:$0x2AD0];
	v11 =	vshll.u32 v11, $0x8;
	v12 =	vshll.u32 v12, $0x8;
	v8 =	vadd.s32 v10, v8  }
0x1a4: {  	v17 =	vld [tilespmem:$0x26E0];
	v14 =	vadd.s32 v18, v14;
	v18 =	vmul.u32 $0x6, v20;
	v11 =	vadd.s32 v13, v11  }
0x1a5: {  	v60 =	vld [tilespmem:$0x2740];
	v12 =	vadd.s32 v16, v12;
	v16 =	vshll.u32 v19, $0x7;
	v19 =	vmul.u32 $0x6, v23  }
0x1a6: {  	v10 =	vld [tilespmem:$0x28D0];
	v23 =	vmul.u32 $0x6, v26;
	v13 =	vshll.u32 v14, $0x8;
	[tilespmem:$0x2E00] =	vst v8;
	v8 =	vshll.u32 v52, $0x8  }
0x1a7: {  	v20 =	vld [tilespmem:$0x28E0];
	[tilespmem:$0x2E10] =	vst v11;
	v11 =	vshll.u32 v43, $0x7;
	v18 =	vadd.s32 v21, v18;
	v13 =	vadd.s32 v16, v13  }
0x1a8: {  	v26 =	vld [tilespmem:$0x28F0];
	[tilespmem:$0x2E20] =	vst v12;
	v8 =	vadd.s32 v56, v8;
	v18 =	vshll.u32 v18, $0x8;
	v9 =	vadd.s32 v9, v54  }
0x1a9: {  	v14 =	vld [tilespmem:$0x2AE0];
	[tilespmem:$0x2E30] =	vst v13;
	v13 =	vshll.u32 v45, $0x7;
	v17 =	vmul.u32 $0x6, v17;
	v15 =	vshll.u32 v15, $0x7  }
0x1aa: {  	v12 =	vld [tilespmem:$0x2B30];
	[tilespmem:$0x2EA0] =	vst v8;
	v8 =	vshll.u32 v62, $0x7;
	v16 =	vadd.s32 v22, v18;
	v18 =	vadd.s32 v24, v19  }
0x1ab: {  	v21 =	vld [tilespmem:$0x26F0];
	v22 =	vadd.s32 v27, v23;
	v23 =	vmul.u32 $0x6, v29;
	v27 =	vshll.u32 v28, $0x7  }
0x1ac: {  	v19 =	vld [tilespmem:$0x2AF0];
	v29 =	vmul.u32 $0x6, v32;
	v9 =	vshll.u32 v9, $0x8;
	v18 =	vshll.u32 v18, $0x8  }
0x1ad: {  	v24 =	vld [tilespmem:$0x2700];
	v22 =	vshll.u32 v22, $0x8;
	v10 =	vadd.s32 v10, v58;
	v9 =	vadd.s32 v13, v9  }
0x1ae: {  	v28 =	vld [tilespmem:$0x2900];
	v13 =	vadd.s32 v20, v17;
	v23 =	vadd.s32 v30, v23;
	v30 =	vmul.u32 $0x6, v35  }
0x1af: {  	v20 =	vld [tilespmem:$0x2950];
	v18 =	vadd.s32 v25, v18;
	v22 =	vadd.s32 v27, v22;
	v27 =	vshll.u32 v31, $0x7  }
0x1b0: {  	v25 =	vld [tilespmem:$0x2710];
	v29 =	vadd.s32 v33, v29;
	v35 =	vshll.u32 v53, $0x8;
	v10 =	vshll.u32 v10, $0x8  }
0x1b1: {  	v31 =	vld [tilespmem:$0x2910];
	v13 =	vshll.u32 v13, $0x8;
	v14 =	vshll.u32 v14, $0x7;
	[tilespmem:$0x2EC0] =	vst v9;
	v9 =	vshll.u32 v55, $0x7  }
0x1b2: {  	[tilespmem:$0x2E40] =	vst v16;
	v23 =	vshll.u32 v23, $0x8;
	v29 =	vshll.u32 v29, $0x8;
	v16 =	vmul.u32 $0x6, v21;
	v21 =	vld [tilespmem:$0x2940]  }
0x1b3: {  	v11 =	vadd.s32 v11, v35;
	v10 =	vadd.s32 v15, v10;
	v15 =	vld [tilespmem:$0x2B40];
	v13 =	vadd.s32 v14, v13  }
0x1b4: {  	[tilespmem:$0x2E50] =	vst v18;
	v18 =	vld [tilespmem:$0x2750];
	v30 =	vadd.s32 v36, v30;
	v23 =	vadd.s32 v27, v23;
	v27 =	vadd.s32 v63, v29  }
0x1b5: {  	v30 =	vshll.u32 v30, $0x8;
	v16 =	vadd.s32 v26, v16;
	v17 =	vmul.u32 $0x6, v24;
	v24 =	vld [tilespmem:$0x2B50]  }
0x1b6: {  	v19 =	vshll.u32 v19, $0x7;
	[tilespmem:$0x2E80] =	vst v27;
	v27 =	vmul.u32 $0x6, v60;
	v29 =	vadd.s32 v48, v30;
	v30 =	vld [tilespmem:$0x2920]  }
0x1b7: {  	[tilespmem:$0x2E60] =	vst v22;
	v16 =	vshll.u32 v16, $0x8;
	v17 =	vadd.s32 v28, v17;
	v22 =	vmul.u32 $0x6, v25;
	v25 =	vld [tilespmem:$0x2B60]  }
0x1b8: {  	[tilespmem:$0x2E70] =	vst v23;
	v23 =	vmul.u32 $0x6, v51;
	v14 =	vadd.s32 v19, v16;
	v28 =	vld [tilespmem:$0x2770];
	v16 =	vshll.u32 v17, $0x8  }
0x1b9: {  	[tilespmem:$0x2EB0] =	vst v11;
	v26 =	vmul.u32 $0x6, v57;
	v17 =	vld [tilespmem:$0x2760];
	v8 =	vadd.s32 v8, v16;
	v16 =	vadd.s32 v21, v27  }
0x1ba: {  	v18 =	vmul.u32 $0x6, v18;
	[tilespmem:$0x2EF0] =	vst v14;
	v19 =	vadd.s32 v31, v22;
	v14 =	vshll.u32 v16, $0x8;
	v16 =	vld [tilespmem:$0x2B70]  }
0x1bb: {  	[tilespmem:$0x2ED0] =	vst v10;
	v11 =	vshll.u32 v19, $0x8;
	v19 =	vshll.u32 v47, $0x7;
	v22 =	vadd.s32 v30, v23;
	v23 =	vld [tilespmem:$0x2960]  }
0x1bc: {  	v12 =	vshll.u32 v12, $0x7;
	[tilespmem:$0x2EE0] =	vst v13;
	v13 =	vadd.s32 v59, v26;
	v10 =	vadd.s32 v19, v11;
	v19 =	vld [tilespmem:$0x2780]  }
0x1bd: {  	v13 =	vshll.u32 v13, $0x8;
	[tilespmem:$0x2F00] =	vst v8;
	v8 =	vshll.u32 v15, $0x7;
	v15 =	vadd.s32 v20, v18;
	v11 =	vld [tilespmem:$0x2970]  }
0x1be: {  	[tilespmem:$0x2E90] =	vst v29;
	v18 =	vld [tilespmem:$0x2980];
	v8 =	vadd.s32 v8, v14;
	v22 =	vshll.u32 v22, $0x8;
	v17 =	vmul.u32 $0x6, v17  }
0x1bf: {  	[tilespmem:$0x2F10] =	vst v10;
	v10 =	vadd.s32 v12, v13;
	v12 =	vshll.u32 v15, $0x8;
	v13 =	vld [tilespmem:$0x2B80];
	v9 =	vadd.s32 v9, v22  }
0x1c0: {  	v15 =	vmul.u32 $0x6, v28;
	[tilespmem:$0x2F20] =	vst v9;
	v9 =	vshll.u32 v24, $0x7;
	v14 =	vadd.s32 v23, v17  }
0x1c1: {  	[tilespmem:$0x2F30] =	vst v10;
	v17 =	vmul.u32 $0x6, v19;
	v10 =	vshll.u32 v14, $0x8;
	v14 =	vshll.u32 v25, $0x7  }
0x1c2: {  	[tilespmem:$0x2F40] =	vst v8;
	v8 =	vadd.s32 v9, v12;
	v9 =	vadd.s32 v14, v10;
	v10 =	vadd.s32 v11, v15  }
0x1c3: {  	s0 =	sadd.s32 s12, s30;
	[tilespmem:$0x2F50] =	vst v8;
	v11 =	vadd.s32 v18, v17;
	v8 =	vshll.u32 v10, $0x8;
	v10 =	vshll.u32 v16, $0x7  }
0x1c4: {  	s0 =	smul.u32 $0x32, s0;
	[tilespmem:$0x2F60] =	vst v9;
	v9 =	vshll.u32 v11, $0x8;
	v8 =	vadd.s32 v10, v8;
	v10 =	vshll.u32 v13, $0x7  }
0x1c5: {  	[tilespmem:$0x2F70] =	vst v8;
	v8 =	vadd.s32 v10, v9  }
0x1c6: {  	s9 =	simm.s32 $0x1;
	s2 =	sadd.s32 s7, s0;
	[tilespmem:$0x2F80] =	vst v8  }
0x1c7: {  	[tilespmem:s15], [sflag:$0x1] =	stream.linear.gather [hbm4b:s2+s4], $0x190, $0x38;
	[tilespmem:$0x1C000] =	vst v63  }
0x1c8: {  	s30 =	simm.s32 $0x2;
	s31 =	simm.s32 $0x6;
	s6 =	sadd.s32 s8, s0  }
0x1c9: {  	v8 =	vmov s9;
	[tilespmem:s16], [sflag:$0x1] =	stream.linear.gather [hbm4b:s6+s4], $0x190, $0x38;
	[tilespmem:$0x1C000] =	vst v63  }
0x1ca: {  	s0 =	sadd.s32 s1, s0;
	v9 =	vmov s30;
	v10 =	vmov s31;
	v8 =	vand.u32 $0xFFFFFFF9, v8;
	s6 =	simm.s32 $0x7  }
0x1cb: {  	s30 =	simm.s32 $0x4;
	s9 =	simm.s32 $0x3;
	v10 =	vand.u32 $0xFFFFFFFE, v10;
	s2 =	simm.s32 @!p0 $0x4;
	v8 =	vbroadcast v8, $0x0;
	v11 =	vmov s6  }
0x1cc: {  	v9 =	vand.u32 $0xFFFFFFFA, v9;
	v12 =	vmov s9;
	v10 =	vbroadcast v10, $0x0;
	[tilespmem:s17], [sflag:$0x1] =	stream.linear.gather [hbm4b:s0+s4], $0x190, $0x38;
	[tilespmem:$0x1C000] =	vst v63  }
0x1cd: {  	s31 =	simm.s32 $0x5;
	v13 =	vmov s30;
	v9 =	vbroadcast v9, $0x0;
	v12 =	vand.u32 $0xFFFFFFFB, v12;
	_ =	swait.ge @!p0 [sflag:s2], $0xC800  }
0x1ce: {  	v14 =	vbroadcast v12, $0x0;
	v12 =	vand.u32 $0xFFFFFFFC, v13;
	v13 =	vmov s31;
	s6 =	simm.s32 $0x0;
	[sflag:s2] =	ssyncset.done @!p0 $0x0  }
0x1cf: {  	v16 =	vbroadcast v12, $0x0;
	v12 =	vand.u32 $0xFFFFFFFD, v13;
	v15 =	vmov s6;
	[sflag:s2] =	ssyncadd.s32 @!p0 $0xFFFF3800  }
0x1d0: {  	v13 =	vand.u32 $0xFFFFFFF8, v15;
	v15 =	vbroadcast v12, $0x0;
	v11 =	vld.idx.msk [tilespmem:v11+s22+$0x0], $0xffff  }
0x1d1: {  	s9 =	simm.s32 $0xA;
	v19 =	vbroadcast v13, $0x0;
	v17 =	vld.idx.msk [tilespmem:v8+s22+$0x0], $0xffff  }
0x1d2: {  	v18 =	vld.idx.msk [tilespmem:v10+s22+$0x0], $0xffff;
	v10 =	vmov s9  }
0x1d3: {  	s30 =	simm.s32 $0xF;
	v12 =	vld.idx.msk [tilespmem:v9+s22+$0x0], $0xffff;
	v9 =	vand.u32 $0xFFFFFFFA, v10  }
0x1d4: {  	v13 =	vld.idx.msk [tilespmem:v14+s22+$0x0], $0xffff;
	v10 =	vmov s30;
	v20 =	vbroadcast v9, $0x0  }
0x1d5: {  	v16 =	vld.idx.msk [tilespmem:v16+s22+$0x0], $0xffff  }
0x1d6: {  	v15 =	vld.idx.msk [tilespmem:v15+s22+$0x0], $0xffff;
	v21 =	vadd.s32 v0, v11  }
0x1d7: {  	v14 =	vld.idx.msk [tilespmem:v19+s22+$0x0], $0xffff;
	v19 =	vadd.s32 v0, v18  }
0x1d8: {  	v22 =	vadd.s32 v0, v17  }
0x1d9: {  	v23 =	vadd.s32 v0, v12;
	v9 =	vld.idx.msk [tilespmem:v10+s22+$0x0], $0xffff  }
0x1da: {  	v24 =	vadd.s32 v0, v16;
	v10 =	vld.idx.msk [tilespmem:v20+s22+$0x0], $0xffff  }
0x1db: {  	v20 =	vadd.s32 v0, v13;
	v21 =	vld.idx.msk [tilespmem:v21+s4+$0x0], $0xffff  }
0x1dc: {  	v25 =	vadd.s32 v0, v15;
	v19 =	vld.idx.msk [tilespmem:v19+s4+$0x0], $0xffff  }
0x1dd: {  	v26 =	vadd.s32 v0, v14;
	v22 =	vld.idx.msk [tilespmem:v22+s4+$0x0], $0xffff  }
0x1de: {  	v27 =	vadd.s32 v1, v18;
	v23 =	vld.idx.msk [tilespmem:v23+s4+$0x0], $0xffff  }
0x1df: {  	v28 =	vadd.s32 v1, v17;
	v24 =	vld.idx.msk [tilespmem:v24+s4+$0x0], $0xffff  }
0x1e0: {  	s0 =	simm.s32 $0xFA00;
	v29 =	vadd.s32 v1, v12;
	v20 =	vld.idx.msk [tilespmem:v20+s4+$0x0], $0xffff  }
0x1e1: {  	v31 =	vadd.s32 v1, v16;
	v25 =	vld.idx.msk [tilespmem:v25+s4+$0x0], $0xffff;
	[tilespmem:s0+$0x100] =	vst v19  }
0x1e2: {  	v30 =	vadd.s32 v1, v13;
	v26 =	vld.idx.msk [tilespmem:v26+s4+$0x0], $0xffff;
	[tilespmem:s0+$0xFFFFFE80] =	vst v22  }
0x1e3: {  	v19 =	vadd.s32 v1, v15;
	[tilespmem:s0+$0xFFFFFF00] =	vst v23;
	v22 =	vld.idx.msk [tilespmem:v27+s4+$0x0], $0xffff  }
0x1e4: {  	[tilespmem:s0+$0x180] =	vst v21;
	v27 =	vadd.s32 v1, v14;
	v28 =	vld.idx.msk [tilespmem:v28+s4+$0x0], $0xffff  }
0x1e5: {  	v23 =	vld.idx.msk [tilespmem:v29+s4+$0x0], $0xffff;
	[tilespmem:s0+$0x0] =	vst v24;
	v24 =	vadd.s32 v1, v11  }
0x1e6: {  	v31 =	vld.idx.msk [tilespmem:v31+s4+$0x0], $0xffff;
	[tilespmem:s0+$0xFFFFFF80] =	vst v20;
	v20 =	vadd.s32 v2, v18  }
0x1e7: {  	[tilespmem:s0+$0x80] =	vst v25;
	v25 =	vadd.s32 v2, v12;
	v29 =	vld.idx.msk [tilespmem:v30+s4+$0x0], $0xffff  }
0x1e8: {  	v30 =	vadd.s32 v2, v17;
	[tilespmem:s0+$0xFFFFFE00] =	vst v26;
	v19 =	vld.idx.msk [tilespmem:v19+s4+$0x0], $0xffff  }
0x1e9: {  	v26 =	vld.idx.msk [tilespmem:v27+s4+$0x0], $0xffff;
	v27 =	vadd.s32 v2, v13;
	[tilespmem:s0+$0x110] =	vst v22  }
0x1ea: {  	v22 =	vadd.s32 v2, v16;
	[tilespmem:s0+$0xFFFFFE90] =	vst v28;
	v24 =	vld.idx.msk [tilespmem:v24+s4+$0x0], $0xffff  }
0x1eb: {  	v21 =	vadd.s32 v2, v15;
	[tilespmem:s0+$0xFFFFFF10] =	vst v23;
	v20 =	vld.idx.msk [tilespmem:v20+s4+$0x0], $0xffff  }
0x1ec: {  	v23 =	vadd.s32 v3, v18;
	[tilespmem:s0+$0x10] =	vst v31;
	v25 =	vld.idx.msk [tilespmem:v25+s4+$0x0], $0xffff  }
0x1ed: {  	v28 =	vld.idx.msk [tilespmem:v30+s4+$0x0], $0xffff;
	v30 =	vadd.s32 v2, v14;
	[tilespmem:s0+$0xFFFFFF90] =	vst v29  }
0x1ee: {  	v29 =	vadd.s32 v2, v11;
	[tilespmem:s0+$0x90] =	vst v19;
	v27 =	vld.idx.msk [tilespmem:v27+s4+$0x0], $0xffff  }
0x1ef: {  	v31 =	vadd.s32 v3, v17;
	v22 =	vld.idx.msk [tilespmem:v22+s4+$0x0], $0xffff;
	[tilespmem:s0+$0xFFFFFE10] =	vst v26  }
0x1f0: {  	v19 =	vadd.s32 v3, v12;
	v21 =	vld.idx.msk [tilespmem:v21+s4+$0x0], $0xffff;
	[tilespmem:s0+$0x120] =	vst v20  }
0x1f1: {  	[tilespmem:s0+$0x190] =	vst v24;
	v20 =	vadd.s32 v3, v13;
	v23 =	vld.idx.msk [tilespmem:v23+s4+$0x0], $0xffff  }
0x1f2: {  	[tilespmem:s0+$0xFFFFFF20] =	vst v25;
	v25 =	vadd.s32 v3, v15;
	v26 =	vld.idx.msk [tilespmem:v30+s4+$0x0], $0xffff  }
0x1f3: {  	v30 =	vadd.s32 v3, v16;
	[tilespmem:s0+$0xFFFFFEA0] =	vst v28;
	v28 =	vld.idx.msk [tilespmem:v29+s4+$0x0], $0xffff  }
0x1f4: {  	v24 =	vadd.s32 v4, v18;
	v29 =	vld.idx.msk [tilespmem:v31+s4+$0x0], $0xffff;
	[tilespmem:s0+$0xFFFFFFA0] =	vst v27  }
0x1f5: {  	v31 =	vadd.s32 v3, v14;
	v19 =	vld.idx.msk [tilespmem:v19+s4+$0x0], $0xffff;
	[tilespmem:s0+$0x20] =	vst v22  }
0x1f6: {  	v22 =	vadd.s32 v3, v11;
	[tilespmem:s0+$0xA0] =	vst v21;
	v20 =	vld.idx.msk [tilespmem:v20+s4+$0x0], $0xffff  }
0x1f7: {  	v27 =	vadd.s32 v4, v17;
	v25 =	vld.idx.msk [tilespmem:v25+s4+$0x0], $0xffff;
	[tilespmem:s0+$0x130] =	vst v23  }
0x1f8: {  	v30 =	vld.idx.msk [tilespmem:v30+s4+$0x0], $0xffff;
	v23 =	vadd.s32 v4, v12;
	[tilespmem:s0+$0xFFFFFE20] =	vst v26  }
0x1f9: {  	[tilespmem:s0+$0x1A0] =	vst v28;
	v21 =	vld.idx.msk [tilespmem:v24+s4+$0x0], $0xffff;
	v24 =	vadd.s32 v4, v13  }
0x1fa: {  	s6 =	simm.s32 $0x9;
	v28 =	vadd.s32 v4, v16;
	v26 =	vld.idx.msk [tilespmem:v31+s4+$0x0], $0xffff;
	[tilespmem:s0+$0xFFFFFEB0] =	vst v29  }
0x1fb: {  	v8 =	vmov s6;
	[tilespmem:s0+$0xFFFFFF30] =	vst v19;
	v19 =	vadd.s32 v4, v15;
	v22 =	vld.idx.msk [tilespmem:v22+s4+$0x0], $0xffff  }
0x1fc: {  	v8 =	vand.u32 $0xFFFFFFF9, v8;
	v31 =	vadd.s32 v5, v18;
	v27 =	vld.idx.msk [tilespmem:v27+s4+$0x0], $0xffff;
	[tilespmem:s0+$0xFFFFFFB0] =	vst v20  }
0x1fd: {  	v8 =	vbroadcast v8, $0x0;
	v29 =	vadd.s32 v4, v14;
	[tilespmem:s0+$0xB0] =	vst v25;
	v23 =	vld.idx.msk [tilespmem:v23+s4+$0x0], $0xffff  }
0x1fe: {  	[tilespmem:s0+$0x30] =	vst v30;
	v20 =	vld.idx.msk [tilespmem:v24+s4+$0x0], $0xffff  }
0x1ff: {  	[tilespmem:s0+$0x140] =	vst v21;
	v21 =	vadd.s32 v4, v11;
	v28 =	vld.idx.msk [tilespmem:v28+s4+$0x0], $0xffff  }
0x200: {  	v24 =	vadd.s32 v5, v17;
	[tilespmem:s0+$0xFFFFFE30] =	vst v26;
	v19 =	vld.idx.msk [tilespmem:v19+s4+$0x0], $0xffff  }
0x201: {  	v30 =	vld.idx.msk [tilespmem:v31+s4+$0x0], $0xffff;
	v31 =	vadd.s32 v5, v12;
	[tilespmem:s0+$0x1B0] =	vst v22  }
0x202: {  	v26 =	vld.idx.msk [tilespmem:v29+s4+$0x0], $0xffff;
	v29 =	vadd.s32 v5, v13;
	[tilespmem:s0+$0xFFFFFEC0] =	vst v27  }
0x203: {  	v8 =	vld.idx.msk [tilespmem:v8+s22+$0x0], $0xffff;
	v25 =	vadd.s32 v6, v18;
	[tilespmem:s0+$0xFFFFFF40] =	vst v23  }
0x204: {  	v22 =	vadd.s32 v5, v16;
	v21 =	vld.idx.msk [tilespmem:v21+s4+$0x0], $0xffff;
	[tilespmem:s0+$0xFFFFFFC0] =	vst v20  }
0x205: {  	v23 =	vadd.s32 v5, v15;
	v27 =	vld.idx.msk [tilespmem:v24+s4+$0x0], $0xffff;
	[tilespmem:s0+$0x40] =	vst v28  }
0x206: {  	v24 =	vadd.s32 v5, v14;
	[tilespmem:s0+$0xC0] =	vst v19;
	v31 =	vld.idx.msk [tilespmem:v31+s4+$0x0], $0xffff  }
0x207: {  	[tilespmem:s0+$0x150] =	vst v30;
	v30 =	vadd.s32 v6, v17;
	v29 =	vld.idx.msk [tilespmem:v29+s4+$0x0], $0xffff  }
0x208: {  	[tilespmem:s0+$0xFFFFFE40] =	vst v26;
	v20 =	vld.idx.msk [tilespmem:v25+s4+$0x0], $0xffff;
	v25 =	vadd.s32 v5, v11  }
0x209: {  	v22 =	vld.idx.msk [tilespmem:v22+s4+$0x0], $0xffff;
	v26 =	vadd.s32 v6, v12;
	[tilespmem:s0+$0x1C0] =	vst v21  }
0x20a: {  	v18 =	vadd.s32 v7, v18;
	v61 =	vld.idx.msk [tilespmem:v23+s4+$0x0], $0xffff;
	[tilespmem:s0+$0xFFFFFED0] =	vst v27  }
0x20b: {  	v63 =	vadd.s32 v6, v16;
	v24 =	vld.idx.msk [tilespmem:v24+s4+$0x0], $0xffff;
	[tilespmem:s0+$0xFFFFFF50] =	vst v31  }
0x20c: {  	s31 =	simm.s32 $0xB;
	v62 =	vadd.s32 v6, v13;
	v19 =	vld.idx.msk [tilespmem:v30+s4+$0x0], $0xffff;
	[tilespmem:s0+$0xFFFFFFD0] =	vst v29  }
0x20d: {  	v29 =	vadd.s32 v6, v15;
	v23 =	vld.idx.msk [tilespmem:v25+s4+$0x0], $0xffff;
	[tilespmem:s0+$0x160] =	vst v20;
	v20 =	vmov s31  }
0x20e: {  	v28 =	vadd.s32 v6, v14;
	v21 =	vld.idx.msk [tilespmem:v26+s4+$0x0], $0xffff;
	v25 =	vand.u32 $0xFFFFFFFB, v20  }
0x20f: {  	v27 =	vadd.s32 v6, v11;
	[tilespmem:s0+$0x50] =	vst v22;
	v18 =	vld.idx.msk [tilespmem:v18+s4+$0x0], $0xffff;
	v25 =	vbroadcast v25, $0x0  }
0x210: {  	s29 =	sor.u32 s5, s29;
	v22 =	vld.idx.msk [tilespmem:v63+s4+$0x0], $0xffff  }
0x211: {  	s2 =	simm.s32 $0x8;
	s9 =	simm.s32 $0xE;
	s6 =	simm.s32 $0x10;
	v26 =	vadd.s32 v7, v17;
	v20 =	vld.idx.msk [tilespmem:v62+s4+$0x0], $0xffff;
	[tilespmem:s0+$0xD0] =	vst v61  }
.LBB2_6:
0x212: {  	p0 =	slt.u32 s6, $0x188;
	v17 =	vmov s9;
	[tilespmem:s0+$0xFFFFFE50] =	vst v24;
	v24 =	vadd.s32 v7, v12;
	v29 =	vld.idx.msk [tilespmem:v29+s4+$0x0], $0xffff;
	v12 =	vmov v10  }
0x213: {  	v10 =	vand.u32 $0xFFFFFFFE, v17;
	v17 =	vld.idx.msk [tilespmem:v28+s4+$0x0], $0xffff;
	v28 =	vadd.s32 v7, v13;
	[tilespmem:s0+$0x1D0] =	vst v23  }
0x214: {  	v16 =	vadd.s32 v7, v16;
	v10 =	vbroadcast v10, $0x0;
	[tilespmem:s0+$0x170] =	vst v18;
	v23 =	vld.idx.msk [tilespmem:v27+s4+$0x0], $0xffff  }
0x215: {  	s9 =	sadd.s32 $0x4, s2;
	v13 =	vld.idx.msk [tilespmem:v25+s22+$0x0], $0xffff;
	[tilespmem:s0+$0xFFFFFEE0] =	vst v19  }
0x216: {  	v15 =	vadd.s32 v7, v15;
	v18 =	vmov s2;
	v19 =	vmov s9;
	s9 =	sadd.s32 $0x5, s2;
	s2 =	smov.u32 s6;
	v25 =	vld.idx.msk [tilespmem:v26+s4+$0x0], $0xffff;
	[tilespmem:s0+$0xFFFFFF60] =	vst v21  }
0x217: {  	v14 =	vadd.s32 v7, v14;
	v19 =	vand.u32 $0xFFFFFFFC, v19;
	v21 =	vmov s9;
	v24 =	vld.idx.msk [tilespmem:v24+s4+$0x0], $0xffff;
	[tilespmem:s0+$0xFFFFFFE0] =	vst v20  }
0x218: {  	v19 =	vbroadcast v19, $0x0;
	v20 =	vand.u32 $0xFFFFFFFD, v21;
	v21 =	vld.idx.msk [tilespmem:v28+s4+$0x0], $0xffff;
	[tilespmem:s0+$0x60] =	vst v22;
	v22 =	vadd.s32 v7, v11;
	v11 =	vmovc v9  }
0x219: {  	s9 =	sadd.s32 $0x1, s6;
	v9 =	vand.u32 $0xFFFFFFF8, v18;
	v20 =	vbroadcast v20, $0x0;
	v26 =	vld.idx.msk [tilespmem:v16+s4+$0x0], $0xffff;
	[tilespmem:s0+$0xE0] =	vst v29  }
0x21a: {  	v16 =	vmov s9;
	s9 =	sadd.s32 $0x2, s6;
	v9 =	vbroadcast v9, $0x0;
	v18 =	vld.idx.msk [tilespmem:v10+s22+$0x0], $0xffff;
	[tilespmem:s0+$0xFFFFFE60] =	vst v17  }
0x21b: {  	v10 =	vand.u32 $0xFFFFFFF9, v16;
	v16 =	vmov s9;
	s9 =	sadd.s32 $0x7, s6;
	v17 =	vld.idx.msk [tilespmem:v15+s4+$0x0], $0xffff;
	[tilespmem:s0+$0x1E0] =	vst v23  }
0x21c: {  	v10 =	vbroadcast v10, $0x0;
	v15 =	vand.u32 $0xFFFFFFFA, v16;
	v23 =	vmov s9;
	v27 =	vld.idx.msk [tilespmem:v14+s4+$0x0], $0xffff;
	[tilespmem:s0+$0xFFFFFEF0] =	vst v25  }
0x21d: {  	v25 =	vbroadcast v15, $0x0;
	[tilespmem:s0+$0xFFFFFF70] =	vst v24;
	v22 =	vld.idx.msk [tilespmem:v22+s4+$0x0], $0xffff  }
0x21e: {  	v16 =	vld.idx.msk [tilespmem:v19+s22+$0x0], $0xffff;
	[tilespmem:s0+$0xFFFFFFF0] =	vst v21  }
0x21f: {  	v19 =	vadd.s32 v0, v11;
	v15 =	vld.idx.msk [tilespmem:v20+s22+$0x0], $0xffff;
	[tilespmem:s0+$0x70] =	vst v26  }
0x220: {  	v20 =	vadd.s32 v0, v18;
	v14 =	vld.idx.msk [tilespmem:v9+s22+$0x0], $0xffff  }
0x221: {  	v21 =	vadd.s32 v0, v8;
	v9 =	vld.idx.msk [tilespmem:v23+s22+$0x0], $0xffff;
	[tilespmem:s0+$0xF0] =	vst v17  }
0x222: {  	v23 =	vadd.s32 v0, v12;
	v17 =	vld.idx.msk [tilespmem:v10+s22+$0x0], $0xffff;
	[tilespmem:s0+$0xFFFFFE70] =	vst v27  }
0x223: {  	v24 =	vadd.s32 v0, v13;
	v10 =	vld.idx.msk [tilespmem:v25+s22+$0x0], $0xffff;
	[tilespmem:s0+$0x1F0] =	vst v22  }
0x224: {  	v22 =	vadd.s32 v0, v16;
	v19 =	vld.idx.msk [tilespmem:v19+s4+$0x0], $0xffff  }
0x225: {  	v25 =	vadd.s32 v0, v15;
	v20 =	vld.idx.msk [tilespmem:v20+s4+$0x0], $0xffff  }
0x226: {  	v26 =	vadd.s32 v0, v14;
	v21 =	vld.idx.msk [tilespmem:v21+s4+$0x0], $0xffff  }
0x227: {  	v27 =	vadd.s32 v1, v18;
	v23 =	vld.idx.msk [tilespmem:v23+s4+$0x0], $0xffff  }
0x228: {  	v28 =	vadd.s32 v1, v8;
	v24 =	vld.idx.msk [tilespmem:v24+s4+$0x0], $0xffff  }
0x229: {  	v29 =	vadd.s32 v1, v12;
	v22 =	vld.idx.msk [tilespmem:v22+s4+$0x0], $0xffff  }
0x22a: {  	v30 =	vadd.s32 v1, v13;
	s0 =	sadd.s32 $0x400, s0;
	v25 =	vld.idx.msk [tilespmem:v25+s4+$0x0], $0xffff  }
0x22b: {  	v31 =	vadd.s32 v1, v16;
	v26 =	vld.idx.msk [tilespmem:v26+s4+$0x0], $0xffff;
	[tilespmem:s0+$0x100] =	vst v20  }
0x22c: {  	v20 =	vadd.s32 v1, v15;
	[tilespmem:s0+$0xFFFFFE80] =	vst v21;
	v21 =	vld.idx.msk [tilespmem:v27+s4+$0x0], $0xffff  }
0x22d: {  	v27 =	vadd.s32 v1, v14;
	v28 =	vld.idx.msk [tilespmem:v28+s4+$0x0], $0xffff;
	[tilespmem:s0+$0xFFFFFF00] =	vst v23  }
0x22e: {  	v23 =	vld.idx.msk [tilespmem:v29+s4+$0x0], $0xffff;
	[tilespmem:s0+$0xFFFFFF80] =	vst v24;
	v24 =	vadd.s32 v2, v18  }
0x22f: {  	v29 =	vld.idx.msk [tilespmem:v30+s4+$0x0], $0xffff;
	[tilespmem:s0+$0x0] =	vst v22;
	v22 =	vadd.s32 v1, v11  }
0x230: {  	v30 =	vadd.s32 v2, v8;
	v31 =	vld.idx.msk [tilespmem:v31+s4+$0x0], $0xffff;
	[tilespmem:s0+$0x80] =	vst v25  }
0x231: {  	v25 =	vadd.s32 v2, v12;
	[tilespmem:s0+$0xFFFFFE00] =	vst v26;
	v20 =	vld.idx.msk [tilespmem:v20+s4+$0x0], $0xffff  }
0x232: {  	v26 =	vld.idx.msk [tilespmem:v27+s4+$0x0], $0xffff;
	v27 =	vadd.s32 v2, v13;
	[tilespmem:s0+$0x110] =	vst v21  }
0x233: {  	v21 =	vadd.s32 v2, v16;
	v24 =	vld.idx.msk [tilespmem:v24+s4+$0x0], $0xffff;
	[tilespmem:s0+$0x180] =	vst v19  }
0x234: {  	v19 =	vadd.s32 v2, v15;
	[tilespmem:s0+$0xFFFFFE90] =	vst v28;
	v22 =	vld.idx.msk [tilespmem:v22+s4+$0x0], $0xffff  }
0x235: {  	v28 =	vld.idx.msk [tilespmem:v30+s4+$0x0], $0xffff;
	[tilespmem:s0+$0xFFFFFF10] =	vst v23;
	v23 =	vadd.s32 v3, v18  }
0x236: {  	v30 =	vadd.s32 v2, v14;
	v25 =	vld.idx.msk [tilespmem:v25+s4+$0x0], $0xffff;
	[tilespmem:s0+$0xFFFFFF90] =	vst v29  }
0x237: {  	v29 =	vadd.s32 v2, v11;
	v27 =	vld.idx.msk [tilespmem:v27+s4+$0x0], $0xffff;
	[tilespmem:s0+$0x10] =	vst v31  }
0x238: {  	v31 =	vadd.s32 v3, v8;
	v21 =	vld.idx.msk [tilespmem:v21+s4+$0x0], $0xffff;
	[tilespmem:s0+$0x90] =	vst v20  }
0x239: {  	v20 =	vadd.s32 v3, v12;
	v19 =	vld.idx.msk [tilespmem:v19+s4+$0x0], $0xffff;
	[tilespmem:s0+$0x120] =	vst v24  }
0x23a: {  	v24 =	vadd.s32 v3, v13;
	[tilespmem:s0+$0xFFFFFE10] =	vst v26;
	v23 =	vld.idx.msk [tilespmem:v23+s4+$0x0], $0xffff  }
0x23b: {  	v26 =	vld.idx.msk [tilespmem:v30+s4+$0x0], $0xffff;
	v30 =	vadd.s32 v3, v16;
	[tilespmem:s0+$0x190] =	vst v22  }
0x23c: {  	v22 =	vadd.s32 v4, v18;
	[tilespmem:s0+$0xFFFFFEA0] =	vst v28;
	v28 =	vld.idx.msk [tilespmem:v29+s4+$0x0], $0xffff  }
0x23d: {  	v29 =	vld.idx.msk [tilespmem:v31+s4+$0x0], $0xffff;
	[tilespmem:s0+$0xFFFFFF20] =	vst v25;
	v25 =	vadd.s32 v3, v15  }
0x23e: {  	v31 =	vadd.s32 v3, v14;
	v20 =	vld.idx.msk [tilespmem:v20+s4+$0x0], $0xffff;
	[tilespmem:s0+$0xFFFFFFA0] =	vst v27  }
0x23f: {  	v24 =	vld.idx.msk [tilespmem:v24+s4+$0x0], $0xffff;
	[tilespmem:s0+$0x20] =	vst v21;
	v21 =	vadd.s32 v3, v11  }
0x240: {  	v27 =	vadd.s32 v4, v8;
	v30 =	vld.idx.msk [tilespmem:v30+s4+$0x0], $0xffff;
	[tilespmem:s0+$0x130] =	vst v23  }
0x241: {  	v23 =	vadd.s32 v4, v12;
	[tilespmem:s0+$0xA0] =	vst v19;
	v19 =	vld.idx.msk [tilespmem:v22+s4+$0x0], $0xffff  }
0x242: {  	v22 =	vadd.s32 v4, v13;
	[tilespmem:s0+$0xFFFFFE20] =	vst v26;
	v25 =	vld.idx.msk [tilespmem:v25+s4+$0x0], $0xffff  }
0x243: {  	v26 =	vld.idx.msk [tilespmem:v31+s4+$0x0], $0xffff;
	v31 =	vadd.s32 v5, v18;
	[tilespmem:s0+$0x1A0] =	vst v28  }
0x244: {  	v28 =	vadd.s32 v4, v16;
	[tilespmem:s0+$0xFFFFFEB0] =	vst v29;
	v21 =	vld.idx.msk [tilespmem:v21+s4+$0x0], $0xffff  }
0x245: {  	v27 =	vld.idx.msk [tilespmem:v27+s4+$0x0], $0xffff;
	[tilespmem:s0+$0xFFFFFF30] =	vst v20;
	v20 =	vadd.s32 v4, v15  }
0x246: {  	v29 =	vadd.s32 v4, v14;
	v23 =	vld.idx.msk [tilespmem:v23+s4+$0x0], $0xffff;
	[tilespmem:s0+$0xFFFFFFB0] =	vst v24  }
0x247: {  	v22 =	vld.idx.msk [tilespmem:v22+s4+$0x0], $0xffff;
	[tilespmem:s0+$0x140] =	vst v19;
	v19 =	vadd.s32 v4, v11  }
0x248: {  	v24 =	vadd.s32 v5, v8;
	[tilespmem:s0+$0x30] =	vst v30;
	v30 =	vld.idx.msk [tilespmem:v31+s4+$0x0], $0xffff  }
0x249: {  	v31 =	vadd.s32 v5, v12;
	v28 =	vld.idx.msk [tilespmem:v28+s4+$0x0], $0xffff;
	[tilespmem:s0+$0xB0] =	vst v25  }
0x24a: {  	v25 =	vadd.s32 v6, v18;
	[tilespmem:s0+$0xFFFFFE30] =	vst v26;
	v20 =	vld.idx.msk [tilespmem:v20+s4+$0x0], $0xffff  }
0x24b: {  	v26 =	vld.idx.msk [tilespmem:v29+s4+$0x0], $0xffff;
	v29 =	vadd.s32 v5, v13;
	[tilespmem:s0+$0x1B0] =	vst v21  }
0x24c: {  	v21 =	vadd.s32 v5, v16;
	[tilespmem:s0+$0xFFFFFEC0] =	vst v27;
	v19 =	vld.idx.msk [tilespmem:v19+s4+$0x0], $0xffff  }
0x24d: {  	v27 =	vld.idx.msk [tilespmem:v24+s4+$0x0], $0xffff;
	[tilespmem:s0+$0xFFFFFF40] =	vst v23;
	v23 =	vadd.s32 v5, v15  }
0x24e: {  	v24 =	vadd.s32 v5, v14;
	v31 =	vld.idx.msk [tilespmem:v31+s4+$0x0], $0xffff;
	[tilespmem:s0+$0x150] =	vst v30  }
0x24f: {  	[tilespmem:s0+$0xFFFFFFC0] =	vst v22;
	v22 =	vld.idx.msk [tilespmem:v25+s4+$0x0], $0xffff;
	v25 =	vadd.s32 v5, v11  }
0x250: {  	v30 =	vadd.s32 v6, v8;
	v32 =	vld.idx.msk [tilespmem:v29+s4+$0x0], $0xffff;
	[tilespmem:s0+$0x40] =	vst v28  }
0x251: {  	v18 =	vadd.s32 v7, v18;
	v33 =	vld.idx.msk [tilespmem:v21+s4+$0x0], $0xffff;
	[tilespmem:s0+$0xC0] =	vst v20  }
0x252: {  	v20 =	vadd.s32 v6, v12;
	[tilespmem:s0+$0xFFFFFE40] =	vst v26;
	v34 =	vld.idx.msk [tilespmem:v23+s4+$0x0], $0xffff  }
0x253: {  	v26 =	vadd.s32 v6, v13;
	v24 =	vld.idx.msk [tilespmem:v24+s4+$0x0], $0xffff;
	[tilespmem:s0+$0x1C0] =	vst v19  }
0x254: {  	s9 =	sadd.s32 $0x3, s6;
	v35 =	vadd.s32 v6, v16;
	[tilespmem:s0+$0xFFFFFED0] =	vst v27;
	v23 =	vld.idx.msk [tilespmem:v25+s4+$0x0], $0xffff  }
.Ltmp6:
0x255: {  	v29 =	vadd.s32 v6, v15;
	v21 =	vmov s9;
	v19 =	vld.idx.msk [tilespmem:v30+s4+$0x0], $0xffff;
	[tilespmem:s0+$0x160] =	vst v22;
	(pc) =	sbr.rel @p0 .LBB2_6-.Ltmp6, $4  }
0x256: {  	v28 =	vadd.s32 v6, v14;
	v21 =	vand.u32 $0xFFFFFFFB, v21;
	[tilespmem:s0+$0xFFFFFF50] =	vst v31;
	v18 =	vld.idx.msk [tilespmem:v18+s4+$0x0], $0xffff  }
0x257: {  	v25 =	vbroadcast v21, $0x0;
	v27 =	vadd.s32 v6, v11;
	v21 =	vld.idx.msk [tilespmem:v20+s4+$0x0], $0xffff;
	[tilespmem:s0+$0xFFFFFFD0] =	vst v32  }
0x258: {  	v20 =	vld.idx.msk [tilespmem:v26+s4+$0x0], $0xffff;
	[tilespmem:s0+$0x50] =	vst v33  }
0x259: {  	s6 =	sadd.s32 $0x8, s6;
	s9 =	sadd.s32 $0x6, s2;
	v26 =	vadd.s32 v7, v8;
	v8 =	vmov v17;
	v22 =	vld.idx.msk [tilespmem:v35+s4+$0x0], $0xffff;
	[tilespmem:s0+$0xD0] =	vst v34  }
0x25a: {  	_ =	sdelay $0x3  }
0x25b: {  	v52 =	vld.idx.msk [tilespmem:v29+s4+$0x0], $0xffff;
	v53 =	vadd.s32 v7, v12  }
0x25c: {  	[tilespmem:s0+$0xFFFFFE50] =	vst v24;
	v13 =	vadd.s32 v7, v13;
	v12 =	vld.idx.msk [tilespmem:v25+s22+$0x0], $0xffff  }
0x25d: {  	v17 =	vmov s9;
	[tilespmem:s0+$0x1D0] =	vst v23;
	v55 =	vadd.s32 v7, v16;
	v57 =	vmov s2;
	v28 =	vld.idx.msk [tilespmem:v28+s4+$0x0], $0xffff  }
0x25e: {  	s6 =	sadd.s32 $0x4, s2;
	[tilespmem:s0+$0xFFFFFEE0] =	vst v19;
	v29 =	vadd.s32 v0, v10;
	v37 =	vadd.s32 v0, v9;
	v17 =	vand.u32 $0xFFFFFFFE, v17;
	v27 =	vld.idx.msk [tilespmem:v27+s4+$0x0], $0xffff  }
0x25f: {  	s31 =	sadd.s32 $0x5, s2;
	v54 =	vmov s6;
	v26 =	vld.idx.msk [tilespmem:v26+s4+$0x0], $0xffff;
	v19 =	vand.u32 $0xFFFFFFF8, v57;
	v17 =	vbroadcast v17, $0x0;
	[tilespmem:s0+$0xFFFFFF60] =	vst v21  }
0x260: {  	v30 =	vmov s31;
	v56 =	vand.u32 $0xFFFFFFFC, v54;
	v19 =	vbroadcast v19, $0x0;
	[tilespmem:s0+$0xFFFFFFE0] =	vst v20;
	v60 =	vld.idx.msk [tilespmem:v53+s4+$0x0], $0xffff  }
0x261: {  	v59 =	vand.u32 $0xFFFFFFFD, v30;
	v58 =	vbroadcast v56, $0x0;
	[tilespmem:s0+$0x60] =	vst v22;
	v20 =	vld.idx.msk [tilespmem:v13+s4+$0x0], $0xffff  }
0x262: {  	v30 =	vbroadcast v59, $0x0;
	v22 =	vld.idx.msk [tilespmem:v55+s4+$0x0], $0xffff  }
0x263: {  	v35 =	vld.idx.msk [tilespmem:v29+s4+$0x0], $0xffff  }
0x264: {  	v43 =	vld.idx.msk [tilespmem:v37+s4+$0x0], $0xffff;
	[tilespmem:s0+$0xFFFFFE60] =	vst v28;
	v28 =	vadd.s32 v0, v8  }
0x265: {  	v15 =	vadd.s32 v7, v15;
	[tilespmem:s0+$0x170] =	vst v18;
	v16 =	vld.idx.msk [tilespmem:v17+s22+$0x0], $0xffff  }
0x266: {  	v61 =	vadd.s32 v7, v14;
	[tilespmem:s0+$0xE0] =	vst v52;
	v13 =	vld.idx.msk [tilespmem:v19+s22+$0x0], $0xffff  }
0x267: {  	v62 =	vadd.s32 v7, v11;
	[tilespmem:s0+$0x1E0] =	vst v27;
	v14 =	vld.idx.msk [tilespmem:v58+s22+$0x0], $0xffff  }
0x268: {  	v40 =	vadd.s32 v1, v10;
	[tilespmem:s0+$0xFFFFFEF0] =	vst v26;
	v11 =	vld.idx.msk [tilespmem:v30+s22+$0x0], $0xffff  }
0x269: {  	v30 =	vadd.s32 v0, v12;
	[tilespmem:s0+$0xFFFFFF70] =	vst v60;
	v19 =	vld.idx.msk [tilespmem:v28+s4+$0x0], $0xffff  }
0x26a: {  	v39 =	vadd.s32 v1, v8;
	v15 =	vld.idx.msk [tilespmem:v15+s4+$0x0], $0xffff;
	[tilespmem:s0+$0xFFFFFFF0] =	vst v20  }
0x26b: {  	s9 =	sadd.s32 $0x400, s0;
	v21 =	vld.idx.msk [tilespmem:v61+s4+$0x0], $0xffff;
	[tilespmem:s0+$0x70] =	vst v22;
	v63 =	vadd.s32 v0, v16  }
0x26c: {  	v31 =	vld.idx.msk [tilespmem:v62+s4+$0x0], $0xffff;
	[tilespmem:s9+$0xFFFFFF00] =	vst v35;
	v34 =	vadd.s32 v0, v13  }
0x26d: {  	[tilespmem:s9+$0x180] =	vst v43;
	v25 =	vld.idx.msk [tilespmem:v40+s4+$0x0], $0xffff;
	v32 =	vadd.s32 v0, v14  }
0x26e: {  	v33 =	vadd.s32 v0, v11;
	v38 =	vld.idx.msk [tilespmem:v30+s4+$0x0], $0xffff;
	[tilespmem:s9+$0xFFFFFE80] =	vst v19  }
0x26f: {  	v41 =	vadd.s32 v1, v12;
	[tilespmem:s0+$0xF0] =	vst v15;
	v17 =	vld.idx.msk [tilespmem:v39+s4+$0x0], $0xffff  }
0x270: {  	v48 =	vadd.s32 v1, v9;
	[tilespmem:s0+$0xFFFFFE70] =	vst v21;
	v23 =	vld.idx.msk [tilespmem:v63+s4+$0x0], $0xffff  }
0x271: {  	v49 =	vadd.s32 v2, v8;
	[tilespmem:s0+$0x1F0] =	vst v31;
	v22 =	vld.idx.msk [tilespmem:v34+s4+$0x0], $0xffff  }
0x272: {  	v36 =	vadd.s32 v1, v16;
	[tilespmem:s9+$0xFFFFFF10] =	vst v25;
	v18 =	vld.idx.msk [tilespmem:v32+s4+$0x0], $0xffff  }
0x273: {  	v46 =	vadd.s32 v1, v13;
	v20 =	vld.idx.msk [tilespmem:v33+s4+$0x0], $0xffff;
	[tilespmem:s9+$0xFFFFFF80] =	vst v38  }
0x274: {  	v42 =	vadd.s32 v1, v14;
	v47 =	vld.idx.msk [tilespmem:v41+s4+$0x0], $0xffff;
	[tilespmem:s9+$0xFFFFFE90] =	vst v17  }
0x275: {  	v44 =	vadd.s32 v1, v11;
	[tilespmem:s9+$0x100] =	vst v23;
	v23 =	vld.idx.msk [tilespmem:v48+s4+$0x0], $0xffff  }
0x276: {  	v51 =	vadd.s32 v2, v12;
	[tilespmem:s9+$0xFFFFFE00] =	vst v22;
	v22 =	vld.idx.msk [tilespmem:v49+s4+$0x0], $0xffff  }
0x277: {  	v50 =	vadd.s32 v2, v10;
	v24 =	vld.idx.msk [tilespmem:v36+s4+$0x0], $0xffff;
	[tilespmem:s9+$0x0] =	vst v18  }
0x278: {  	v58 =	vadd.s32 v3, v8;
	[tilespmem:s9+$0x80] =	vst v20;
	v52 =	vld.idx.msk [tilespmem:v46+s4+$0x0], $0xffff  }
0x279: {  	v45 =	vadd.s32 v2, v16;
	v19 =	vld.idx.msk [tilespmem:v42+s4+$0x0], $0xffff;
	[tilespmem:s9+$0xFFFFFF90] =	vst v47  }
0x27a: {  	v56 =	vadd.s32 v2, v13;
	v26 =	vld.idx.msk [tilespmem:v44+s4+$0x0], $0xffff;
	[tilespmem:s9+$0x190] =	vst v23  }
0x27b: {  	v57 =	vadd.s32 v2, v9;
	v15 =	vld.idx.msk [tilespmem:v51+s4+$0x0], $0xffff;
	[tilespmem:s9+$0xFFFFFEA0] =	vst v22  }
0x27c: {  	v53 =	vadd.s32 v2, v14;
	[tilespmem:s9+$0x110] =	vst v24;
	v24 =	vld.idx.msk [tilespmem:v50+s4+$0x0], $0xffff  }
0x27d: {  	v55 =	vadd.s32 v2, v11;
	[tilespmem:s9+$0xFFFFFE10] =	vst v52;
	v63 =	vld.idx.msk [tilespmem:v58+s4+$0x0], $0xffff  }
0x27e: {  	v60 =	vadd.s32 v3, v12;
	v21 =	vld.idx.msk [tilespmem:v45+s4+$0x0], $0xffff;
	[tilespmem:s9+$0x10] =	vst v19  }
0x27f: {  	v59 =	vadd.s32 v3, v10;
	[tilespmem:s9+$0x90] =	vst v26;
	v19 =	vld.idx.msk [tilespmem:v56+s4+$0x0], $0xffff  }
0x280: {  	v54 =	vadd.s32 v3, v16;
	v26 =	vld.idx.msk [tilespmem:v57+s4+$0x0], $0xffff;
	[tilespmem:s9+$0xFFFFFFA0] =	vst v15  }
0x281: {  	v29 =	vadd.s32 v3, v13;
	v18 =	vld.idx.msk [tilespmem:v53+s4+$0x0], $0xffff;
	[tilespmem:s9+$0xFFFFFF20] =	vst v24  }
0x282: {  	v31 =	vadd.s32 v4, v8;
	v20 =	vld.idx.msk [tilespmem:v55+s4+$0x0], $0xffff;
	[tilespmem:s9+$0xFFFFFEB0] =	vst v63  }
0x283: {  	v62 =	vadd.s32 v3, v14;
	v23 =	vld.idx.msk [tilespmem:v60+s4+$0x0], $0xffff;
	[tilespmem:s9+$0x120] =	vst v21  }
0x284: {  	v28 =	vadd.s32 v3, v11;
	v17 =	vld.idx.msk [tilespmem:v59+s4+$0x0], $0xffff;
	[tilespmem:s9+$0xFFFFFE20] =	vst v19  }
0x285: {  	v35 =	vadd.s32 v4, v12;
	[tilespmem:s9+$0x1A0] =	vst v26;
	v25 =	vld.idx.msk [tilespmem:v54+s4+$0x0], $0xffff  }
0x286: {  	v30 =	vadd.s32 v3, v9;
	[tilespmem:s9+$0x20] =	vst v18;
	v18 =	vld.idx.msk [tilespmem:v29+s4+$0x0], $0xffff  }
0x287: {  	v33 =	vadd.s32 v4, v10;
	[tilespmem:s9+$0xA0] =	vst v20;
	v20 =	vld.idx.msk [tilespmem:v31+s4+$0x0], $0xffff  }
0x288: {  	v61 =	vadd.s32 v4, v16;
	v32 =	vld.idx.msk [tilespmem:v62+s4+$0x0], $0xffff;
	[tilespmem:s9+$0xFFFFFFB0] =	vst v23  }
0x289: {  	v38 =	vadd.s32 v4, v13;
	v21 =	vld.idx.msk [tilespmem:v28+s4+$0x0], $0xffff;
	[tilespmem:s9+$0xFFFFFF30] =	vst v17  }
0x28a: {  	v40 =	vadd.s32 v5, v8;
	v15 =	vld.idx.msk [tilespmem:v35+s4+$0x0], $0xffff;
	[tilespmem:s9+$0x130] =	vst v25  }
0x28b: {  	v36 =	vadd.s32 v4, v14;
	v25 =	vld.idx.msk [tilespmem:v30+s4+$0x0], $0xffff;
	[tilespmem:s9+$0xFFFFFE30] =	vst v18  }
0x28c: {  	v37 =	vadd.s32 v4, v11;
	v24 =	vld.idx.msk [tilespmem:v33+s4+$0x0], $0xffff;
	[tilespmem:s9+$0xFFFFFEC0] =	vst v20  }
0x28d: {  	v39 =	vadd.s32 v4, v9;
	v22 =	vld.idx.msk [tilespmem:v61+s4+$0x0], $0xffff;
	[tilespmem:s9+$0x30] =	vst v32  }
0x28e: {  	v42 =	vadd.s32 v5, v10;
	[tilespmem:s9+$0xB0] =	vst v21;
	v43 =	vld.idx.msk [tilespmem:v38+s4+$0x0], $0xffff  }
0x28f: {  	v44 =	vadd.s32 v5, v12;
	v21 =	vld.idx.msk [tilespmem:v40+s4+$0x0], $0xffff;
	[tilespmem:s9+$0xFFFFFFC0] =	vst v15  }
0x290: {  	v34 =	vadd.s32 v5, v16;
	v17 =	vld.idx.msk [tilespmem:v36+s4+$0x0], $0xffff;
	[tilespmem:s9+$0x1B0] =	vst v25  }
0x291: {  	v47 =	vadd.s32 v5, v13;
	v23 =	vld.idx.msk [tilespmem:v37+s4+$0x0], $0xffff;
	[tilespmem:s9+$0xFFFFFF40] =	vst v24  }
0x292: {  	v50 =	vadd.s32 v6, v8;
	[tilespmem:s9+$0x140] =	vst v22;
	v19 =	vld.idx.msk [tilespmem:v39+s4+$0x0], $0xffff  }
0x293: {  	v45 =	vadd.s32 v5, v14;
	v48 =	vld.idx.msk [tilespmem:v42+s4+$0x0], $0xffff;
	[tilespmem:s9+$0xFFFFFE40] =	vst v43  }
0x294: {  	v46 =	vadd.s32 v5, v11;
	v22 =	vld.idx.msk [tilespmem:v44+s4+$0x0], $0xffff;
	[tilespmem:s9+$0xFFFFFED0] =	vst v21  }
0x295: {  	v49 =	vadd.s32 v5, v9;
	v26 =	vld.idx.msk [tilespmem:v34+s4+$0x0], $0xffff;
	[tilespmem:s9+$0x40] =	vst v17  }
0x296: {  	v52 =	vadd.s32 v6, v10;
	[tilespmem:s9+$0xC0] =	vst v23;
	v15 =	vld.idx.msk [tilespmem:v47+s4+$0x0], $0xffff  }
0x297: {  	v54 =	vadd.s32 v6, v12;
	v20 =	vld.idx.msk [tilespmem:v50+s4+$0x0], $0xffff;
	[tilespmem:s9+$0x1C0] =	vst v19  }
0x298: {  	v41 =	vadd.s32 v6, v16;
	v51 =	vld.idx.msk [tilespmem:v45+s4+$0x0], $0xffff;
	[tilespmem:s9+$0xFFFFFF50] =	vst v48  }
0x299: {  	v57 =	vadd.s32 v6, v13;
	v53 =	vld.idx.msk [tilespmem:v46+s4+$0x0], $0xffff;
	[tilespmem:s9+$0xFFFFFFD0] =	vst v22  }
0x29a: {  	v8 =	vadd.s32 v7, v8;
	[tilespmem:s9+$0x150] =	vst v26;
	v25 =	vld.idx.msk [tilespmem:v49+s4+$0x0], $0xffff  }
0x29b: {  	v55 =	vadd.s32 v6, v14;
	v19 =	vld.idx.msk [tilespmem:v52+s4+$0x0], $0xffff;
	[tilespmem:s9+$0xFFFFFE50] =	vst v15  }
0x29c: {  	v56 =	vadd.s32 v6, v11;
	v21 =	vld.idx.msk [tilespmem:v54+s4+$0x0], $0xffff;
	[tilespmem:s9+$0xFFFFFEE0] =	vst v20  }
0x29d: {  	v58 =	vadd.s32 v6, v9;
	v18 =	vld.idx.msk [tilespmem:v41+s4+$0x0], $0xffff;
	[tilespmem:s9+$0x50] =	vst v51  }
0x29e: {  	v60 =	vadd.s32 v7, v10;
	[tilespmem:s9+$0xD0] =	vst v53;
	v61 =	vld.idx.msk [tilespmem:v57+s4+$0x0], $0xffff  }
0x29f: {  	v12 =	vadd.s32 v7, v12;
	v8 =	vld.idx.msk [tilespmem:v8+s4+$0x0], $0xffff;
	[tilespmem:s9+$0x1D0] =	vst v25  }
0x2a0: {  	v16 =	vadd.s32 v7, v16;
	v59 =	vld.idx.msk [tilespmem:v55+s4+$0x0], $0xffff;
	[tilespmem:s9+$0xFFFFFF60] =	vst v19  }
0x2a1: {  	v13 =	vadd.s32 v7, v13;
	v17 =	vld.idx.msk [tilespmem:v56+s4+$0x0], $0xffff;
	[tilespmem:s9+$0xFFFFFFE0] =	vst v21  }
0x2a2: {  	v14 =	vadd.s32 v7, v14;
	[tilespmem:s9+$0x160] =	vst v18;
	v62 =	vld.idx.msk [tilespmem:v58+s4+$0x0], $0xffff  }
0x2a3: {  	v11 =	vadd.s32 v7, v11;
	v10 =	vld.idx.msk [tilespmem:v60+s4+$0x0], $0xffff;
	[tilespmem:s9+$0xFFFFFE60] =	vst v61  }
0x2a4: {  	v63 =	vadd.s32 v7, v9;
	v12 =	vld.idx.msk [tilespmem:v12+s4+$0x0], $0xffff;
	[tilespmem:s9+$0xFFFFFEF0] =	vst v8  }
0x2a5: {  	v16 =	vld.idx.msk [tilespmem:v16+s4+$0x0], $0xffff;
	[tilespmem:s9+$0x60] =	vst v59  }
0x2a6: {  	[tilespmem:s9+$0xE0] =	vst v17;
	v13 =	vld.idx.msk [tilespmem:v13+s4+$0x0], $0xffff  }
0x2a7: {  	v14 =	vld.idx.msk [tilespmem:v14+s4+$0x0], $0xffff;
	[tilespmem:s9+$0x1E0] =	vst v62  }
0x2a8: {  	v11 =	vld.idx.msk [tilespmem:v11+s4+$0x0], $0xffff;
	[tilespmem:s9+$0xFFFFFF70] =	vst v10  }
0x2a9: {  	[tilespmem:s9+$0xFFFFFFF0] =	vst v12;
	v8 =	vld.idx.msk [tilespmem:v63+s4+$0x0], $0xffff  }
0x2aa: {  	[tilespmem:s9+$0x170] =	vst v16  }
.Ltmp7:
0x2ab: {  	[tilespmem:s9+$0xFFFFFE70] =	vst v13;
	(pc) =	sbr.rel .LBB2_8-.Ltmp7, $4  }
0x2ac: {  	s30 =	smul.u32 $0x1900, s29;
	[tilespmem:s9+$0x70] =	vst v14  }
0x2ad: {  	[tilespmem:s9+$0xF0] =	vst v11  }
0x2ae: {  	s31 =	sadd.s32 s3, s30;
	[tilespmem:s9+$0x1F0] =	vst v8  }
0x2af: {  	[hbm4b:s31+s4] =	stream.linear.scatter [tilespmem:s23], [sflag:$0x4], $0xC800, $0x38;
	[tilespmem:$0x1C000] =	vst v63  }
.LBB2_10:
0x2b0: {  	_ =	sfence.sel $0x180000  }
0x2b1: {  	[bflag:$0x0] =	sbarrier.arrive $0xFFFF  }
0x2b2: {  	_ =	strace $0x90000047  }
0x2b3: {  	s0 =	stileid.u32;
	[bflag:$0x2] =	sbarrier.arrive $0xFFFF  }
0x2b4: {  	p0 =	sne.s32 s0, $0x0;
	s0 =	rddreg [dreg:$0x2]  }
0x2b5: {  	s0 =	sadd.s32 @!p0 $0x100000, s0  }
0x2b6: {  	[sflag:s0] =	ssyncadd.tile.s32 @!p0 $0x1;
	_ =	shalt  }
.Lfunc_end2:
_tile_overlayer_lowered:
.L_overlay_start_2:
0x2b7: {  	(tag) =	ssettag $0x2  }
0x2b8: {  	s0 =	rddreg [dreg:$0x0];
	s2 =	stileid.u32  }
0x2b9: {  	s1 =	rddreg [dreg:$0x1];
	p0 =	sne.s32 s2, $0x0  }
0x2ba: {  	s3 =	rddreg [dreg:$0x2];
	[bflag:$0x3] =	sbarrier.arrive $0xFFFF;
	s2 =	simm.s32 @!p0 $0x1C05  }
0x2bb: {  	[timem:s3], [sflag:s2] =	dma.local @!p0 [hbm:s0], s1  }
0x2bc: {  	s0 =	simm.s32 @!p0 $0x5  }
0x2bd: {  	_ =	swait.ge @!p0 [sflag:s0], s1  }
0x2be: {  	s1 =	ssub.s32 @!p0 $0x0, s1;
	[sflag:s0] =	ssyncset.done @!p0 $0x0  }
0x2bf: {  	[sflag:s0] =	ssyncadd.s32 @!p0 s1  }
0x2c0: {  	[bflag:$0x3] =	sbarrier.arrive $0xFFFF  }
0x2c1: {  	_ =	shalt  }

</sc_bundles>
